<compile_context>
chip_gen: v7x
topology: tpu7x:2x2x1
jax: 0.10.2.dev20260603
libtpu: 0.0.44.dev20260713+nightly
codegen_flags: <defaults>
</compile_context>

<pallas_src>
import functools

import jax
import jax.numpy as jnp
from jax import lax
from jax.experimental import pallas as pl
from jax.experimental.pallas import tpu as pltpu
from jax.experimental.pallas import tpu_sc as plsc

HIDDEN = 768
INTER = 3072
E = 8
TOP_K = 2

TN = 512
CAP0 = 768
CAP1 = 1344



def _onehot_rows(tok_col, x2b, rows):
    lanes = jax.lax.broadcasted_iota(jnp.int32, (rows, x2b.shape[0]), 1)
    p = (lanes == tok_col).astype(jnp.bfloat16)
    return jax.lax.dot_general(
        p, x2b, (((1,), (0,)), ((), ())),
        preferred_element_type=jnp.float32).astype(jnp.bfloat16)


def _ffn_body(tok_ref, w_ref, x2_ref, gu_g_ref, gu_u_ref, dw_ref, out_ref,
              xs_ref):
    j = pl.program_id(1)

    @pl.when(j == 0)
    def _gather():
        xs_ref[...] = _onehot_rows(tok_ref[...],
                                   x2_ref[...].astype(jnp.bfloat16),
                                   xs_ref.shape[0])

    xb = xs_ref[...]
    hg = jax.lax.dot_general(xb, gu_g_ref[0].astype(jnp.bfloat16),
                             (((1,), (1,)), ((), ())),
                             preferred_element_type=jnp.float32)
    hu = jax.lax.dot_general(xb, gu_u_ref[0].astype(jnp.bfloat16),
                             (((1,), (1,)), ((), ())),
                             preferred_element_type=jnp.float32)
    act = (hg * jax.nn.sigmoid(hg)) * hu * w_ref[...]
    part = jax.lax.dot_general(act.astype(jnp.bfloat16),
                               dw_ref[0].astype(jnp.bfloat16),
                               (((1,), (1,)), ((), ())),
                               preferred_element_type=jnp.float32)

    @pl.when(j == 0)
    def _init():
        out_ref[...] = part

    @pl.when(j != 0)
    def _acc():
        out_ref[...] += part


def _grouped_ffn(tok_buf, wslot, x2, gu_w, down_w, cap):
    nt = INTER // TN
    s = x2.shape[0]
    return pl.pallas_call(
        _ffn_body,
        grid=(E, nt),
        in_specs=[
            pl.BlockSpec((cap, 1), lambda e, j: (e, 0)),
            pl.BlockSpec((cap, 1), lambda e, j: (e, 0)),
            pl.BlockSpec((s, HIDDEN), lambda e, j: (0, 0)),
            pl.BlockSpec((1, TN, HIDDEN), lambda e, j: (e, j, 0)),
            pl.BlockSpec((1, TN, HIDDEN), lambda e, j: (e, nt + j, 0)),
            pl.BlockSpec((1, HIDDEN, TN), lambda e, j: (e, 0, j)),
        ],
        out_specs=pl.BlockSpec((cap, HIDDEN), lambda e, j: (e, 0)),
        out_shape=jax.ShapeDtypeStruct((E * cap, HIDDEN), jnp.float32),
        scratch_shapes=[pltpu.VMEM((cap, HIDDEN), jnp.bfloat16)],
    )(tok_buf, wslot, x2, gu_w, gu_w, down_w)



def _router_body(x_ref, gw_ref, wgt_ref, eid_ref):
    xb = x_ref[...]
    logits = jax.lax.dot_general(xb, gw_ref[...], (((1,), (1,)), ((), ())),
                                 preferred_element_type=jnp.float32)
    m = jnp.max(logits, axis=1, keepdims=True)
    ex = jnp.exp(logits - m)
    p = ex / jnp.sum(ex, axis=1, keepdims=True)
    ids = jax.lax.broadcasted_iota(jnp.int32, p.shape, 1)
    m1 = jnp.max(p, axis=1, keepdims=True)
    i1 = jnp.min(jnp.where(p >= m1, ids, E), axis=1, keepdims=True)
    p2 = jnp.where(ids == i1, -jnp.inf, p)
    m2 = jnp.max(p2, axis=1, keepdims=True)
    i2 = jnp.min(jnp.where(p2 >= m2, ids, E), axis=1, keepdims=True)
    denom = jnp.clip(m1 + m2, 1e-9, None)
    wgt_ref[...] = jnp.concatenate([m1, m2], axis=1) / denom
    eid_ref[...] = jnp.concatenate([i1, i2], axis=1)


def _router(x2, gate_w):
    s = x2.shape[0]
    return pl.pallas_call(
        _router_body,
        out_shape=(jax.ShapeDtypeStruct((s, TOP_K), jnp.float32),
                   jax.ShapeDtypeStruct((s, TOP_K), jnp.int32)),
    )(x2, gate_w)



def _sc_combine(ys, idx_a, idx_b, chunk):
    S, = idx_a.shape
    D = ys.shape[1]
    info = plsc.get_sparse_core_info()
    nc, ns = info.num_cores, info.num_subcores
    nw = nc * ns
    per_w = S // nw
    nch = per_w // chunk
    mesh = plsc.VectorSubcoreMesh(core_axis_name="c", subcore_axis_name="s")

    @functools.partial(
        pl.kernel, mesh=mesh,
        out_type=jax.ShapeDtypeStruct((S, D), jnp.float32),
        scratch_types=[
            pltpu.VMEM((chunk,), jnp.int32),
            pltpu.VMEM((chunk,), jnp.int32),
            pltpu.VMEM((chunk, D), jnp.float32),
            pltpu.VMEM((chunk, D), jnp.float32),
            pltpu.SemaphoreType.DMA,
            pltpu.SemaphoreType.DMA,
        ],
    )
    def k(ys_hbm, ia_hbm, ib_hbm, out_hbm, ia_v, ib_v, ra_v, rb_v, sem, sem2):
        wid = lax.axis_index("s") * nc + lax.axis_index("c")
        base = wid * per_w
        for c in range(nch):
            off = base + c * chunk
            pltpu.sync_copy(ia_hbm.at[pl.ds(off, chunk)], ia_v)
            pltpu.sync_copy(ib_hbm.at[pl.ds(off, chunk)], ib_v)
            cp_a = pltpu.async_copy(ys_hbm.at[ia_v], ra_v, sem)
            cp_b = pltpu.async_copy(ys_hbm.at[ib_v], rb_v, sem2)
            cp_a.wait()
            cp_b.wait()

            def add_row(t, _):
                for d in range(D // 16):
                    sl = pl.ds(d * 16, 16)
                    ra_v[t, sl] = ra_v[t, sl] + rb_v[t, sl]
                return 0

            lax.fori_loop(0, chunk, add_row, 0)
            pltpu.sync_copy(ra_v, out_hbm.at[pl.ds(off, chunk)])

    return k(ys, idx_a, idx_b)



def kernel(x, gate_w, gu_w, down_w):
    b, s, h = x.shape
    x2 = x.reshape(s, h)

    topw, topi = _router(x2, gate_w)
    wgt = topw.reshape(-1)
    eid = topi.reshape(-1)
    tok = (jnp.arange(2 * s, dtype=jnp.int32) // 2)

    onehot = (eid[:, None] == jnp.arange(E, dtype=jnp.int32)[None, :]).astype(jnp.int32)
    rank = jnp.take_along_axis(jnp.cumsum(onehot, axis=0), eid[:, None], 1)[:, 0] - 1
    in0 = rank < CAP0
    m0 = E * CAP0
    slot0 = eid * CAP0 + rank
    slot0_c = eid * CAP0 + jnp.minimum(rank, CAP0 - 1)

    scat0 = jnp.where(in0, slot0, m0)
    tok_buf0 = jnp.zeros((m0,), jnp.int32).at[scat0].set(tok, mode='drop')
    w_buf0 = jnp.zeros((m0,), jnp.float32).at[scat0].set(wgt, mode='drop')

    ys0 = _grouped_ffn(tok_buf0.reshape(m0, 1), w_buf0.reshape(m0, 1),
                       x2, gu_w, down_w, CAP0)

    out_fast = _sc_combine(ys0, slot0_c[0::2], slot0_c[1::2], 32)

    def _slow(_):
        g0 = ys0[jnp.where(in0, slot0, 0)] * in0[:, None].astype(jnp.float32)
        m1 = E * CAP1
        slot1 = eid * CAP1 + (rank - CAP0)
        scat1 = jnp.where(in0, m1, slot1)
        tok_buf1 = jnp.zeros((m1,), jnp.int32).at[scat1].set(tok, mode='drop')
        w_buf1 = jnp.zeros((m1,), jnp.float32).at[scat1].set(wgt, mode='drop')
        ys1 = _grouped_ffn(tok_buf1.reshape(m1, 1), w_buf1.reshape(m1, 1),
                           x2, gu_w, down_w, CAP1)
        g1 = ys1[jnp.where(in0, 0, slot1)] * (~in0)[:, None].astype(jnp.float32)
        return (g0 + g1).reshape(s, TOP_K, h).sum(axis=1)

    out = jax.lax.cond(jnp.any(~in0), _slow, lambda _: out_fast, 0)
    return out.reshape(b, s, h)

# --- scband reference (transcript-rebuilt; emitter-appended) ---
"""Pipeline reference for scband-mo-e-73985106641134 (READ-ONLY COPY).

The authoritative reference and input builder live on the scoring server;
editing this copy changes nothing except your own understanding.
"""

import jax, jax.numpy as jnp
import numpy as np

HIDDEN = 768
INTER = 3072
E = 8
TOP_K = 2


def setup_inputs(seed: int = 0) -> dict:
    key = jax.random.key(seed)
    ks = jax.random.split(key, 4)
    x = jax.random.normal(ks[0], (1, 2048, HIDDEN), dtype=jnp.float32)
    gate_w = jax.random.normal(ks[1], (E, HIDDEN), dtype=jnp.float32) * 0.02
    gu_w = jax.random.normal(ks[2], (E, 2 * INTER, HIDDEN), dtype=jnp.float32) * 0.02
    down_w = jax.random.normal(ks[3], (E, HIDDEN, INTER), dtype=jnp.float32) * 0.02
    return {"x": x, "gate_w": gate_w, "gu_w": gu_w, "down_w": down_w}


def reference(x, gate_w, gu_w, down_w):
    # router: gate = nn.Linear(hidden, E, bias=False)
    gate_logits = jnp.einsum('bsh,eh->bse', x, gate_w)
    gate_probs = jax.nn.softmax(gate_logits, axis=-1)
    # top-k masking + renormalization (top_k=2 < num_experts=8)
    topk_vals, topk_idx = jax.lax.top_k(gate_probs, TOP_K)
    masked = jnp.sum(jax.nn.one_hot(topk_idx, E, dtype=gate_probs.dtype) * topk_vals[..., None], axis=-2)
    denom = jnp.clip(jnp.sum(masked, axis=-1, keepdims=True), 1e-9, None)
    gate_probs = masked / denom
    # dense per-expert SwiGLU FFN, stacked over experts (faithful to torch.stack over ModuleList)
    gu = jnp.einsum('bsh,efh->bsef', x, gu_w)  # [b, s, E, 2*INTER]
    gate_h = gu[..., :INTER]
    up_h = gu[..., INTER:]
    act = jax.nn.silu(gate_h) * up_h  # [b, s, E, INTER]
    expert_outputs = jnp.einsum('bsei,ehi->ebsh', act, down_w)  # [E, b, s, hidden]
    out = jnp.einsum('bse,ebsh->bsh', gate_probs, expert_outputs)
    return out

if __name__ == "__main__":
    import jax
    _d = setup_inputs()
    print(jax.jit(kernel)(*tuple(_d.values())))

</pallas_src>

<mosaic_0001>
#map = affine_map<(d0, d1) -> (0, 0)>
#map1 = affine_map<(d0, d1) -> (0)>
module attributes {stable_mosaic.version = 14 : i64} {
  func.func @k(%arg0: i32, %arg1: i32, %arg2: memref<6144x768xf32, #tpu.memory_space<hbm>>, %arg3: memref<2048xi32, #tpu.memory_space<hbm>>, %arg4: memref<2048xi32, #tpu.memory_space<hbm>>, %arg5: memref<2048x768xf32, #tpu.memory_space<hbm>>, %arg6: memref<32xi32, #tpu.memory_space<vmem>>, %arg7: memref<32xi32, #tpu.memory_space<vmem>>, %arg8: memref<32x768xf32, #tpu.memory_space<vmem>>, %arg9: memref<32x768xf32, #tpu.memory_space<vmem>>, %arg10: memref<!tpu.dma_semaphore, #tpu.memory_space<semaphore_mem>>, %arg11: memref<!tpu.dma_semaphore, #tpu.memory_space<semaphore_mem>>) attributes {dimension_semantics = [#tpu.dimension_semantics<core_parallel>, #tpu.dimension_semantics<subcore_parallel>], iteration_bounds = array<i64: 2, 16>, scalar_prefetch = 0 : i64, scratch_operands = 6 : i64, tpu.core_type = #tpu.core_type<sc_vector_subcore>, window_params = [{transform_indices = #map}, {transform_indices = #map1}, {transform_indices = #map1}, {transform_indices = #map}]} {
    %mul3A = arith.constant 2 : i32
    %mul3A_0 = arith.muli %arg1, %mul3A : i32
    %add3A = arith.addi %mul3A_0, %arg0 : i32
    %mul3A_1 = arith.constant 64 : i32
    %mul3A_2 = arith.muli %add3A, %mul3A_1 : i32
    %add3A_3 = arith.constant 0 : i32
    %add3A_4 = arith.addi %mul3A_2, %add3A_3 : i32
    "tpu.region"() ({
      %run_scoped3A = tpu.sem_alloc : memref<!tpu.dma_semaphore, #tpu.memory_space<semaphore_mem>>
      %dma_start3A_42 = tpu.memref_slice %arg3[%add3A_4] : memref<2048xi32, #tpu.memory_space<hbm>> -> memref<32xi32, #tpu.memory_space<hbm>>
      %dma_start3A_43 = tpu.memref_slice %arg3[%add3A_4] : memref<2048xi32, #tpu.memory_space<hbm>> -> memref<32xi32, #tpu.memory_space<hbm>>
      tpu.enqueue_dma source(%dma_start3A_43 : memref<32xi32, #tpu.memory_space<hbm>>) target(%arg6 : memref<32xi32, #tpu.memory_space<vmem>>) target_semaphore(%run_scoped3A : memref<!tpu.dma_semaphore, #tpu.memory_space<semaphore_mem>>)
      %dma_wait3A_44 = tpu.memref_slice %arg3[%add3A_4] : memref<2048xi32, #tpu.memory_space<hbm>> -> memref<32xi32, #tpu.memory_space<hbm>>
      %dma_wait3A_45 = tpu.memref_slice %arg3[%add3A_4] : memref<2048xi32, #tpu.memory_space<hbm>> -> memref<32xi32, #tpu.memory_space<hbm>>
      tpu.wait_dma2 semaphore(%run_scoped3A : memref<!tpu.dma_semaphore, #tpu.memory_space<semaphore_mem>>) src(%dma_wait3A_45 : memref<32xi32, #tpu.memory_space<hbm>>) dst(%arg6 : memref<32xi32, #tpu.memory_space<vmem>>)
      tpu.yield
    }) : () -> ()
    "tpu.region"() ({
      %run_scoped3A = tpu.sem_alloc : memref<!tpu.dma_semaphore, #tpu.memory_space<semaphore_mem>>
      %dma_start3A_42 = tpu.memref_slice %arg4[%add3A_4] : memref<2048xi32, #tpu.memory_space<hbm>> -> memref<32xi32, #tpu.memory_space<hbm>>
      %dma_start3A_43 = tpu.memref_slice %arg4[%add3A_4] : memref<2048xi32, #tpu.memory_space<hbm>> -> memref<32xi32, #tpu.memory_space<hbm>>
      tpu.enqueue_dma source(%dma_start3A_43 : memref<32xi32, #tpu.memory_space<hbm>>) target(%arg7 : memref<32xi32, #tpu.memory_space<vmem>>) target_semaphore(%run_scoped3A : memref<!tpu.dma_semaphore, #tpu.memory_space<semaphore_mem>>)
      %dma_wait3A_44 = tpu.memref_slice %arg4[%add3A_4] : memref<2048xi32, #tpu.memory_space<hbm>> -> memref<32xi32, #tpu.memory_space<hbm>>
      %dma_wait3A_45 = tpu.memref_slice %arg4[%add3A_4] : memref<2048xi32, #tpu.memory_space<hbm>> -> memref<32xi32, #tpu.memory_space<hbm>>
      tpu.wait_dma2 semaphore(%run_scoped3A : memref<!tpu.dma_semaphore, #tpu.memory_space<semaphore_mem>>) src(%dma_wait3A_45 : memref<32xi32, #tpu.memory_space<hbm>>) dst(%arg7 : memref<32xi32, #tpu.memory_space<vmem>>)
      tpu.yield
    }) : () -> ()
    %dma_start3A = arith.constant 0 : i32
    %dma_start3A_5 = arith.constant 0 : i32
    %dma_start3A_6 = tpu.memref_slice %arg2[%dma_start3A, %dma_start3A_5] : memref<6144x768xf32, #tpu.memory_space<hbm>> -> memref<6144x768xf32, #tpu.memory_space<hbm>>
    tpu.enqueue_indirect_dma source(%dma_start3A_6 : memref<6144x768xf32, #tpu.memory_space<hbm>>) target(%arg8 : memref<32x768xf32, #tpu.memory_space<vmem>>) offsets(%arg6 : memref<32xi32, #tpu.memory_space<vmem>>) semaphore(%arg10 : memref<!tpu.dma_semaphore, #tpu.memory_space<semaphore_mem>>)
    %dma_start3A_7 = arith.constant 0 : i32
    %dma_start3A_8 = arith.constant 0 : i32
    %dma_start3A_9 = tpu.memref_slice %arg2[%dma_start3A_7, %dma_start3A_8] : memref<6144x768xf32, #tpu.memory_space<hbm>> -> memref<6144x768xf32, #tpu.memory_space<hbm>>
    tpu.enqueue_indirect_dma source(%dma_start3A_9 : memref<6144x768xf32, #tpu.memory_space<hbm>>) target(%arg9 : memref<32x768xf32, #tpu.memory_space<vmem>>) offsets(%arg7 : memref<32xi32, #tpu.memory_space<vmem>>) semaphore(%arg11 : memref<!tpu.dma_semaphore, #tpu.memory_space<semaphore_mem>>)
    %dma_wait3A = arith.constant 0 : i32
    %dma_wait3A_10 = arith.constant 0 : i32
    %dma_wait3A_11 = tpu.memref_slice %arg2[%dma_wait3A, %dma_wait3A_10] : memref<6144x768xf32, #tpu.memory_space<hbm>> -> memref<6144x768xf32, #tpu.memory_space<hbm>>
    tpu.wait_indirect_dma semaphore(%arg10 : memref<!tpu.dma_semaphore, #tpu.memory_space<semaphore_mem>>) src(%dma_wait3A_11 : memref<6144x768xf32, #tpu.memory_space<hbm>>) dst(%arg8 : memref<32x768xf32, #tpu.memory_space<vmem>>)
    %dma_wait3A_12 = arith.constant 0 : i32
    %dma_wait3A_13 = arith.constant 0 : i32
    %dma_wait3A_14 = tpu.memref_slice %arg2[%dma_wait3A_12, %dma_wait3A_13] : memref<6144x768xf32, #tpu.memory_space<hbm>> -> memref<6144x768xf32, #tpu.memory_space<hbm>>
    tpu.wait_indirect_dma semaphore(%arg11 : memref<!tpu.dma_semaphore, #tpu.memory_space<semaphore_mem>>) src(%dma_wait3A_14 : memref<6144x768xf32, #tpu.memory_space<hbm>>) dst(%arg9 : memref<32x768xf32, #tpu.memory_space<vmem>>)
    %scan3A = arith.constant 0 : i32
    %scan3A_15 = arith.constant 0 : i32
    %scan3A_16 = arith.constant 32 : i32
    %scan3A_17 = arith.addi %scan3A_15, %scan3A_16 : i32
    %scan3A_18 = arith.constant 1 : i32
    %scan3A_19 = scf.for %scan3A_42 = %scan3A_15 to %scan3A_17 step %scan3A_18 iter_args(%scan3A_43 = %scan3A) -> (i32)  : i32 {
      %get3A = arith.index_cast %scan3A_42 : i32 to index
      %get3A_44 = arith.constant 0 : index
      %get3A_45 = tpu.vector_load %arg8[%get3A, %get3A_44] {strides = array<i32>} : memref<32x768xf32, #tpu.memory_space<vmem>>, vector<1x16xf32>,
      %get3A_46 = vector.shape_cast %get3A_45 : vector<1x16xf32> to vector<16xf32>
      %get3A_47 = arith.index_cast %scan3A_42 : i32 to index
      %get3A_48 = arith.constant 0 : index
      %get3A_49 = tpu.vector_load %arg9[%get3A_47, %get3A_48] {strides = array<i32>} : memref<32x768xf32, #tpu.memory_space<vmem>>, vector<1x16xf32>,
      %get3A_50 = vector.shape_cast %get3A_49 : vector<1x16xf32> to vector<16xf32>
      %add3A_51 = arith.addf %get3A_46, %get3A_50 : vector<16xf32>
      %swap3A = arith.index_cast %scan3A_42 : i32 to index
      %swap3A_52 = arith.constant 0 : index
      %swap3A_53 = tpu.vector_load %arg8[%swap3A, %swap3A_52] {strides = array<i32>} : memref<32x768xf32, #tpu.memory_space<vmem>>, vector<1x16xf32>,
      %swap3A_54 = vector.shape_cast %swap3A_53 : vector<1x16xf32> to vector<16xf32>
      %swap3A_55 = vector.shape_cast %add3A_51 : vector<16xf32> to vector<1x16xf32>
      tpu.vector_store %arg8[%swap3A, %swap3A_52], %swap3A_55 {strides = array<i32>} : memref<32x768xf32, #tpu.memory_space<vmem>>, vector<1x16xf32>,
      %get3A_56 = arith.index_cast %scan3A_42 : i32 to index
      %get3A_57 = arith.constant 16 : index
      %get3A_58 = tpu.vector_load %arg8[%get3A_56, %get3A_57] {strides = array<i32>} : memref<32x768xf32, #tpu.memory_space<vmem>>, vector<1x16xf32>,
      %get3A_59 = vector.shape_cast %get3A_58 : vector<1x16xf32> to vector<16xf32>
      %get3A_60 = arith.index_cast %scan3A_42 : i32 to index
      %get3A_61 = arith.constant 16 : index
      %get3A_62 = tpu.vector_load %arg9[%get3A_60, %get3A_61] {strides = array<i32>} : memref<32x768xf32, #tpu.memory_space<vmem>>, vector<1x16xf32>,
      %get3A_63 = vector.shape_cast %get3A_62 : vector<1x16xf32> to vector<16xf32>
      %add3A_64 = arith.addf %get3A_59, %get3A_63 : vector<16xf32>
      %swap3A_65 = arith.index_cast %scan3A_42 : i32 to index
      %swap3A_66 = arith.constant 16 : index
      %swap3A_67 = tpu.vector_load %arg8[%swap3A_65, %swap3A_66] {strides = array<i32>} : memref<32x768xf32, #tpu.memory_space<vmem>>, vector<1x16xf32>,
      %swap3A_68 = vector.shape_cast %swap3A_67 : vector<1x16xf32> to vector<16xf32>
      %swap3A_69 = vector.shape_cast %add3A_64 : vector<16xf32> to vector<1x16xf32>
      tpu.vector_store %arg8[%swap3A_65, %swap3A_66], %swap3A_69 {strides = array<i32>} : memref<32x768xf32, #tpu.memory_space<vmem>>, vector<1x16xf32>,
      %get3A_70 = arith.index_cast %scan3A_42 : i32 to index
      %get3A_71 = arith.constant 32 : index
      %get3A_72 = tpu.vector_load %arg8[%get3A_70, %get3A_71] {strides = array<i32>} : memref<32x768xf32, #tpu.memory_space<vmem>>, vector<1x16xf32>,
      %get3A_73 = vector.shape_cast %get3A_72 : vector<1x16xf32> to vector<16xf32>
      %get3A_74 = arith.index_cast %scan3A_42 : i32 to index
      %get3A_75 = arith.constant 32 : index
      %get3A_76 = tpu.vector_load %arg9[%get3A_74, %get3A_75] {strides = array<i32>} : memref<32x768xf32, #tpu.memory_space<vmem>>, vector<1x16xf32>,
      %get3A_77 = vector.shape_cast %get3A_76 : vector<1x16xf32> to vector<16xf32>
      %add3A_78 = arith.addf %get3A_73, %get3A_77 : vector<16xf32>
      %swap3A_79 = arith.index_cast %scan3A_42 : i32 to index
      %swap3A_80 = arith.constant 32 : index
      %swap3A_81 = tpu.vector_load %arg8[%swap3A_79, %swap3A_80] {strides = array<i32>} : memref<32x768xf32, #tpu.memory_space<vmem>>, vector<1x16xf32>,
      %swap3A_82 = vector.shape_cast %swap3A_81 : vector<1x16xf32> to vector<16xf32>
      %swap3A_83 = vector.shape_cast %add3A_78 : vector<16xf32> to vector<1x16xf32>
      tpu.vector_store %arg8[%swap3A_79, %swap3A_80], %swap3A_83 {strides = array<i32>} : memref<32x768xf32, #tpu.memory_space<vmem>>, vector<1x16xf32>,
      %get3A_84 = arith.index_cast %scan3A_42 : i32 to index
      %get3A_85 = arith.constant 48 : index
      %get3A_86 = tpu.vector_load %arg8[%get3A_84, %get3A_85] {strides = array<i32>} : memref<32x768xf32, #tpu.memory_space<vmem>>, vector<1x16xf32>,
      %get3A_87 = vector.shape_cast %get3A_86 : vector<1x16xf32> to vector<16xf32>
      %get3A_88 = arith.index_cast %scan3A_42 : i32 to index
      %get3A_89 = arith.constant 48 : index
      %get3A_90 = tpu.vector_load %arg9[%get3A_88, %get3A_89] {strides = array<i32>} : memref<32x768xf32, #tpu.memory_space<vmem>>, vector<1x16xf32>,
      %get3A_91 = vector.shape_cast %get3A_90 : vector<1x16xf32> to vector<16xf32>
      %add3A_92 = arith.addf %get3A_87, %get3A_91 : vector<16xf32>
      %swap3A_93 = arith.index_cast %scan3A_42 : i32 to index
      %swap3A_94 = arith.constant 48 : index
      %swap3A_95 = tpu.vector_load %arg8[%swap3A_93, %swap3A_94] {strides = array<i32>} : memref<32x768xf32, #tpu.memory_space<vmem>>, vector<1x16xf32>,
      %swap3A_96 = vector.shape_cast %swap3A_95 : vector<1x16xf32> to vector<16xf32>
      %swap3A_97 = vector.shape_cast %add3A_92 : vector<16xf32> to vector<1x16xf32>
      tpu.vector_store %arg8[%swap3A_93, %swap3A_94], %swap3A_97 {strides = array<i32>} : memref<32x768xf32, #tpu.memory_space<vmem>>, vector<1x16xf32>,
      %get3A_98 = arith.index_cast %scan3A_42 : i32 to index
      %get3A_99 = arith.constant 64 : index
      %get3A_100 = tpu.vector_load %arg8[%get3A_98, %get3A_99] {strides = array<i32>} : memref<32x768xf32, #tpu.memory_space<vmem>>, vector<1x16xf32>,
      %get3A_101 = vector.shape_cast %get3A_100 : vector<1x16xf32> to vector<16xf32>
      %get3A_102 = arith.index_cast %scan3A_42 : i32 to index
      %get3A_103 = arith.constant 64 : index
      %get3A_104 = tpu.vector_load %arg9[%get3A_102, %get3A_103] {strides = array<i32>} : memref<32x768xf32, #tpu.memory_space<vmem>>, vector<1x16xf32>,
      %get3A_105 = vector.shape_cast %get3A_104 : vector<1x16xf32> to vector<16xf32>
      %add3A_106 = arith.addf %get3A_101, %get3A_105 : vector<16xf32>
      %swap3A_107 = arith.index_cast %scan3A_42 : i32 to index
      %swap3A_108 = arith.constant 64 : index
      %swap3A_109 = tpu.vector_load %arg8[%swap3A_107, %swap3A_108] {strides = array<i32>} : memref<32x768xf32, #tpu.memory_space<vmem>>, vector<1x16xf32>,
      %swap3A_110 = vector.shape_cast %swap3A_109 : vector<1x16xf32> to vector<16xf32>
      %swap3A_111 = vector.shape_cast %add3A_106 : vector<16xf32> to vector<1x16xf32>
      tpu.vector_store %arg8[%swap3A_107, %swap3A_108], %swap3A_111 {strides = array<i32>} : memref<32x768xf32, #tpu.memory_space<vmem>>, vector<1x16xf32>,
      %get3A_112 = arith.index_cast %scan3A_42 : i32 to index
      %get3A_113 = arith.constant 80 : index
      %get3A_114 = tpu.vector_load %arg8[%get3A_112, %get3A_113] {strides = array<i32>} : memref<32x768xf32, #tpu.memory_space<vmem>>, vector<1x16xf32>,
      %get3A_115 = vector.shape_cast %get3A_114 : vector<1x16xf32> to vector<16xf32>
      %get3A_116 = arith.index_cast %scan3A_42 : i32 to index
      %get3A_117 = arith.constant 80 : index
      %get3A_118 = tpu.vector_load %arg9[%get3A_116, %get3A_117] {strides = array<i32>} : memref<32x768xf32, #tpu.memory_space<vmem>>, vector<1x16xf32>,
      %get3A_119 = vector.shape_cast %get3A_118 : vector<1x16xf32> to vector<16xf32>
      %add3A_120 = arith.addf %get3A_115, %get3A_119 : vector<16xf32>
      %swap3A_121 = arith.index_cast %scan3A_42 : i32 to index
      %swap3A_122 = arith.constant 80 : index
      %swap3A_123 = tpu.vector_load %arg8[%swap3A_121, %swap3A_122] {strides = array<i32>} : memref<32x768xf32, #tpu.memory_space<vmem>>, vector<1x16xf32>,
      %swap3A_124 = vector.shape_cast %swap3A_123 : vector<1x16xf32> to vector<16xf32>
      %swap3A_125 = vector.shape_cast %add3A_120 : vector<16xf32> to vector<1x16xf32>
      tpu.vector_store %arg8[%swap3A_121, %swap3A_122], %swap3A_125 {strides = array<i32>} : memref<32x768xf32, #tpu.memory_space<vmem>>, vector<1x16xf32>,
      %get3A_126 = arith.index_cast %scan3A_42 : i32 to index
      %get3A_127 = arith.constant 96 : index
      %get3A_128 = tpu.vector_load %arg8[%get3A_126, %get3A_127] {strides = array<i32>} : memref<32x768xf32, #tpu.memory_space<vmem>>, vector<1x16xf32>,
      %get3A_129 = vector.shape_cast %get3A_128 : vector<1x16xf32> to vector<16xf32>
      %get3A_130 = arith.index_cast %scan3A_42 : i32 to index
      %get3A_131 = arith.constant 96 : index
      %get3A_132 = tpu.vector_load %arg9[%get3A_130, %get3A_131] {strides = array<i32>} : memref<32x768xf32, #tpu.memory_space<vmem>>, vector<1x16xf32>,
      %get3A_133 = vector.shape_cast %get3A_132 : vector<1x16xf32> to vector<16xf32>
      %add3A_134 = arith.addf %get3A_129, %get3A_133 : vector<16xf32>
      %swap3A_135 = arith.index_cast %scan3A_42 : i32 to index
      %swap3A_136 = arith.constant 96 : index
      %swap3A_137 = tpu.vector_load %arg8[%swap3A_135, %swap3A_136] {strides = array<i32>} : memref<32x768xf32, #tpu.memory_space<vmem>>, vector<1x16xf32>,
      %swap3A_138 = vector.shape_cast %swap3A_137 : vector<1x16xf32> to vector<16xf32>
      %swap3A_139 = vector.shape_cast %add3A_134 : vector<16xf32> to vector<1x16xf32>
      tpu.vector_store %arg8[%swap3A_135, %swap3A_136], %swap3A_139 {strides = array<i32>} : memref<32x768xf32, #tpu.memory_space<vmem>>, vector<1x16xf32>,
      %get3A_140 = arith.index_cast %scan3A_42 : i32 to index
      %get3A_141 = arith.constant 112 : index
      %get3A_142 = tpu.vector_load %arg8[%get3A_140, %get3A_141] {strides = array<i32>} : memref<32x768xf32, #tpu.memory_space<vmem>>, vector<1x16xf32>,
      %get3A_143 = vector.shape_cast %get3A_142 : vector<1x16xf32> to vector<16xf32>
      %get3A_144 = arith.index_cast %scan3A_42 : i32 to index
      %get3A_145 = arith.constant 112 : index
      %get3A_146 = tpu.vector_load %arg9[%get3A_144, %get3A_145] {strides = array<i32>} : memref<32x768xf32, #tpu.memory_space<vmem>>, vector<1x16xf32>,
      %get3A_147 = vector.shape_cast %get3A_146 : vector<1x16xf32> to vector<16xf32>
      %add3A_148 = arith.addf %get3A_143, %get3A_147 : vector<16xf32>
      %swap3A_149 = arith.index_cast %scan3A_42 : i32 to index
      %swap3A_150 = arith.constant 112 : index
      %swap3A_151 = tpu.vector_load %arg8[%swap3A_149, %swap3A_150] {strides = array<i32>} : memref<32x768xf32, #tpu.memory_space<vmem>>, vector<1x16xf32>,
      %swap3A_152 = vector.shape_cast %swap3A_151 : vector<1x16xf32> to vector<16xf32>
      %swap3A_153 = vector.shape_cast %add3A_148 : vector<16xf32> to vector<1x16xf32>
      tpu.vector_store %arg8[%swap3A_149, %swap3A_150], %swap3A_153 {strides = array<i32>} : memref<32x768xf32, #tpu.memory_space<vmem>>, vector<1x16xf32>,
      %get3A_154 = arith.index_cast %scan3A_42 : i32 to index
      %get3A_155 = arith.constant 128 : index
      %get3A_156 = tpu.vector_load %arg8[%get3A_154, %get3A_155] {strides = array<i32>} : memref<32x768xf32, #tpu.memory_space<vmem>>, vector<1x16xf32>,
      %get3A_157 = vector.shape_cast %get3A_156 : vector<1x16xf32> to vector<16xf32>
      %get3A_158 = arith.index_cast %scan3A_42 : i32 to index
      %get3A_159 = arith.constant 128 : index
      %get3A_160 = tpu.vector_load %arg9[%get3A_158, %get3A_159] {strides = array<i32>} : memref<32x768xf32, #tpu.memory_space<vmem>>, vector<1x16xf32>,
      %get3A_161 = vector.shape_cast %get3A_160 : vector<1x16xf32> to vector<16xf32>
      %add3A_162 = arith.addf %get3A_157, %get3A_161 : vector<16xf32>
      %swap3A_163 = arith.index_cast %scan3A_42 : i32 to index
      %swap3A_164 = arith.constant 128 : index
      %swap3A_165 = tpu.vector_load %arg8[%swap3A_163, %swap3A_164] {strides = array<i32>} : memref<32x768xf32, #tpu.memory_space<vmem>>, vector<1x16xf32>,
      %swap3A_166 = vector.shape_cast %swap3A_165 : vector<1x16xf32> to vector<16xf32>
      %swap3A_167 = vector.shape_cast %add3A_162 : vector<16xf32> to vector<1x16xf32>
      tpu.vector_store %arg8[%swap3A_163, %swap3A_164], %swap3A_167 {strides = array<i32>} : memref<32x768xf32, #tpu.memory_space<vmem>>, vector<1x16xf32>,
      %get3A_168 = arith.index_cast %scan3A_42 : i32 to index
      %get3A_169 = arith.constant 144 : index
      %get3A_170 = tpu.vector_load %arg8[%get3A_168, %get3A_169] {strides = array<i32>} : memref<32x768xf32, #tpu.memory_space<vmem>>, vector<1x16xf32>,
      %get3A_171 = vector.shape_cast %get3A_170 : vector<1x16xf32> to vector<16xf32>
      %get3A_172 = arith.index_cast %scan3A_42 : i32 to index
      %get3A_173 = arith.constant 144 : index
      %get3A_174 = tpu.vector_load %arg9[%get3A_172, %get3A_173] {strides = array<i32>} : memref<32x768xf32, #tpu.memory_space<vmem>>, vector<1x16xf32>,
      %get3A_175 = vector.shape_cast %get3A_174 : vector<1x16xf32> to vector<16xf32>
      %add3A_176 = arith.addf %get3A_171, %get3A_175 : vector<16xf32>
      %swap3A_177 = arith.index_cast %scan3A_42 : i32 to index
      %swap3A_178 = arith.constant 144 : index
      %swap3A_179 = tpu.vector_load %arg8[%swap3A_177, %swap3A_178] {strides = array<i32>} : memref<32x768xf32, #tpu.memory_space<vmem>>, vector<1x16xf32>,
      %swap3A_180 = vector.shape_cast %swap3A_179 : vector<1x16xf32> to vector<16xf32>
      %swap3A_181 = vector.shape_cast %add3A_176 : vector<16xf32> to vector<1x16xf32>
      tpu.vector_store %arg8[%swap3A_177, %swap3A_178], %swap3A_181 {strides = array<i32>} : memref<32x768xf32, #tpu.memory_space<vmem>>, vector<1x16xf32>,
      %get3A_182 = arith.index_cast %scan3A_42 : i32 to index
      %get3A_183 = arith.constant 160 : index
      %get3A_184 = tpu.vector_load %arg8[%get3A_182, %get3A_183] {strides = array<i32>} : memref<32x768xf32, #tpu.memory_space<vmem>>, vector<1x16xf32>,
      %get3A_185 = vector.shape_cast %get3A_184 : vector<1x16xf32> to vector<16xf32>
      %get3A_186 = arith.index_cast %scan3A_42 : i32 to index
      %get3A_187 = arith.constant 160 : index
      %get3A_188 = tpu.vector_load %arg9[%get3A_186, %get3A_187] {strides = array<i32>} : memref<32x768xf32, #tpu.memory_space<vmem>>, vector<1x16xf32>,
      %get3A_189 = vector.shape_cast %get3A_188 : vector<1x16xf32> to vector<16xf32>
      %add3A_190 = arith.addf %get3A_185, %get3A_189 : vector<16xf32>
      %swap3A_191 = arith.index_cast %scan3A_42 : i32 to index
      %swap3A_192 = arith.constant 160 : index
      %swap3A_193 = tpu.vector_load %arg8[%swap3A_191, %swap3A_192] {strides = array<i32>} : memref<32x768xf32, #tpu.memory_space<vmem>>, vector<1x16xf32>,
      %swap3A_194 = vector.shape_cast %swap3A_193 : vector<1x16xf32> to vector<16xf32>
      %swap3A_195 = vector.shape_cast %add3A_190 : vector<16xf32> to vector<1x16xf32>
      tpu.vector_store %arg8[%swap3A_191, %swap3A_192], %swap3A_195 {strides = array<i32>} : memref<32x768xf32, #tpu.memory_space<vmem>>, vector<1x16xf32>,
      %get3A_196 = arith.index_cast %scan3A_42 : i32 to index
      %get3A_197 = arith.constant 176 : index
      %get3A_198 = tpu.vector_load %arg8[%get3A_196, %get3A_197] {strides = array<i32>} : memref<32x768xf32, #tpu.memory_space<vmem>>, vector<1x16xf32>,
      %get3A_199 = vector.shape_cast %get3A_198 : vector<1x16xf32> to vector<16xf32>
      %get3A_200 = arith.index_cast %scan3A_42 : i32 to index
      %get3A_201 = arith.constant 176 : index
      %get3A_202 = tpu.vector_load %arg9[%get3A_200, %get3A_201] {strides = array<i32>} : memref<32x768xf32, #tpu.memory_space<vmem>>, vector<1x16xf32>,
      %get3A_203 = vector.shape_cast %get3A_202 : vector<1x16xf32> to vector<16xf32>
      %add3A_204 = arith.addf %get3A_199, %get3A_203 : vector<16xf32>
      %swap3A_205 = arith.index_cast %scan3A_42 : i32 to index
      %swap3A_206 = arith.constant 176 : index
      %swap3A_207 = tpu.vector_load %arg8[%swap3A_205, %swap3A_206] {strides = array<i32>} : memref<32x768xf32, #tpu.memory_space<vmem>>, vector<1x16xf32>,
      %swap3A_208 = vector.shape_cast %swap3A_207 : vector<1x16xf32> to vector<16xf32>
      %swap3A_209 = vector.shape_cast %add3A_204 : vector<16xf32> to vector<1x16xf32>
      tpu.vector_store %arg8[%swap3A_205, %swap3A_206], %swap3A_209 {strides = array<i32>} : memref<32x768xf32, #tpu.memory_space<vmem>>, vector<1x16xf32>,
      %get3A_210 = arith.index_cast %scan3A_42 : i32 to index
      %get3A_211 = arith.constant 192 : index
      %get3A_212 = tpu.vector_load %arg8[%get3A_210, %get3A_211] {strides = array<i32>} : memref<32x768xf32, #tpu.memory_space<vmem>>, vector<1x16xf32>,
      %get3A_213 = vector.shape_cast %get3A_212 : vector<1x16xf32> to vector<16xf32>
      %get3A_214 = arith.index_cast %scan3A_42 : i32 to index
      %get3A_215 = arith.constant 192 : index
      %get3A_216 = tpu.vector_load %arg9[%get3A_214, %get3A_215] {strides = array<i32>} : memref<32x768xf32, #tpu.memory_space<vmem>>, vector<1x16xf32>,
      %get3A_217 = vector.shape_cast %get3A_216 : vector<1x16xf32> to vector<16xf32>
      %add3A_218 = arith.addf %get3A_213, %get3A_217 : vector<16xf32>
      %swap3A_219 = arith.index_cast %scan3A_42 : i32 to index
      %swap3A_220 = arith.constant 192 : index
      %swap3A_221 = tpu.vector_load %arg8[%swap3A_219, %swap3A_220] {strides = array<i32>} : memref<32x768xf32, #tpu.memory_space<vmem>>, vector<1x16xf32>,
      %swap3A_222 = vector.shape_cast %swap3A_221 : vector<1x16xf32> to vector<16xf32>
      %swap3A_223 = vector.shape_cast %add3A_218 : vector<16xf32> to vector<1x16xf32>
      tpu.vector_store %arg8[%swap3A_219, %swap3A_220], %swap3A_223 {strides = array<i32>} : memref<32x768xf32, #tpu.memory_space<vmem>>, vector<1x16xf32>,
      %get3A_224 = arith.index_cast %scan3A_42 : i32 to index
      %get3A_225 = arith.constant 208 : index
      %get3A_226 = tpu.vector_load %arg8[%get3A_224, %get3A_225] {strides = array<i32>} : memref<32x768xf32, #tpu.memory_space<vmem>>, vector<1x16xf32>,
      %get3A_227 = vector.shape_cast %get3A_226 : vector<1x16xf32> to vector<16xf32>
      %get3A_228 = arith.index_cast %scan3A_42 : i32 to index
      %get3A_229 = arith.constant 208 : index
      %get3A_230 = tpu.vector_load %arg9[%get3A_228, %get3A_229] {strides = array<i32>} : memref<32x768xf32, #tpu.memory_space<vmem>>, vector<1x16xf32>,
      %get3A_231 = vector.shape_cast %get3A_230 : vector<1x16xf32> to vector<16xf32>
      %add3A_232 = arith.addf %get3A_227, %get3A_231 : vector<16xf32>
      %swap3A_233 = arith.index_cast %scan3A_42 : i32 to index
      %swap3A_234 = arith.constant 208 : index
      %swap3A_235 = tpu.vector_load %arg8[%swap3A_233, %swap3A_234] {strides = array<i32>} : memref<32x768xf32, #tpu.memory_space<vmem>>, vector<1x16xf32>,
      %swap3A_236 = vector.shape_cast %swap3A_235 : vector<1x16xf32> to vector<16xf32>
      %swap3A_237 = vector.shape_cast %add3A_232 : vector<16xf32> to vector<1x16xf32>
      tpu.vector_store %arg8[%swap3A_233, %swap3A_234], %swap3A_237 {strides = array<i32>} : memref<32x768xf32, #tpu.memory_space<vmem>>, vector<1x16xf32>,
      %get3A_238 = arith.index_cast %scan3A_42 : i32 to index
      %get3A_239 = arith.constant 224 : index
      %get3A_240 = tpu.vector_load %arg8[%get3A_238, %get3A_239] {strides = array<i32>} : memref<32x768xf32, #tpu.memory_space<vmem>>, vector<1x16xf32>,
      %get3A_241 = vector.shape_cast %get3A_240 : vector<1x16xf32> to vector<16xf32>
      %get3A_242 = arith.index_cast %scan3A_42 : i32 to index
      %get3A_243 = arith.constant 224 : index
      %get3A_244 = tpu.vector_load %arg9[%get3A_242, %get3A_243] {strides = array<i32>} : memref<32x768xf32, #tpu.memory_space<vmem>>, vector<1x16xf32>,
      %get3A_245 = vector.shape_cast %get3A_244 : vector<1x16xf32> to vector<16xf32>
      %add3A_246 = arith.addf %get3A_241, %get3A_245 : vector<16xf32>
      %swap3A_247 = arith.index_cast %scan3A_42 : i32 to index
      %swap3A_248 = arith.constant 224 : index
      %swap3A_249 = tpu.vector_load %arg8[%swap3A_247, %swap3A_248] {strides = array<i32>} : memref<32x768xf32, #tpu.memory_space<vmem>>, vector<1x16xf32>,
      %swap3A_250 = vector.shape_cast %swap3A_249 : vector<1x16xf32> to vector<16xf32>
      %swap3A_251 = vector.shape_cast %add3A_246 : vector<16xf32> to vector<1x16xf32>
      tpu.vector_store %arg8[%swap3A_247, %swap3A_248], %swap3A_251 {strides = array<i32>} : memref<32x768xf32, #tpu.memory_space<vmem>>, vector<1x16xf32>,
      %get3A_252 = arith.index_cast %scan3A_42 : i32 to index
      %get3A_253 = arith.constant 240 : index
      %get3A_254 = tpu.vector_load %arg8[%get3A_252, %get3A_253] {strides = array<i32>} : memref<32x768xf32, #tpu.memory_space<vmem>>, vector<1x16xf32>,
      %get3A_255 = vector.shape_cast %get3A_254 : vector<1x16xf32> to vector<16xf32>
      %get3A_256 = arith.index_cast %scan3A_42 : i32 to index
      %get3A_257 = arith.constant 240 : index
      %get3A_258 = tpu.vector_load %arg9[%get3A_256, %get3A_257] {strides = array<i32>} : memref<32x768xf32, #tpu.memory_space<vmem>>, vector<1x16xf32>,
      %get3A_259 = vector.shape_cast %get3A_258 : vector<1x16xf32> to vector<16xf32>
      %add3A_260 = arith.addf %get3A_255, %get3A_259 : vector<16xf32>
      %swap3A_261 = arith.index_cast %scan3A_42 : i32 to index
      %swap3A_262 = arith.constant 240 : index
      %swap3A_263 = tpu.vector_load %arg8[%swap3A_261, %swap3A_262] {strides = array<i32>} : memref<32x768xf32, #tpu.memory_space<vmem>>, vector<1x16xf32>,
      %swap3A_264 = vector.shape_cast %swap3A_263 : vector<1x16xf32> to vector<16xf32>
      %swap3A_265 = vector.shape_cast %add3A_260 : vector<16xf32> to vector<1x16xf32>
      tpu.vector_store %arg8[%swap3A_261, %swap3A_262], %swap3A_265 {strides = array<i32>} : memref<32x768xf32, #tpu.memory_space<vmem>>, vector<1x16xf32>,
      %get3A_266 = arith.index_cast %scan3A_42 : i32 to index
      %get3A_267 = arith.constant 256 : index
      %get3A_268 = tpu.vector_load %arg8[%get3A_266, %get3A_267] {strides = array<i32>} : memref<32x768xf32, #tpu.memory_space<vmem>>, vector<1x16xf32>,
      %get3A_269 = vector.shape_cast %get3A_268 : vector<1x16xf32> to vector<16xf32>
      %get3A_270 = arith.index_cast %scan3A_42 : i32 to index
      %get3A_271 = arith.constant 256 : index
      %get3A_272 = tpu.vector_load %arg9[%get3A_270, %get3A_271] {strides = array<i32>} : memref<32x768xf32, #tpu.memory_space<vmem>>, vector<1x16xf32>,
      %get3A_273 = vector.shape_cast %get3A_272 : vector<1x16xf32> to vector<16xf32>
      %add3A_274 = arith.addf %get3A_269, %get3A_273 : vector<16xf32>
      %swap3A_275 = arith.index_cast %scan3A_42 : i32 to index
      %swap3A_276 = arith.constant 256 : index
      %swap3A_277 = tpu.vector_load %arg8[%swap3A_275, %swap3A_276] {strides = array<i32>} : memref<32x768xf32, #tpu.memory_space<vmem>>, vector<1x16xf32>,
      %swap3A_278 = vector.shape_cast %swap3A_277 : vector<1x16xf32> to vector<16xf32>
      %swap3A_279 = vector.shape_cast %add3A_274 : vector<16xf32> to vector<1x16xf32>
      tpu.vector_store %arg8[%swap3A_275, %swap3A_276], %swap3A_279 {strides = array<i32>} : memref<32x768xf32, #tpu.memory_space<vmem>>, vector<1x16xf32>,
      %get3A_280 = arith.index_cast %scan3A_42 : i32 to index
      %get3A_281 = arith.constant 272 : index
      %get3A_282 = tpu.vector_load %arg8[%get3A_280, %get3A_281] {strides = array<i32>} : memref<32x768xf32, #tpu.memory_space<vmem>>, vector<1x16xf32>,
      %get3A_283 = vector.shape_cast %get3A_282 : vector<1x16xf32> to vector<16xf32>
      %get3A_284 = arith.index_cast %scan3A_42 : i32 to index
      %get3A_285 = arith.constant 272 : index
      %get3A_286 = tpu.vector_load %arg9[%get3A_284, %get3A_285] {strides = array<i32>} : memref<32x768xf32, #tpu.memory_space<vmem>>, vector<1x16xf32>,
      %get3A_287 = vector.shape_cast %get3A_286 : vector<1x16xf32> to vector<16xf32>
      %add3A_288 = arith.addf %get3A_283, %get3A_287 : vector<16xf32>
      %swap3A_289 = arith.index_cast %scan3A_42 : i32 to index
      %swap3A_290 = arith.constant 272 : index
      %swap3A_291 = tpu.vector_load %arg8[%swap3A_289, %swap3A_290] {strides = array<i32>} : memref<32x768xf32, #tpu.memory_space<vmem>>, vector<1x16xf32>,
      %swap3A_292 = vector.shape_cast %swap3A_291 : vector<1x16xf32> to vector<16xf32>
      %swap3A_293 = vector.shape_cast %add3A_288 : vector<16xf32> to vector<1x16xf32>
      tpu.vector_store %arg8[%swap3A_289, %swap3A_290], %swap3A_293 {strides = array<i32>} : memref<32x768xf32, #tpu.memory_space<vmem>>, vector<1x16xf32>,
      %get3A_294 = arith.index_cast %scan3A_42 : i32 to index
      %get3A_295 = arith.constant 288 : index
      %get3A_296 = tpu.vector_load %arg8[%get3A_294, %get3A_295] {strides = array<i32>} : memref<32x768xf32, #tpu.memory_space<vmem>>, vector<1x16xf32>,
      %get3A_297 = vector.shape_cast %get3A_296 : vector<1x16xf32> to vector<16xf32>
      %get3A_298 = arith.index_cast %scan3A_42 : i32 to index
      %get3A_299 = arith.constant 288 : index
      %get3A_300 = tpu.vector_load %arg9[%get3A_298, %get3A_299] {strides = array<i32>} : memref<32x768xf32, #tpu.memory_space<vmem>>, vector<1x16xf32>,
      %get3A_301 = vector.shape_cast %get3A_300 : vector<1x16xf32> to vector<16xf32>
      %add3A_302 = arith.addf %get3A_297, %get3A_301 : vector<16xf32>
      %swap3A_303 = arith.index_cast %scan3A_42 : i32 to index
      %swap3A_304 = arith.constant 288 : index
      %swap3A_305 = tpu.vector_load %arg8[%swap3A_303, %swap3A_304] {strides = array<i32>} : memref<32x768xf32, #tpu.memory_space<vmem>>, vector<1x16xf32>,
      %swap3A_306 = vector.shape_cast %swap3A_305 : vector<1x16xf32> to vector<16xf32>
      %swap3A_307 = vector.shape_cast %add3A_302 : vector<16xf32> to vector<1x16xf32>
      tpu.vector_store %arg8[%swap3A_303, %swap3A_304], %swap3A_307 {strides = array<i32>} : memref<32x768xf32, #tpu.memory_space<vmem>>, vector<1x16xf32>,
      %get3A_308 = arith.index_cast %scan3A_42 : i32 to index
      %get3A_309 = arith.constant 304 : index
      %get3A_310 = tpu.vector_load %arg8[%get3A_308, %get3A_309] {strides = array<i32>} : memref<32x768xf32, #tpu.memory_space<vmem>>, vector<1x16xf32>,
      %get3A_311 = vector.shape_cast %get3A_310 : vector<1x16xf32> to vector<16xf32>
      %get3A_312 = arith.index_cast %scan3A_42 : i32 to index
      %get3A_313 = arith.constant 304 : index
      %get3A_314 = tpu.vector_load %arg9[%get3A_312, %get3A_313] {strides = array<i32>} : memref<32x768xf32, #tpu.memory_space<vmem>>, vector<1x16xf32>,
      %get3A_315 = vector.shape_cast %get3A_314 : vector<1x16xf32> to vector<16xf32>
      %add3A_316 = arith.addf %get3A_311, %get3A_315 : vector<16xf32>
      %swap3A_317 = arith.index_cast %scan3A_42 : i32 to index
      %swap3A_318 = arith.constant 304 : index
      %swap3A_319 = tpu.vector_load %arg8[%swap3A_317, %swap3A_318] {strides = array<i32>} : memref<32x768xf32, #tpu.memory_space<vmem>>, vector<1x16xf32>,
      %swap3A_320 = vector.shape_cast %swap3A_319 : vector<1x16xf32> to vector<16xf32>
      %swap3A_321 = vector.shape_cast %add3A_316 : vector<16xf32> to vector<1x16xf32>
      tpu.vector_store %arg8[%swap3A_317, %swap3A_318], %swap3A_321 {strides = array<i32>} : memref<32x768xf32, #tpu.memory_space<vmem>>, vector<1x16xf32>,
      %get3A_322 = arith.index_cast %scan3A_42 : i32 to index
      %get3A_323 = arith.constant 320 : index
      %get3A_324 = tpu.vector_load %arg8[%get3A_322, %get3A_323] {strides = array<i32>} : memref<32x768xf32, #tpu.memory_space<vmem>>, vector<1x16xf32>,
      %get3A_325 = vector.shape_cast %get3A_324 : vector<1x16xf32> to vector<16xf32>
      %get3A_326 = arith.index_cast %scan3A_42 : i32 to index
      %get3A_327 = arith.constant 320 : index
      %get3A_328 = tpu.vector_load %arg9[%get3A_326, %get3A_327] {strides = array<i32>} : memref<32x768xf32, #tpu.memory_space<vmem>>, vector<1x16xf32>,
      %get3A_329 = vector.shape_cast %get3A_328 : vector<1x16xf32> to vector<16xf32>
      %add3A_330 = arith.addf %get3A_325, %get3A_329 : vector<16xf32>
      %swap3A_331 = arith.index_cast %scan3A_42 : i32 to index
      %swap3A_332 = arith.constant 320 : index
      %swap3A_333 = tpu.vector_load %arg8[%swap3A_331, %swap3A_332] {strides = array<i32>} : memref<32x768xf32, #tpu.memory_space<vmem>>, vector<1x16xf32>,
      %swap3A_334 = vector.shape_cast %swap3A_333 : vector<1x16xf32> to vector<16xf32>
      %swap3A_335 = vector.shape_cast %add3A_330 : vector<16xf32> to vector<1x16xf32>
      tpu.vector_store %arg8[%swap3A_331, %swap3A_332], %swap3A_335 {strides = array<i32>} : memref<32x768xf32, #tpu.memory_space<vmem>>, vector<1x16xf32>,
      %get3A_336 = arith.index_cast %scan3A_42 : i32 to index
      %get3A_337 = arith.constant 336 : index
      %get3A_338 = tpu.vector_load %arg8[%get3A_336, %get3A_337] {strides = array<i32>} : memref<32x768xf32, #tpu.memory_space<vmem>>, vector<1x16xf32>,
      %get3A_339 = vector.shape_cast %get3A_338 : vector<1x16xf32> to vector<16xf32>
      %get3A_340 = arith.index_cast %scan3A_42 : i32 to index
      %get3A_341 = arith.constant 336 : index
      %get3A_342 = tpu.vector_load %arg9[%get3A_340, %get3A_341] {strides = array<i32>} : memref<32x768xf32, #tpu.memory_space<vmem>>, vector<1x16xf32>,
      %get3A_343 = vector.shape_cast %get3A_342 : vector<1x16xf32> to vector<16xf32>
      %add3A_344 = arith.addf %get3A_339, %get3A_343 : vector<16xf32>
      %swap3A_345 = arith.index_cast %scan3A_42 : i32 to index
      %swap3A_346 = arith.constant 336 : index
      %swap3A_347 = tpu.vector_load %arg8[%swap3A_345, %swap3A_346] {strides = array<i32>} : memref<32x768xf32, #tpu.memory_space<vmem>>, vector<1x16xf32>,
      %swap3A_348 = vector.shape_cast %swap3A_347 : vector<1x16xf32> to vector<16xf32>
      %swap3A_349 = vector.shape_cast %add3A_344 : vector<16xf32> to vector<1x16xf32>
      tpu.vector_store %arg8[%swap3A_345, %swap3A_346], %swap3A_349 {strides = array<i32>} : memref<32x768xf32, #tpu.memory_space<vmem>>, vector<1x16xf32>,
      %get3A_350 = arith.index_cast %scan3A_42 : i32 to index
      %get3A_351 = arith.constant 352 : index
      %get3A_352 = tpu.vector_load %arg8[%get3A_350, %get3A_351] {strides = array<i32>} : memref<32x768xf32, #tpu.memory_space<vmem>>, vector<1x16xf32>,
      %get3A_353 = vector.shape_cast %get3A_352 : vector<1x16xf32> to vector<16xf32>
      %get3A_354 = arith.index_cast %scan3A_42 : i32 to index
      %get3A_355 = arith.constant 352 : index
      %get3A_356 = tpu.vector_load %arg9[%get3A_354, %get3A_355] {strides = array<i32>} : memref<32x768xf32, #tpu.memory_space<vmem>>, vector<1x16xf32>,
      %get3A_357 = vector.shape_cast %get3A_356 : vector<1x16xf32> to vector<16xf32>
      %add3A_358 = arith.addf %get3A_353, %get3A_357 : vector<16xf32>
      %swap3A_359 = arith.index_cast %scan3A_42 : i32 to index
      %swap3A_360 = arith.constant 352 : index
      %swap3A_361 = tpu.vector_load %arg8[%swap3A_359, %swap3A_360] {strides = array<i32>} : memref<32x768xf32, #tpu.memory_space<vmem>>, vector<1x16xf32>,
      %swap3A_362 = vector.shape_cast %swap3A_361 : vector<1x16xf32> to vector<16xf32>
      %swap3A_363 = vector.shape_cast %add3A_358 : vector<16xf32> to vector<1x16xf32>
      tpu.vector_store %arg8[%swap3A_359, %swap3A_360], %swap3A_363 {strides = array<i32>} : memref<32x768xf32, #tpu.memory_space<vmem>>, vector<1x16xf32>,
      %get3A_364 = arith.index_cast %scan3A_42 : i32 to index
      %get3A_365 = arith.constant 368 : index
      %get3A_366 = tpu.vector_load %arg8[%get3A_364, %get3A_365] {strides = array<i32>} : memref<32x768xf32, #tpu.memory_space<vmem>>, vector<1x16xf32>,
      %get3A_367 = vector.shape_cast %get3A_366 : vector<1x16xf32> to vector<16xf32>
      %get3A_368 = arith.index_cast %scan3A_42 : i32 to index
      %get3A_369 = arith.constant 368 : index
      %get3A_370 = tpu.vector_load %arg9[%get3A_368, %get3A_369] {strides = array<i32>} : memref<32x768xf32, #tpu.memory_space<vmem>>, vector<1x16xf32>,
      %get3A_371 = vector.shape_cast %get3A_370 : vector<1x16xf32> to vector<16xf32>
      %add3A_372 = arith.addf %get3A_367, %get3A_371 : vector<16xf32>
      %swap3A_373 = arith.index_cast %scan3A_42 : i32 to index
      %swap3A_374 = arith.constant 368 : index
      %swap3A_375 = tpu.vector_load %arg8[%swap3A_373, %swap3A_374] {strides = array<i32>} : memref<32x768xf32, #tpu.memory_space<vmem>>, vector<1x16xf32>,
      %swap3A_376 = vector.shape_cast %swap3A_375 : vector<1x16xf32> to vector<16xf32>
      %swap3A_377 = vector.shape_cast %add3A_372 : vector<16xf32> to vector<1x16xf32>
      tpu.vector_store %arg8[%swap3A_373, %swap3A_374], %swap3A_377 {strides = array<i32>} : memref<32x768xf32, #tpu.memory_space<vmem>>, vector<1x16xf32>,
      %get3A_378 = arith.index_cast %scan3A_42 : i32 to index
      %get3A_379 = arith.constant 384 : index
      %get3A_380 = tpu.vector_load %arg8[%get3A_378, %get3A_379] {strides = array<i32>} : memref<32x768xf32, #tpu.memory_space<vmem>>, vector<1x16xf32>,
      %get3A_381 = vector.shape_cast %get3A_380 : vector<1x16xf32> to vector<16xf32>
      %get3A_382 = arith.index_cast %scan3A_42 : i32 to index
      %get3A_383 = arith.constant 384 : index
      %get3A_384 = tpu.vector_load %arg9[%get3A_382, %get3A_383] {strides = array<i32>} : memref<32x768xf32, #tpu.memory_space<vmem>>, vector<1x16xf32>,
      %get3A_385 = vector.shape_cast %get3A_384 : vector<1x16xf32> to vector<16xf32>
      %add3A_386 = arith.addf %get3A_381, %get3A_385 : vector<16xf32>
      %swap3A_387 = arith.index_cast %scan3A_42 : i32 to index
      %swap3A_388 = arith.constant 384 : index
      %swap3A_389 = tpu.vector_load %arg8[%swap3A_387, %swap3A_388] {strides = array<i32>} : memref<32x768xf32, #tpu.memory_space<vmem>>, vector<1x16xf32>,
      %swap3A_390 = vector.shape_cast %swap3A_389 : vector<1x16xf32> to vector<16xf32>
      %swap3A_391 = vector.shape_cast %add3A_386 : vector<16xf32> to vector<1x16xf32>
      tpu.vector_store %arg8[%swap3A_387, %swap3A_388], %swap3A_391 {strides = array<i32>} : memref<32x768xf32, #tpu.memory_space<vmem>>, vector<1x16xf32>,
      %get3A_392 = arith.index_cast %scan3A_42 : i32 to index
      %get3A_393 = arith.constant 400 : index
      %get3A_394 = tpu.vector_load %arg8[%get3A_392, %get3A_393] {strides = array<i32>} : memref<32x768xf32, #tpu.memory_space<vmem>>, vector<1x16xf32>,
      %get3A_395 = vector.shape_cast %get3A_394 : vector<1x16xf32> to vector<16xf32>
      %get3A_396 = arith.index_cast %scan3A_42 : i32 to index
      %get3A_397 = arith.constant 400 : index
      %get3A_398 = tpu.vector_load %arg9[%get3A_396, %get3A_397] {strides = array<i32>} : memref<32x768xf32, #tpu.memory_space<vmem>>, vector<1x16xf32>,
      %get3A_399 = vector.shape_cast %get3A_398 : vector<1x16xf32> to vector<16xf32>
      %add3A_400 = arith.addf %get3A_395, %get3A_399 : vector<16xf32>
      %swap3A_401 = arith.index_cast %scan3A_42 : i32 to index
      %swap3A_402 = arith.constant 400 : index
      %swap3A_403 = tpu.vector_load %arg8[%swap3A_401, %swap3A_402] {strides = array<i32>} : memref<32x768xf32, #tpu.memory_space<vmem>>, vector<1x16xf32>,
      %swap3A_404 = vector.shape_cast %swap3A_403 : vector<1x16xf32> to vector<16xf32>
      %swap3A_405 = vector.shape_cast %add3A_400 : vector<16xf32> to vector<1x16xf32>
      tpu.vector_store %arg8[%swap3A_401, %swap3A_402], %swap3A_405 {strides = array<i32>} : memref<32x768xf32, #tpu.memory_space<vmem>>, vector<1x16xf32>,
      %get3A_406 = arith.index_cast %scan3A_42 : i32 to index
      %get3A_407 = arith.constant 416 : index
      %get3A_408 = tpu.vector_load %arg8[%get3A_406, %get3A_407] {strides = array<i32>} : memref<32x768xf32, #tpu.memory_space<vmem>>, vector<1x16xf32>,
      %get3A_409 = vector.shape_cast %get3A_408 : vector<1x16xf32> to vector<16xf32>
      %get3A_410 = arith.index_cast %scan3A_42 : i32 to index
      %get3A_411 = arith.constant 416 : index
      %get3A_412 = tpu.vector_load %arg9[%get3A_410, %get3A_411] {strides = array<i32>} : memref<32x768xf32, #tpu.memory_space<vmem>>, vector<1x16xf32>,
      %get3A_413 = vector.shape_cast %get3A_412 : vector<1x16xf32> to vector<16xf32>
      %add3A_414 = arith.addf %get3A_409, %get3A_413 : vector<16xf32>
      %swap3A_415 = arith.index_cast %scan3A_42 : i32 to index
      %swap3A_416 = arith.constant 416 : index
      %swap3A_417 = tpu.vector_load %arg8[%swap3A_415, %swap3A_416] {strides = array<i32>} : memref<32x768xf32, #tpu.memory_space<vmem>>, vector<1x16xf32>,
      %swap3A_418 = vector.shape_cast %swap3A_417 : vector<1x16xf32> to vector<16xf32>
      %swap3A_419 = vector.shape_cast %add3A_414 : vector<16xf32> to vector<1x16xf32>
      tpu.vector_store %arg8[%swap3A_415, %swap3A_416], %swap3A_419 {strides = array<i32>} : memref<32x768xf32, #tpu.memory_space<vmem>>, vector<1x16xf32>,
      %get3A_420 = arith.index_cast %scan3A_42 : i32 to index
      %get3A_421 = arith.constant 432 : index
      %get3A_422 = tpu.vector_load %arg8[%get3A_420, %get3A_421] {strides = array<i32>} : memref<32x768xf32, #tpu.memory_space<vmem>>, vector<1x16xf32>,
      %get3A_423 = vector.shape_cast %get3A_422 : vector<1x16xf32> to vector<16xf32>
      %get3A_424 = arith.index_cast %scan3A_42 : i32 to index
      %get3A_425 = arith.constant 432 : index
      %get3A_426 = tpu.vector_load %arg9[%get3A_424, %get3A_425] {strides = array<i32>} : memref<32x768xf32, #tpu.memory_space<vmem>>, vector<1x16xf32>,
      %get3A_427 = vector.shape_cast %get3A_426 : vector<1x16xf32> to vector<16xf32>
      %add3A_428 = arith.addf %get3A_423, %get3A_427 : vector<16xf32>
      %swap3A_429 = arith.index_cast %scan3A_42 : i32 to index
      %swap3A_430 = arith.constant 432 : index
      %swap3A_431 = tpu.vector_load %arg8[%swap3A_429, %swap3A_430] {strides = array<i32>} : memref<32x768xf32, #tpu.memory_space<vmem>>, vector<1x16xf32>,
      %swap3A_432 = vector.shape_cast %swap3A_431 : vector<1x16xf32> to vector<16xf32>
      %swap3A_433 = vector.shape_cast %add3A_428 : vector<16xf32> to vector<1x16xf32>
      tpu.vector_store %arg8[%swap3A_429, %swap3A_430], %swap3A_433 {strides = array<i32>} : memref<32x768xf32, #tpu.memory_space<vmem>>, vector<1x16xf32>,
      %get3A_434 = arith.index_cast %scan3A_42 : i32 to index
      %get3A_435 = arith.constant 448 : index
      %get3A_436 = tpu.vector_load %arg8[%get3A_434, %get3A_435] {strides = array<i32>} : memref<32x768xf32, #tpu.memory_space<vmem>>, vector<1x16xf32>,
      %get3A_437 = vector.shape_cast %get3A_436 : vector<1x16xf32> to vector<16xf32>
      %get3A_438 = arith.index_cast %scan3A_42 : i32 to index
      %get3A_439 = arith.constant 448 : index
      %get3A_440 = tpu.vector_load %arg9[%get3A_438, %get3A_439] {strides = array<i32>} : memref<32x768xf32, #tpu.memory_space<vmem>>, vector<1x16xf32>,
      %get3A_441 = vector.shape_cast %get3A_440 : vector<1x16xf32> to vector<16xf32>
      %add3A_442 = arith.addf %get3A_437, %get3A_441 : vector<16xf32>
      %swap3A_443 = arith.index_cast %scan3A_42 : i32 to index
      %swap3A_444 = arith.constant 448 : index
      %swap3A_445 = tpu.vector_load %arg8[%swap3A_443, %swap3A_444] {strides = array<i32>} : memref<32x768xf32, #tpu.memory_space<vmem>>, vector<1x16xf32>,
      %swap3A_446 = vector.shape_cast %swap3A_445 : vector<1x16xf32> to vector<16xf32>
      %swap3A_447 = vector.shape_cast %add3A_442 : vector<16xf32> to vector<1x16xf32>
      tpu.vector_store %arg8[%swap3A_443, %swap3A_444], %swap3A_447 {strides = array<i32>} : memref<32x768xf32, #tpu.memory_space<vmem>>, vector<1x16xf32>,
      %get3A_448 = arith.index_cast %scan3A_42 : i32 to index
      %get3A_449 = arith.constant 464 : index
      %get3A_450 = tpu.vector_load %arg8[%get3A_448, %get3A_449] {strides = array<i32>} : memref<32x768xf32, #tpu.memory_space<vmem>>, vector<1x16xf32>,
      %get3A_451 = vector.shape_cast %get3A_450 : vector<1x16xf32> to vector<16xf32>
      %get3A_452 = arith.index_cast %scan3A_42 : i32 to index
      %get3A_453 = arith.constant 464 : index
      %get3A_454 = tpu.vector_load %arg9[%get3A_452, %get3A_453] {strides = array<i32>} : memref<32x768xf32, #tpu.memory_space<vmem>>, vector<1x16xf32>,
      %get3A_455 = vector.shape_cast %get3A_454 : vector<1x16xf32> to vector<16xf32>
      %add3A_456 = arith.addf %get3A_451, %get3A_455 : vector<16xf32>
      %swap3A_457 = arith.index_cast %scan3A_42 : i32 to index
      %swap3A_458 = arith.constant 464 : index
      %swap3A_459 = tpu.vector_load %arg8[%swap3A_457, %swap3A_458] {strides = array<i32>} : memref<32x768xf32, #tpu.memory_space<vmem>>, vector<1x16xf32>,
      %swap3A_460 = vector.shape_cast %swap3A_459 : vector<1x16xf32> to vector<16xf32>
      %swap3A_461 = vector.shape_cast %add3A_456 : vector<16xf32> to vector<1x16xf32>
      tpu.vector_store %arg8[%swap3A_457, %swap3A_458], %swap3A_461 {strides = array<i32>} : memref<32x768xf32, #tpu.memory_space<vmem>>, vector<1x16xf32>,
      %get3A_462 = arith.index_cast %scan3A_42 : i32 to index
      %get3A_463 = arith.constant 480 : index
      %get3A_464 = tpu.vector_load %arg8[%get3A_462, %get3A_463] {strides = array<i32>} : memref<32x768xf32, #tpu.memory_space<vmem>>, vector<1x16xf32>,
      %get3A_465 = vector.shape_cast %get3A_464 : vector<1x16xf32> to vector<16xf32>
      %get3A_466 = arith.index_cast %scan3A_42 : i32 to index
      %get3A_467 = arith.constant 480 : index
      %get3A_468 = tpu.vector_load %arg9[%get3A_466, %get3A_467] {strides = array<i32>} : memref<32x768xf32, #tpu.memory_space<vmem>>, vector<1x16xf32>,
      %get3A_469 = vector.shape_cast %get3A_468 : vector<1x16xf32> to vector<16xf32>
      %add3A_470 = arith.addf %get3A_465, %get3A_469 : vector<16xf32>
      %swap3A_471 = arith.index_cast %scan3A_42 : i32 to index
      %swap3A_472 = arith.constant 480 : index
      %swap3A_473 = tpu.vector_load %arg8[%swap3A_471, %swap3A_472] {strides = array<i32>} : memref<32x768xf32, #tpu.memory_space<vmem>>, vector<1x16xf32>,
      %swap3A_474 = vector.shape_cast %swap3A_473 : vector<1x16xf32> to vector<16xf32>
      %swap3A_475 = vector.shape_cast %add3A_470 : vector<16xf32> to vector<1x16xf32>
      tpu.vector_store %arg8[%swap3A_471, %swap3A_472], %swap3A_475 {strides = array<i32>} : memref<32x768xf32, #tpu.memory_space<vmem>>, vector<1x16xf32>,
      %get3A_476 = arith.index_cast %scan3A_42 : i32 to index
      %get3A_477 = arith.constant 496 : index
      %get3A_478 = tpu.vector_load %arg8[%get3A_476, %get3A_477] {strides = array<i32>} : memref<32x768xf32, #tpu.memory_space<vmem>>, vector<1x16xf32>,
      %get3A_479 = vector.shape_cast %get3A_478 : vector<1x16xf32> to vector<16xf32>
      %get3A_480 = arith.index_cast %scan3A_42 : i32 to index
      %get3A_481 = arith.constant 496 : index
      %get3A_482 = tpu.vector_load %arg9[%get3A_480, %get3A_481] {strides = array<i32>} : memref<32x768xf32, #tpu.memory_space<vmem>>, vector<1x16xf32>,
      %get3A_483 = vector.shape_cast %get3A_482 : vector<1x16xf32> to vector<16xf32>
      %add3A_484 = arith.addf %get3A_479, %get3A_483 : vector<16xf32>
      %swap3A_485 = arith.index_cast %scan3A_42 : i32 to index
      %swap3A_486 = arith.constant 496 : index
      %swap3A_487 = tpu.vector_load %arg8[%swap3A_485, %swap3A_486] {strides = array<i32>} : memref<32x768xf32, #tpu.memory_space<vmem>>, vector<1x16xf32>,
      %swap3A_488 = vector.shape_cast %swap3A_487 : vector<1x16xf32> to vector<16xf32>
      %swap3A_489 = vector.shape_cast %add3A_484 : vector<16xf32> to vector<1x16xf32>
      tpu.vector_store %arg8[%swap3A_485, %swap3A_486], %swap3A_489 {strides = array<i32>} : memref<32x768xf32, #tpu.memory_space<vmem>>, vector<1x16xf32>,
      %get3A_490 = arith.index_cast %scan3A_42 : i32 to index
      %get3A_491 = arith.constant 512 : index
      %get3A_492 = tpu.vector_load %arg8[%get3A_490, %get3A_491] {strides = array<i32>} : memref<32x768xf32, #tpu.memory_space<vmem>>, vector<1x16xf32>,
      %get3A_493 = vector.shape_cast %get3A_492 : vector<1x16xf32> to vector<16xf32>
      %get3A_494 = arith.index_cast %scan3A_42 : i32 to index
      %get3A_495 = arith.constant 512 : index
      %get3A_496 = tpu.vector_load %arg9[%get3A_494, %get3A_495] {strides = array<i32>} : memref<32x768xf32, #tpu.memory_space<vmem>>, vector<1x16xf32>,
      %get3A_497 = vector.shape_cast %get3A_496 : vector<1x16xf32> to vector<16xf32>
      %add3A_498 = arith.addf %get3A_493, %get3A_497 : vector<16xf32>
      %swap3A_499 = arith.index_cast %scan3A_42 : i32 to index
      %swap3A_500 = arith.constant 512 : index
      %swap3A_501 = tpu.vector_load %arg8[%swap3A_499, %swap3A_500] {strides = array<i32>} : memref<32x768xf32, #tpu.memory_space<vmem>>, vector<1x16xf32>,
      %swap3A_502 = vector.shape_cast %swap3A_501 : vector<1x16xf32> to vector<16xf32>
      %swap3A_503 = vector.shape_cast %add3A_498 : vector<16xf32> to vector<1x16xf32>
      tpu.vector_store %arg8[%swap3A_499, %swap3A_500], %swap3A_503 {strides = array<i32>} : memref<32x768xf32, #tpu.memory_space<vmem>>, vector<1x16xf32>,
      %get3A_504 = arith.index_cast %scan3A_42 : i32 to index
      %get3A_505 = arith.constant 528 : index
      %get3A_506 = tpu.vector_load %arg8[%get3A_504, %get3A_505] {strides = array<i32>} : memref<32x768xf32, #tpu.memory_space<vmem>>, vector<1x16xf32>,
      %get3A_507 = vector.shape_cast %get3A_506 : vector<1x16xf32> to vector<16xf32>
      %get3A_508 = arith.index_cast %scan3A_42 : i32 to index
      %get3A_509 = arith.constant 528 : index
      %get3A_510 = tpu.vector_load %arg9[%get3A_508, %get3A_509] {strides = array<i32>} : memref<32x768xf32, #tpu.memory_space<vmem>>, vector<1x16xf32>,
      %get3A_511 = vector.shape_cast %get3A_510 : vector<1x16xf32> to vector<16xf32>
      %add3A_512 = arith.addf %get3A_507, %get3A_511 : vector<16xf32>
      %swap3A_513 = arith.index_cast %scan3A_42 : i32 to index
      %swap3A_514 = arith.constant 528 : index
      %swap3A_515 = tpu.vector_load %arg8[%swap3A_513, %swap3A_514] {strides = array<i32>} : memref<32x768xf32, #tpu.memory_space<vmem>>, vector<1x16xf32>,
      %swap3A_516 = vector.shape_cast %swap3A_515 : vector<1x16xf32> to vector<16xf32>
      %swap3A_517 = vector.shape_cast %add3A_512 : vector<16xf32> to vector<1x16xf32>
      tpu.vector_store %arg8[%swap3A_513, %swap3A_514], %swap3A_517 {strides = array<i32>} : memref<32x768xf32, #tpu.memory_space<vmem>>, vector<1x16xf32>,
      %get3A_518 = arith.index_cast %scan3A_42 : i32 to index
      %get3A_519 = arith.constant 544 : index
      %get3A_520 = tpu.vector_load %arg8[%get3A_518, %get3A_519] {strides = array<i32>} : memref<32x768xf32, #tpu.memory_space<vmem>>, vector<1x16xf32>,
      %get3A_521 = vector.shape_cast %get3A_520 : vector<1x16xf32> to vector<16xf32>
      %get3A_522 = arith.index_cast %scan3A_42 : i32 to index
      %get3A_523 = arith.constant 544 : index
      %get3A_524 = tpu.vector_load %arg9[%get3A_522, %get3A_523] {strides = array<i32>} : memref<32x768xf32, #tpu.memory_space<vmem>>, vector<1x16xf32>,
      %get3A_525 = vector.shape_cast %get3A_524 : vector<1x16xf32> to vector<16xf32>
      %add3A_526 = arith.addf %get3A_521, %get3A_525 : vector<16xf32>
      %swap3A_527 = arith.index_cast %scan3A_42 : i32 to index
      %swap3A_528 = arith.constant 544 : index
      %swap3A_529 = tpu.vector_load %arg8[%swap3A_527, %swap3A_528] {strides = array<i32>} : memref<32x768xf32, #tpu.memory_space<vmem>>, vector<1x16xf32>,
      %swap3A_530 = vector.shape_cast %swap3A_529 : vector<1x16xf32> to vector<16xf32>
      %swap3A_531 = vector.shape_cast %add3A_526 : vector<16xf32> to vector<1x16xf32>
      tpu.vector_store %arg8[%swap3A_527, %swap3A_528], %swap3A_531 {strides = array<i32>} : memref<32x768xf32, #tpu.memory_space<vmem>>, vector<1x16xf32>,
      %get3A_532 = arith.index_cast %scan3A_42 : i32 to index
      %get3A_533 = arith.constant 560 : index
      %get3A_534 = tpu.vector_load %arg8[%get3A_532, %get3A_533] {strides = array<i32>} : memref<32x768xf32, #tpu.memory_space<vmem>>, vector<1x16xf32>,
      %get3A_535 = vector.shape_cast %get3A_534 : vector<1x16xf32> to vector<16xf32>
      %get3A_536 = arith.index_cast %scan3A_42 : i32 to index
      %get3A_537 = arith.constant 560 : index
      %get3A_538 = tpu.vector_load %arg9[%get3A_536, %get3A_537] {strides = array<i32>} : memref<32x768xf32, #tpu.memory_space<vmem>>, vector<1x16xf32>,
      %get3A_539 = vector.shape_cast %get3A_538 : vector<1x16xf32> to vector<16xf32>
      %add3A_540 = arith.addf %get3A_535, %get3A_539 : vector<16xf32>
      %swap3A_541 = arith.index_cast %scan3A_42 : i32 to index
      %swap3A_542 = arith.constant 560 : index
      %swap3A_543 = tpu.vector_load %arg8[%swap3A_541, %swap3A_542] {strides = array<i32>} : memref<32x768xf32, #tpu.memory_space<vmem>>, vector<1x16xf32>,
      %swap3A_544 = vector.shape_cast %swap3A_543 : vector<1x16xf32> to vector<16xf32>
      %swap3A_545 = vector.shape_cast %add3A_540 : vector<16xf32> to vector<1x16xf32>
      tpu.vector_store %arg8[%swap3A_541, %swap3A_542], %swap3A_545 {strides = array<i32>} : memref<32x768xf32, #tpu.memory_space<vmem>>, vector<1x16xf32>,
      %get3A_546 = arith.index_cast %scan3A_42 : i32 to index
      %get3A_547 = arith.constant 576 : index
      %get3A_548 = tpu.vector_load %arg8[%get3A_546, %get3A_547] {strides = array<i32>} : memref<32x768xf32, #tpu.memory_space<vmem>>, vector<1x16xf32>,
      %get3A_549 = vector.shape_cast %get3A_548 : vector<1x16xf32> to vector<16xf32>
      %get3A_550 = arith.index_cast %scan3A_42 : i32 to index
      %get3A_551 = arith.constant 576 : index
      %get3A_552 = tpu.vector_load %arg9[%get3A_550, %get3A_551] {strides = array<i32>} : memref<32x768xf32, #tpu.memory_space<vmem>>, vector<1x16xf32>,
      %get3A_553 = vector.shape_cast %get3A_552 : vector<1x16xf32> to vector<16xf32>
      %add3A_554 = arith.addf %get3A_549, %get3A_553 : vector<16xf32>
      %swap3A_555 = arith.index_cast %scan3A_42 : i32 to index
      %swap3A_556 = arith.constant 576 : index
      %swap3A_557 = tpu.vector_load %arg8[%swap3A_555, %swap3A_556] {strides = array<i32>} : memref<32x768xf32, #tpu.memory_space<vmem>>, vector<1x16xf32>,
      %swap3A_558 = vector.shape_cast %swap3A_557 : vector<1x16xf32> to vector<16xf32>
      %swap3A_559 = vector.shape_cast %add3A_554 : vector<16xf32> to vector<1x16xf32>
      tpu.vector_store %arg8[%swap3A_555, %swap3A_556], %swap3A_559 {strides = array<i32>} : memref<32x768xf32, #tpu.memory_space<vmem>>, vector<1x16xf32>,
      %get3A_560 = arith.index_cast %scan3A_42 : i32 to index
      %get3A_561 = arith.constant 592 : index
      %get3A_562 = tpu.vector_load %arg8[%get3A_560, %get3A_561] {strides = array<i32>} : memref<32x768xf32, #tpu.memory_space<vmem>>, vector<1x16xf32>,
      %get3A_563 = vector.shape_cast %get3A_562 : vector<1x16xf32> to vector<16xf32>
      %get3A_564 = arith.index_cast %scan3A_42 : i32 to index
      %get3A_565 = arith.constant 592 : index
      %get3A_566 = tpu.vector_load %arg9[%get3A_564, %get3A_565] {strides = array<i32>} : memref<32x768xf32, #tpu.memory_space<vmem>>, vector<1x16xf32>,
      %get3A_567 = vector.shape_cast %get3A_566 : vector<1x16xf32> to vector<16xf32>
      %add3A_568 = arith.addf %get3A_563, %get3A_567 : vector<16xf32>
      %swap3A_569 = arith.index_cast %scan3A_42 : i32 to index
      %swap3A_570 = arith.constant 592 : index
      %swap3A_571 = tpu.vector_load %arg8[%swap3A_569, %swap3A_570] {strides = array<i32>} : memref<32x768xf32, #tpu.memory_space<vmem>>, vector<1x16xf32>,
      %swap3A_572 = vector.shape_cast %swap3A_571 : vector<1x16xf32> to vector<16xf32>
      %swap3A_573 = vector.shape_cast %add3A_568 : vector<16xf32> to vector<1x16xf32>
      tpu.vector_store %arg8[%swap3A_569, %swap3A_570], %swap3A_573 {strides = array<i32>} : memref<32x768xf32, #tpu.memory_space<vmem>>, vector<1x16xf32>,
      %get3A_574 = arith.index_cast %scan3A_42 : i32 to index
      %get3A_575 = arith.constant 608 : index
      %get3A_576 = tpu.vector_load %arg8[%get3A_574, %get3A_575] {strides = array<i32>} : memref<32x768xf32, #tpu.memory_space<vmem>>, vector<1x16xf32>,
      %get3A_577 = vector.shape_cast %get3A_576 : vector<1x16xf32> to vector<16xf32>
      %get3A_578 = arith.index_cast %scan3A_42 : i32 to index
      %get3A_579 = arith.constant 608 : index
      %get3A_580 = tpu.vector_load %arg9[%get3A_578, %get3A_579] {strides = array<i32>} : memref<32x768xf32, #tpu.memory_space<vmem>>, vector<1x16xf32>,
      %get3A_581 = vector.shape_cast %get3A_580 : vector<1x16xf32> to vector<16xf32>
      %add3A_582 = arith.addf %get3A_577, %get3A_581 : vector<16xf32>
      %swap3A_583 = arith.index_cast %scan3A_42 : i32 to index
      %swap3A_584 = arith.constant 608 : index
      %swap3A_585 = tpu.vector_load %arg8[%swap3A_583, %swap3A_584] {strides = array<i32>} : memref<32x768xf32, #tpu.memory_space<vmem>>, vector<1x16xf32>,
      %swap3A_586 = vector.shape_cast %swap3A_585 : vector<1x16xf32> to vector<16xf32>
      %swap3A_587 = vector.shape_cast %add3A_582 : vector<16xf32> to vector<1x16xf32>
      tpu.vector_store %arg8[%swap3A_583, %swap3A_584], %swap3A_587 {strides = array<i32>} : memref<32x768xf32, #tpu.memory_space<vmem>>, vector<1x16xf32>,
      %get3A_588 = arith.index_cast %scan3A_42 : i32 to index
      %get3A_589 = arith.constant 624 : index
      %get3A_590 = tpu.vector_load %arg8[%get3A_588, %get3A_589] {strides = array<i32>} : memref<32x768xf32, #tpu.memory_space<vmem>>, vector<1x16xf32>,
      %get3A_591 = vector.shape_cast %get3A_590 : vector<1x16xf32> to vector<16xf32>
      %get3A_592 = arith.index_cast %scan3A_42 : i32 to index
      %get3A_593 = arith.constant 624 : index
      %get3A_594 = tpu.vector_load %arg9[%get3A_592, %get3A_593] {strides = array<i32>} : memref<32x768xf32, #tpu.memory_space<vmem>>, vector<1x16xf32>,
      %get3A_595 = vector.shape_cast %get3A_594 : vector<1x16xf32> to vector<16xf32>
      %add3A_596 = arith.addf %get3A_591, %get3A_595 : vector<16xf32>
      %swap3A_597 = arith.index_cast %scan3A_42 : i32 to index
      %swap3A_598 = arith.constant 624 : index
      %swap3A_599 = tpu.vector_load %arg8[%swap3A_597, %swap3A_598] {strides = array<i32>} : memref<32x768xf32, #tpu.memory_space<vmem>>, vector<1x16xf32>,
      %swap3A_600 = vector.shape_cast %swap3A_599 : vector<1x16xf32> to vector<16xf32>
      %swap3A_601 = vector.shape_cast %add3A_596 : vector<16xf32> to vector<1x16xf32>
      tpu.vector_store %arg8[%swap3A_597, %swap3A_598], %swap3A_601 {strides = array<i32>} : memref<32x768xf32, #tpu.memory_space<vmem>>, vector<1x16xf32>,
      %get3A_602 = arith.index_cast %scan3A_42 : i32 to index
      %get3A_603 = arith.constant 640 : index
      %get3A_604 = tpu.vector_load %arg8[%get3A_602, %get3A_603] {strides = array<i32>} : memref<32x768xf32, #tpu.memory_space<vmem>>, vector<1x16xf32>,
      %get3A_605 = vector.shape_cast %get3A_604 : vector<1x16xf32> to vector<16xf32>
      %get3A_606 = arith.index_cast %scan3A_42 : i32 to index
      %get3A_607 = arith.constant 640 : index
      %get3A_608 = tpu.vector_load %arg9[%get3A_606, %get3A_607] {strides = array<i32>} : memref<32x768xf32, #tpu.memory_space<vmem>>, vector<1x16xf32>,
      %get3A_609 = vector.shape_cast %get3A_608 : vector<1x16xf32> to vector<16xf32>
      %add3A_610 = arith.addf %get3A_605, %get3A_609 : vector<16xf32>
      %swap3A_611 = arith.index_cast %scan3A_42 : i32 to index
      %swap3A_612 = arith.constant 640 : index
      %swap3A_613 = tpu.vector_load %arg8[%swap3A_611, %swap3A_612] {strides = array<i32>} : memref<32x768xf32, #tpu.memory_space<vmem>>, vector<1x16xf32>,
      %swap3A_614 = vector.shape_cast %swap3A_613 : vector<1x16xf32> to vector<16xf32>
      %swap3A_615 = vector.shape_cast %add3A_610 : vector<16xf32> to vector<1x16xf32>
      tpu.vector_store %arg8[%swap3A_611, %swap3A_612], %swap3A_615 {strides = array<i32>} : memref<32x768xf32, #tpu.memory_space<vmem>>, vector<1x16xf32>,
      %get3A_616 = arith.index_cast %scan3A_42 : i32 to index
      %get3A_617 = arith.constant 656 : index
      %get3A_618 = tpu.vector_load %arg8[%get3A_616, %get3A_617] {strides = array<i32>} : memref<32x768xf32, #tpu.memory_space<vmem>>, vector<1x16xf32>,
      %get3A_619 = vector.shape_cast %get3A_618 : vector<1x16xf32> to vector<16xf32>
      %get3A_620 = arith.index_cast %scan3A_42 : i32 to index
      %get3A_621 = arith.constant 656 : index
      %get3A_622 = tpu.vector_load %arg9[%get3A_620, %get3A_621] {strides = array<i32>} : memref<32x768xf32, #tpu.memory_space<vmem>>, vector<1x16xf32>,
      %get3A_623 = vector.shape_cast %get3A_622 : vector<1x16xf32> to vector<16xf32>
      %add3A_624 = arith.addf %get3A_619, %get3A_623 : vector<16xf32>
      %swap3A_625 = arith.index_cast %scan3A_42 : i32 to index
      %swap3A_626 = arith.constant 656 : index
      %swap3A_627 = tpu.vector_load %arg8[%swap3A_625, %swap3A_626] {strides = array<i32>} : memref<32x768xf32, #tpu.memory_space<vmem>>, vector<1x16xf32>,
      %swap3A_628 = vector.shape_cast %swap3A_627 : vector<1x16xf32> to vector<16xf32>
      %swap3A_629 = vector.shape_cast %add3A_624 : vector<16xf32> to vector<1x16xf32>
      tpu.vector_store %arg8[%swap3A_625, %swap3A_626], %swap3A_629 {strides = array<i32>} : memref<32x768xf32, #tpu.memory_space<vmem>>, vector<1x16xf32>,
      %get3A_630 = arith.index_cast %scan3A_42 : i32 to index
      %get3A_631 = arith.constant 672 : index
      %get3A_632 = tpu.vector_load %arg8[%get3A_630, %get3A_631] {strides = array<i32>} : memref<32x768xf32, #tpu.memory_space<vmem>>, vector<1x16xf32>,
      %get3A_633 = vector.shape_cast %get3A_632 : vector<1x16xf32> to vector<16xf32>
      %get3A_634 = arith.index_cast %scan3A_42 : i32 to index
      %get3A_635 = arith.constant 672 : index
      %get3A_636 = tpu.vector_load %arg9[%get3A_634, %get3A_635] {strides = array<i32>} : memref<32x768xf32, #tpu.memory_space<vmem>>, vector<1x16xf32>,
      %get3A_637 = vector.shape_cast %get3A_636 : vector<1x16xf32> to vector<16xf32>
      %add3A_638 = arith.addf %get3A_633, %get3A_637 : vector<16xf32>
      %swap3A_639 = arith.index_cast %scan3A_42 : i32 to index
      %swap3A_640 = arith.constant 672 : index
      %swap3A_641 = tpu.vector_load %arg8[%swap3A_639, %swap3A_640] {strides = array<i32>} : memref<32x768xf32, #tpu.memory_space<vmem>>, vector<1x16xf32>,
      %swap3A_642 = vector.shape_cast %swap3A_641 : vector<1x16xf32> to vector<16xf32>
      %swap3A_643 = vector.shape_cast %add3A_638 : vector<16xf32> to vector<1x16xf32>
      tpu.vector_store %arg8[%swap3A_639, %swap3A_640], %swap3A_643 {strides = array<i32>} : memref<32x768xf32, #tpu.memory_space<vmem>>, vector<1x16xf32>,
      %get3A_644 = arith.index_cast %scan3A_42 : i32 to index
      %get3A_645 = arith.constant 688 : index
      %get3A_646 = tpu.vector_load %arg8[%get3A_644, %get3A_645] {strides = array<i32>} : memref<32x768xf32, #tpu.memory_space<vmem>>, vector<1x16xf32>,
      %get3A_647 = vector.shape_cast %get3A_646 : vector<1x16xf32> to vector<16xf32>
      %get3A_648 = arith.index_cast %scan3A_42 : i32 to index
      %get3A_649 = arith.constant 688 : index
      %get3A_650 = tpu.vector_load %arg9[%get3A_648, %get3A_649] {strides = array<i32>} : memref<32x768xf32, #tpu.memory_space<vmem>>, vector<1x16xf32>,
      %get3A_651 = vector.shape_cast %get3A_650 : vector<1x16xf32> to vector<16xf32>
      %add3A_652 = arith.addf %get3A_647, %get3A_651 : vector<16xf32>
      %swap3A_653 = arith.index_cast %scan3A_42 : i32 to index
      %swap3A_654 = arith.constant 688 : index
      %swap3A_655 = tpu.vector_load %arg8[%swap3A_653, %swap3A_654] {strides = array<i32>} : memref<32x768xf32, #tpu.memory_space<vmem>>, vector<1x16xf32>,
      %swap3A_656 = vector.shape_cast %swap3A_655 : vector<1x16xf32> to vector<16xf32>
      %swap3A_657 = vector.shape_cast %add3A_652 : vector<16xf32> to vector<1x16xf32>
      tpu.vector_store %arg8[%swap3A_653, %swap3A_654], %swap3A_657 {strides = array<i32>} : memref<32x768xf32, #tpu.memory_space<vmem>>, vector<1x16xf32>,
      %get3A_658 = arith.index_cast %scan3A_42 : i32 to index
      %get3A_659 = arith.constant 704 : index
      %get3A_660 = tpu.vector_load %arg8[%get3A_658, %get3A_659] {strides = array<i32>} : memref<32x768xf32, #tpu.memory_space<vmem>>, vector<1x16xf32>,
      %get3A_661 = vector.shape_cast %get3A_660 : vector<1x16xf32> to vector<16xf32>
      %get3A_662 = arith.index_cast %scan3A_42 : i32 to index
      %get3A_663 = arith.constant 704 : index
      %get3A_664 = tpu.vector_load %arg9[%get3A_662, %get3A_663] {strides = array<i32>} : memref<32x768xf32, #tpu.memory_space<vmem>>, vector<1x16xf32>,
      %get3A_665 = vector.shape_cast %get3A_664 : vector<1x16xf32> to vector<16xf32>
      %add3A_666 = arith.addf %get3A_661, %get3A_665 : vector<16xf32>
      %swap3A_667 = arith.index_cast %scan3A_42 : i32 to index
      %swap3A_668 = arith.constant 704 : index
      %swap3A_669 = tpu.vector_load %arg8[%swap3A_667, %swap3A_668] {strides = array<i32>} : memref<32x768xf32, #tpu.memory_space<vmem>>, vector<1x16xf32>,
      %swap3A_670 = vector.shape_cast %swap3A_669 : vector<1x16xf32> to vector<16xf32>
      %swap3A_671 = vector.shape_cast %add3A_666 : vector<16xf32> to vector<1x16xf32>
      tpu.vector_store %arg8[%swap3A_667, %swap3A_668], %swap3A_671 {strides = array<i32>} : memref<32x768xf32, #tpu.memory_space<vmem>>, vector<1x16xf32>,
      %get3A_672 = arith.index_cast %scan3A_42 : i32 to index
      %get3A_673 = arith.constant 720 : index
      %get3A_674 = tpu.vector_load %arg8[%get3A_672, %get3A_673] {strides = array<i32>} : memref<32x768xf32, #tpu.memory_space<vmem>>, vector<1x16xf32>,
      %get3A_675 = vector.shape_cast %get3A_674 : vector<1x16xf32> to vector<16xf32>
      %get3A_676 = arith.index_cast %scan3A_42 : i32 to index
      %get3A_677 = arith.constant 720 : index
      %get3A_678 = tpu.vector_load %arg9[%get3A_676, %get3A_677] {strides = array<i32>} : memref<32x768xf32, #tpu.memory_space<vmem>>, vector<1x16xf32>,
      %get3A_679 = vector.shape_cast %get3A_678 : vector<1x16xf32> to vector<16xf32>
      %add3A_680 = arith.addf %get3A_675, %get3A_679 : vector<16xf32>
      %swap3A_681 = arith.index_cast %scan3A_42 : i32 to index
      %swap3A_682 = arith.constant 720 : index
      %swap3A_683 = tpu.vector_load %arg8[%swap3A_681, %swap3A_682] {strides = array<i32>} : memref<32x768xf32, #tpu.memory_space<vmem>>, vector<1x16xf32>,
      %swap3A_684 = vector.shape_cast %swap3A_683 : vector<1x16xf32> to vector<16xf32>
      %swap3A_685 = vector.shape_cast %add3A_680 : vector<16xf32> to vector<1x16xf32>
      tpu.vector_store %arg8[%swap3A_681, %swap3A_682], %swap3A_685 {strides = array<i32>} : memref<32x768xf32, #tpu.memory_space<vmem>>, vector<1x16xf32>,
      %get3A_686 = arith.index_cast %scan3A_42 : i32 to index
      %get3A_687 = arith.constant 736 : index
      %get3A_688 = tpu.vector_load %arg8[%get3A_686, %get3A_687] {strides = array<i32>} : memref<32x768xf32, #tpu.memory_space<vmem>>, vector<1x16xf32>,
      %get3A_689 = vector.shape_cast %get3A_688 : vector<1x16xf32> to vector<16xf32>
      %get3A_690 = arith.index_cast %scan3A_42 : i32 to index
      %get3A_691 = arith.constant 736 : index
      %get3A_692 = tpu.vector_load %arg9[%get3A_690, %get3A_691] {strides = array<i32>} : memref<32x768xf32, #tpu.memory_space<vmem>>, vector<1x16xf32>,
      %get3A_693 = vector.shape_cast %get3A_692 : vector<1x16xf32> to vector<16xf32>
      %add3A_694 = arith.addf %get3A_689, %get3A_693 : vector<16xf32>
      %swap3A_695 = arith.index_cast %scan3A_42 : i32 to index
      %swap3A_696 = arith.constant 736 : index
      %swap3A_697 = tpu.vector_load %arg8[%swap3A_695, %swap3A_696] {strides = array<i32>} : memref<32x768xf32, #tpu.memory_space<vmem>>, vector<1x16xf32>,
      %swap3A_698 = vector.shape_cast %swap3A_697 : vector<1x16xf32> to vector<16xf32>
      %swap3A_699 = vector.shape_cast %add3A_694 : vector<16xf32> to vector<1x16xf32>
      tpu.vector_store %arg8[%swap3A_695, %swap3A_696], %swap3A_699 {strides = array<i32>} : memref<32x768xf32, #tpu.memory_space<vmem>>, vector<1x16xf32>,
      %get3A_700 = arith.index_cast %scan3A_42 : i32 to index
      %get3A_701 = arith.constant 752 : index
      %get3A_702 = tpu.vector_load %arg8[%get3A_700, %get3A_701] {strides = array<i32>} : memref<32x768xf32, #tpu.memory_space<vmem>>, vector<1x16xf32>,
      %get3A_703 = vector.shape_cast %get3A_702 : vector<1x16xf32> to vector<16xf32>
      %get3A_704 = arith.index_cast %scan3A_42 : i32 to index
      %get3A_705 = arith.constant 752 : index
      %get3A_706 = tpu.vector_load %arg9[%get3A_704, %get3A_705] {strides = array<i32>} : memref<32x768xf32, #tpu.memory_space<vmem>>, vector<1x16xf32>,
      %get3A_707 = vector.shape_cast %get3A_706 : vector<1x16xf32> to vector<16xf32>
      %add3A_708 = arith.addf %get3A_703, %get3A_707 : vector<16xf32>
      %swap3A_709 = arith.index_cast %scan3A_42 : i32 to index
      %swap3A_710 = arith.constant 752 : index
      %swap3A_711 = tpu.vector_load %arg8[%swap3A_709, %swap3A_710] {strides = array<i32>} : memref<32x768xf32, #tpu.memory_space<vmem>>, vector<1x16xf32>,
      %swap3A_712 = vector.shape_cast %swap3A_711 : vector<1x16xf32> to vector<16xf32>
      %swap3A_713 = vector.shape_cast %add3A_708 : vector<16xf32> to vector<1x16xf32>
      tpu.vector_store %arg8[%swap3A_709, %swap3A_710], %swap3A_713 {strides = array<i32>} : memref<32x768xf32, #tpu.memory_space<vmem>>, vector<1x16xf32>,
      %scan3A_714 = arith.constant 0 : i32
      scf.yield %scan3A_714 : i32
    }
    %scan3A_20 = arith.constant 32 : i32
    "tpu.region"() ({
      %run_scoped3A = tpu.sem_alloc : memref<!tpu.dma_semaphore, #tpu.memory_space<semaphore_mem>>
      %dma_start3A_42 = arith.constant 0 : i32
      %dma_start3A_43 = tpu.memref_slice %arg5[%add3A_4, %dma_start3A_42] : memref<2048x768xf32, #tpu.memory_space<hbm>> -> memref<32x768xf32, #tpu.memory_space<hbm>>
      %dma_start3A_44 = arith.constant 0 : i32
      %dma_start3A_45 = tpu.memref_slice %arg5[%add3A_4, %dma_start3A_44] : memref<2048x768xf32, #tpu.memory_space<hbm>> -> memref<32x768xf32, #tpu.memory_space<hbm>>
      tpu.enqueue_dma source(%arg8 : memref<32x768xf32, #tpu.memory_space<vmem>>) target(%dma_start3A_45 : memref<32x768xf32, #tpu.memory_space<hbm>>) target_semaphore(%run_scoped3A : memref<!tpu.dma_semaphore, #tpu.memory_space<semaphore_mem>>)
      %dma_wait3A_46 = arith.constant 0 : i32
      %dma_wait3A_47 = tpu.memref_slice %arg5[%add3A_4, %dma_wait3A_46] : memref<2048x768xf32, #tpu.memory_space<hbm>> -> memref<32x768xf32, #tpu.memory_space<hbm>>
      %dma_wait3A_48 = arith.constant 0 : i32
      %dma_wait3A_49 = tpu.memref_slice %arg5[%add3A_4, %dma_wait3A_48] : memref<2048x768xf32, #tpu.memory_space<hbm>> -> memref<32x768xf32, #tpu.memory_space<hbm>>
      tpu.wait_dma2 semaphore(%run_scoped3A : memref<!tpu.dma_semaphore, #tpu.memory_space<semaphore_mem>>) src(%arg8 : memref<32x768xf32, #tpu.memory_space<vmem>>) dst(%dma_wait3A_49 : memref<32x768xf32, #tpu.memory_space<hbm>>)
      tpu.yield
    }) : () -> ()
    %add3A_21 = arith.constant 32 : i32
    %add3A_22 = arith.addi %mul3A_2, %add3A_21 : i32
    "tpu.region"() ({
      %run_scoped3A = tpu.sem_alloc : memref<!tpu.dma_semaphore, #tpu.memory_space<semaphore_mem>>
      %dma_start3A_42 = tpu.memref_slice %arg3[%add3A_22] : memref<2048xi32, #tpu.memory_space<hbm>> -> memref<32xi32, #tpu.memory_space<hbm>>
      %dma_start3A_43 = tpu.memref_slice %arg3[%add3A_22] : memref<2048xi32, #tpu.memory_space<hbm>> -> memref<32xi32, #tpu.memory_space<hbm>>
      tpu.enqueue_dma source(%dma_start3A_43 : memref<32xi32, #tpu.memory_space<hbm>>) target(%arg6 : memref<32xi32, #tpu.memory_space<vmem>>) target_semaphore(%run_scoped3A : memref<!tpu.dma_semaphore, #tpu.memory_space<semaphore_mem>>)
      %dma_wait3A_44 = tpu.memref_slice %arg3[%add3A_22] : memref<2048xi32, #tpu.memory_space<hbm>> -> memref<32xi32, #tpu.memory_space<hbm>>
      %dma_wait3A_45 = tpu.memref_slice %arg3[%add3A_22] : memref<2048xi32, #tpu.memory_space<hbm>> -> memref<32xi32, #tpu.memory_space<hbm>>
      tpu.wait_dma2 semaphore(%run_scoped3A : memref<!tpu.dma_semaphore, #tpu.memory_space<semaphore_mem>>) src(%dma_wait3A_45 : memref<32xi32, #tpu.memory_space<hbm>>) dst(%arg6 : memref<32xi32, #tpu.memory_space<vmem>>)
      tpu.yield
    }) : () -> ()
    "tpu.region"() ({
      %run_scoped3A = tpu.sem_alloc : memref<!tpu.dma_semaphore, #tpu.memory_space<semaphore_mem>>
      %dma_start3A_42 = tpu.memref_slice %arg4[%add3A_22] : memref<2048xi32, #tpu.memory_space<hbm>> -> memref<32xi32, #tpu.memory_space<hbm>>
      %dma_start3A_43 = tpu.memref_slice %arg4[%add3A_22] : memref<2048xi32, #tpu.memory_space<hbm>> -> memref<32xi32, #tpu.memory_space<hbm>>
      tpu.enqueue_dma source(%dma_start3A_43 : memref<32xi32, #tpu.memory_space<hbm>>) target(%arg7 : memref<32xi32, #tpu.memory_space<vmem>>) target_semaphore(%run_scoped3A : memref<!tpu.dma_semaphore, #tpu.memory_space<semaphore_mem>>)
      %dma_wait3A_44 = tpu.memref_slice %arg4[%add3A_22] : memref<2048xi32, #tpu.memory_space<hbm>> -> memref<32xi32, #tpu.memory_space<hbm>>
      %dma_wait3A_45 = tpu.memref_slice %arg4[%add3A_22] : memref<2048xi32, #tpu.memory_space<hbm>> -> memref<32xi32, #tpu.memory_space<hbm>>
      tpu.wait_dma2 semaphore(%run_scoped3A : memref<!tpu.dma_semaphore, #tpu.memory_space<semaphore_mem>>) src(%dma_wait3A_45 : memref<32xi32, #tpu.memory_space<hbm>>) dst(%arg7 : memref<32xi32, #tpu.memory_space<vmem>>)
      tpu.yield
    }) : () -> ()
    %dma_start3A_23 = arith.constant 0 : i32
    %dma_start3A_24 = arith.constant 0 : i32
    %dma_start3A_25 = tpu.memref_slice %arg2[%dma_start3A_23, %dma_start3A_24] : memref<6144x768xf32, #tpu.memory_space<hbm>> -> memref<6144x768xf32, #tpu.memory_space<hbm>>
    tpu.enqueue_indirect_dma source(%dma_start3A_25 : memref<6144x768xf32, #tpu.memory_space<hbm>>) target(%arg8 : memref<32x768xf32, #tpu.memory_space<vmem>>) offsets(%arg6 : memref<32xi32, #tpu.memory_space<vmem>>) semaphore(%arg10 : memref<!tpu.dma_semaphore, #tpu.memory_space<semaphore_mem>>)
    %dma_start3A_26 = arith.constant 0 : i32
    %dma_start3A_27 = arith.constant 0 : i32
    %dma_start3A_28 = tpu.memref_slice %arg2[%dma_start3A_26, %dma_start3A_27] : memref<6144x768xf32, #tpu.memory_space<hbm>> -> memref<6144x768xf32, #tpu.memory_space<hbm>>
    tpu.enqueue_indirect_dma source(%dma_start3A_28 : memref<6144x768xf32, #tpu.memory_space<hbm>>) target(%arg9 : memref<32x768xf32, #tpu.memory_space<vmem>>) offsets(%arg7 : memref<32xi32, #tpu.memory_space<vmem>>) semaphore(%arg11 : memref<!tpu.dma_semaphore, #tpu.memory_space<semaphore_mem>>)
    %dma_wait3A_29 = arith.constant 0 : i32
    %dma_wait3A_30 = arith.constant 0 : i32
    %dma_wait3A_31 = tpu.memref_slice %arg2[%dma_wait3A_29, %dma_wait3A_30] : memref<6144x768xf32, #tpu.memory_space<hbm>> -> memref<6144x768xf32, #tpu.memory_space<hbm>>
    tpu.wait_indirect_dma semaphore(%arg10 : memref<!tpu.dma_semaphore, #tpu.memory_space<semaphore_mem>>) src(%dma_wait3A_31 : memref<6144x768xf32, #tpu.memory_space<hbm>>) dst(%arg8 : memref<32x768xf32, #tpu.memory_space<vmem>>)
    %dma_wait3A_32 = arith.constant 0 : i32
    %dma_wait3A_33 = arith.constant 0 : i32
    %dma_wait3A_34 = tpu.memref_slice %arg2[%dma_wait3A_32, %dma_wait3A_33] : memref<6144x768xf32, #tpu.memory_space<hbm>> -> memref<6144x768xf32, #tpu.memory_space<hbm>>
    tpu.wait_indirect_dma semaphore(%arg11 : memref<!tpu.dma_semaphore, #tpu.memory_space<semaphore_mem>>) src(%dma_wait3A_34 : memref<6144x768xf32, #tpu.memory_space<hbm>>) dst(%arg9 : memref<32x768xf32, #tpu.memory_space<vmem>>)
    %scan3A_35 = arith.constant 0 : i32
    %scan3A_36 = arith.constant 0 : i32
    %scan3A_37 = arith.constant 32 : i32
    %scan3A_38 = arith.addi %scan3A_36, %scan3A_37 : i32
    %scan3A_39 = arith.constant 1 : i32
    %scan3A_40 = scf.for %scan3A_42 = %scan3A_36 to %scan3A_38 step %scan3A_39 iter_args(%scan3A_43 = %scan3A_35) -> (i32)  : i32 {
      %get3A = arith.index_cast %scan3A_42 : i32 to index
      %get3A_44 = arith.constant 0 : index
      %get3A_45 = tpu.vector_load %arg8[%get3A, %get3A_44] {strides = array<i32>} : memref<32x768xf32, #tpu.memory_space<vmem>>, vector<1x16xf32>,
      %get3A_46 = vector.shape_cast %get3A_45 : vector<1x16xf32> to vector<16xf32>
      %get3A_47 = arith.index_cast %scan3A_42 : i32 to index
      %get3A_48 = arith.constant 0 : index
      %get3A_49 = tpu.vector_load %arg9[%get3A_47, %get3A_48] {strides = array<i32>} : memref<32x768xf32, #tpu.memory_space<vmem>>, vector<1x16xf32>,
      %get3A_50 = vector.shape_cast %get3A_49 : vector<1x16xf32> to vector<16xf32>
      %add3A_51 = arith.addf %get3A_46, %get3A_50 : vector<16xf32>
      %swap3A = arith.index_cast %scan3A_42 : i32 to index
      %swap3A_52 = arith.constant 0 : index
      %swap3A_53 = tpu.vector_load %arg8[%swap3A, %swap3A_52] {strides = array<i32>} : memref<32x768xf32, #tpu.memory_space<vmem>>, vector<1x16xf32>,
      %swap3A_54 = vector.shape_cast %swap3A_53 : vector<1x16xf32> to vector<16xf32>
      %swap3A_55 = vector.shape_cast %add3A_51 : vector<16xf32> to vector<1x16xf32>
      tpu.vector_store %arg8[%swap3A, %swap3A_52], %swap3A_55 {strides = array<i32>} : memref<32x768xf32, #tpu.memory_space<vmem>>, vector<1x16xf32>,
      %get3A_56 = arith.index_cast %scan3A_42 : i32 to index
      %get3A_57 = arith.constant 16 : index
      %get3A_58 = tpu.vector_load %arg8[%get3A_56, %get3A_57] {strides = array<i32>} : memref<32x768xf32, #tpu.memory_space<vmem>>, vector<1x16xf32>,
      %get3A_59 = vector.shape_cast %get3A_58 : vector<1x16xf32> to vector<16xf32>
      %get3A_60 = arith.index_cast %scan3A_42 : i32 to index
      %get3A_61 = arith.constant 16 : index
      %get3A_62 = tpu.vector_load %arg9[%get3A_60, %get3A_61] {strides = array<i32>} : memref<32x768xf32, #tpu.memory_space<vmem>>, vector<1x16xf32>,
      %get3A_63 = vector.shape_cast %get3A_62 : vector<1x16xf32> to vector<16xf32>
      %add3A_64 = arith.addf %get3A_59, %get3A_63 : vector<16xf32>
      %swap3A_65 = arith.index_cast %scan3A_42 : i32 to index
      %swap3A_66 = arith.constant 16 : index
      %swap3A_67 = tpu.vector_load %arg8[%swap3A_65, %swap3A_66] {strides = array<i32>} : memref<32x768xf32, #tpu.memory_space<vmem>>, vector<1x16xf32>,
      %swap3A_68 = vector.shape_cast %swap3A_67 : vector<1x16xf32> to vector<16xf32>
      %swap3A_69 = vector.shape_cast %add3A_64 : vector<16xf32> to vector<1x16xf32>
      tpu.vector_store %arg8[%swap3A_65, %swap3A_66], %swap3A_69 {strides = array<i32>} : memref<32x768xf32, #tpu.memory_space<vmem>>, vector<1x16xf32>,
      %get3A_70 = arith.index_cast %scan3A_42 : i32 to index
      %get3A_71 = arith.constant 32 : index
      %get3A_72 = tpu.vector_load %arg8[%get3A_70, %get3A_71] {strides = array<i32>} : memref<32x768xf32, #tpu.memory_space<vmem>>, vector<1x16xf32>,
      %get3A_73 = vector.shape_cast %get3A_72 : vector<1x16xf32> to vector<16xf32>
      %get3A_74 = arith.index_cast %scan3A_42 : i32 to index
      %get3A_75 = arith.constant 32 : index
      %get3A_76 = tpu.vector_load %arg9[%get3A_74, %get3A_75] {strides = array<i32>} : memref<32x768xf32, #tpu.memory_space<vmem>>, vector<1x16xf32>,
      %get3A_77 = vector.shape_cast %get3A_76 : vector<1x16xf32> to vector<16xf32>
      %add3A_78 = arith.addf %get3A_73, %get3A_77 : vector<16xf32>
      %swap3A_79 = arith.index_cast %scan3A_42 : i32 to index
      %swap3A_80 = arith.constant 32 : index
      %swap3A_81 = tpu.vector_load %arg8[%swap3A_79, %swap3A_80] {strides = array<i32>} : memref<32x768xf32, #tpu.memory_space<vmem>>, vector<1x16xf32>,
      %swap3A_82 = vector.shape_cast %swap3A_81 : vector<1x16xf32> to vector<16xf32>
      %swap3A_83 = vector.shape_cast %add3A_78 : vector<16xf32> to vector<1x16xf32>
      tpu.vector_store %arg8[%swap3A_79, %swap3A_80], %swap3A_83 {strides = array<i32>} : memref<32x768xf32, #tpu.memory_space<vmem>>, vector<1x16xf32>,
      %get3A_84 = arith.index_cast %scan3A_42 : i32 to index
      %get3A_85 = arith.constant 48 : index
      %get3A_86 = tpu.vector_load %arg8[%get3A_84, %get3A_85] {strides = array<i32>} : memref<32x768xf32, #tpu.memory_space<vmem>>, vector<1x16xf32>,
      %get3A_87 = vector.shape_cast %get3A_86 : vector<1x16xf32> to vector<16xf32>
      %get3A_88 = arith.index_cast %scan3A_42 : i32 to index
      %get3A_89 = arith.constant 48 : index
      %get3A_90 = tpu.vector_load %arg9[%get3A_88, %get3A_89] {strides = array<i32>} : memref<32x768xf32, #tpu.memory_space<vmem>>, vector<1x16xf32>,
      %get3A_91 = vector.shape_cast %get3A_90 : vector<1x16xf32> to vector<16xf32>
      %add3A_92 = arith.addf %get3A_87, %get3A_91 : vector<16xf32>
      %swap3A_93 = arith.index_cast %scan3A_42 : i32 to index
      %swap3A_94 = arith.constant 48 : index
      %swap3A_95 = tpu.vector_load %arg8[%swap3A_93, %swap3A_94] {strides = array<i32>} : memref<32x768xf32, #tpu.memory_space<vmem>>, vector<1x16xf32>,
      %swap3A_96 = vector.shape_cast %swap3A_95 : vector<1x16xf32> to vector<16xf32>
      %swap3A_97 = vector.shape_cast %add3A_92 : vector<16xf32> to vector<1x16xf32>
      tpu.vector_store %arg8[%swap3A_93, %swap3A_94], %swap3A_97 {strides = array<i32>} : memref<32x768xf32, #tpu.memory_space<vmem>>, vector<1x16xf32>,
      %get3A_98 = arith.index_cast %scan3A_42 : i32 to index
      %get3A_99 = arith.constant 64 : index
      %get3A_100 = tpu.vector_load %arg8[%get3A_98, %get3A_99] {strides = array<i32>} : memref<32x768xf32, #tpu.memory_space<vmem>>, vector<1x16xf32>,
      %get3A_101 = vector.shape_cast %get3A_100 : vector<1x16xf32> to vector<16xf32>
      %get3A_102 = arith.index_cast %scan3A_42 : i32 to index
      %get3A_103 = arith.constant 64 : index
      %get3A_104 = tpu.vector_load %arg9[%get3A_102, %get3A_103] {strides = array<i32>} : memref<32x768xf32, #tpu.memory_space<vmem>>, vector<1x16xf32>,
      %get3A_105 = vector.shape_cast %get3A_104 : vector<1x16xf32> to vector<16xf32>
      %add3A_106 = arith.addf %get3A_101, %get3A_105 : vector<16xf32>
      %swap3A_107 = arith.index_cast %scan3A_42 : i32 to index
      %swap3A_108 = arith.constant 64 : index
      %swap3A_109 = tpu.vector_load %arg8[%swap3A_107, %swap3A_108] {strides = array<i32>} : memref<32x768xf32, #tpu.memory_space<vmem>>, vector<1x16xf32>,
      %swap3A_110 = vector.shape_cast %swap3A_109 : vector<1x16xf32> to vector<16xf32>
      %swap3A_111 = vector.shape_cast %add3A_106 : vector<16xf32> to vector<1x16xf32>
      tpu.vector_store %arg8[%swap3A_107, %swap3A_108], %swap3A_111 {strides = array<i32>} : memref<32x768xf32, #tpu.memory_space<vmem>>, vector<1x16xf32>,
      %get3A_112 = arith.index_cast %scan3A_42 : i32 to index
      %get3A_113 = arith.constant 80 : index
      %get3A_114 = tpu.vector_load %arg8[%get3A_112, %get3A_113] {strides = array<i32>} : memref<32x768xf32, #tpu.memory_space<vmem>>, vector<1x16xf32>,
      %get3A_115 = vector.shape_cast %get3A_114 : vector<1x16xf32> to vector<16xf32>
      %get3A_116 = arith.index_cast %scan3A_42 : i32 to index
      %get3A_117 = arith.constant 80 : index
      %get3A_118 = tpu.vector_load %arg9[%get3A_116, %get3A_117] {strides = array<i32>} : memref<32x768xf32, #tpu.memory_space<vmem>>, vector<1x16xf32>,
      %get3A_119 = vector.shape_cast %get3A_118 : vector<1x16xf32> to vector<16xf32>
      %add3A_120 = arith.addf %get3A_115, %get3A_119 : vector<16xf32>
      %swap3A_121 = arith.index_cast %scan3A_42 : i32 to index
      %swap3A_122 = arith.constant 80 : index
      %swap3A_123 = tpu.vector_load %arg8[%swap3A_121, %swap3A_122] {strides = array<i32>} : memref<32x768xf32, #tpu.memory_space<vmem>>, vector<1x16xf32>,
      %swap3A_124 = vector.shape_cast %swap3A_123 : vector<1x16xf32> to vector<16xf32>
      %swap3A_125 = vector.shape_cast %add3A_120 : vector<16xf32> to vector<1x16xf32>
      tpu.vector_store %arg8[%swap3A_121, %swap3A_122], %swap3A_125 {strides = array<i32>} : memref<32x768xf32, #tpu.memory_space<vmem>>, vector<1x16xf32>,
      %get3A_126 = arith.index_cast %scan3A_42 : i32 to index
      %get3A_127 = arith.constant 96 : index
      %get3A_128 = tpu.vector_load %arg8[%get3A_126, %get3A_127] {strides = array<i32>} : memref<32x768xf32, #tpu.memory_space<vmem>>, vector<1x16xf32>,
      %get3A_129 = vector.shape_cast %get3A_128 : vector<1x16xf32> to vector<16xf32>
      %get3A_130 = arith.index_cast %scan3A_42 : i32 to index
      %get3A_131 = arith.constant 96 : index
      %get3A_132 = tpu.vector_load %arg9[%get3A_130, %get3A_131] {strides = array<i32>} : memref<32x768xf32, #tpu.memory_space<vmem>>, vector<1x16xf32>,
      %get3A_133 = vector.shape_cast %get3A_132 : vector<1x16xf32> to vector<16xf32>
      %add3A_134 = arith.addf %get3A_129, %get3A_133 : vector<16xf32>
      %swap3A_135 = arith.index_cast %scan3A_42 : i32 to index
      %swap3A_136 = arith.constant 96 : index
      %swap3A_137 = tpu.vector_load %arg8[%swap3A_135, %swap3A_136] {strides = array<i32>} : memref<32x768xf32, #tpu.memory_space<vmem>>, vector<1x16xf32>,
      %swap3A_138 = vector.shape_cast %swap3A_137 : vector<1x16xf32> to vector<16xf32>
      %swap3A_139 = vector.shape_cast %add3A_134 : vector<16xf32> to vector<1x16xf32>
      tpu.vector_store %arg8[%swap3A_135, %swap3A_136], %swap3A_139 {strides = array<i32>} : memref<32x768xf32, #tpu.memory_space<vmem>>, vector<1x16xf32>,
      %get3A_140 = arith.index_cast %scan3A_42 : i32 to index
      %get3A_141 = arith.constant 112 : index
      %get3A_142 = tpu.vector_load %arg8[%get3A_140, %get3A_141] {strides = array<i32>} : memref<32x768xf32, #tpu.memory_space<vmem>>, vector<1x16xf32>,
      %get3A_143 = vector.shape_cast %get3A_142 : vector<1x16xf32> to vector<16xf32>
      %get3A_144 = arith.index_cast %scan3A_42 : i32 to index
      %get3A_145 = arith.constant 112 : index
      %get3A_146 = tpu.vector_load %arg9[%get3A_144, %get3A_145] {strides = array<i32>} : memref<32x768xf32, #tpu.memory_space<vmem>>, vector<1x16xf32>,
      %get3A_147 = vector.shape_cast %get3A_146 : vector<1x16xf32> to vector<16xf32>
      %add3A_148 = arith.addf %get3A_143, %get3A_147 : vector<16xf32>
      %swap3A_149 = arith.index_cast %scan3A_42 : i32 to index
      %swap3A_150 = arith.constant 112 : index
      %swap3A_151 = tpu.vector_load %arg8[%swap3A_149, %swap3A_150] {strides = array<i32>} : memref<32x768xf32, #tpu.memory_space<vmem>>, vector<1x16xf32>,
      %swap3A_152 = vector.shape_cast %swap3A_151 : vector<1x16xf32> to vector<16xf32>
      %swap3A_153 = vector.shape_cast %add3A_148 : vector<16xf32> to vector<1x16xf32>
      tpu.vector_store %arg8[%swap3A_149, %swap3A_150], %swap3A_153 {strides = array<i32>} : memref<32x768xf32, #tpu.memory_space<vmem>>, vector<1x16xf32>,
      %get3A_154 = arith.index_cast %scan3A_42 : i32 to index
      %get3A_155 = arith.constant 128 : index
      %get3A_156 = tpu.vector_load %arg8[%get3A_154, %get3A_155] {strides = array<i32>} : memref<32x768xf32, #tpu.memory_space<vmem>>, vector<1x16xf32>,
      %get3A_157 = vector.shape_cast %get3A_156 : vector<1x16xf32> to vector<16xf32>
      %get3A_158 = arith.index_cast %scan3A_42 : i32 to index
      %get3A_159 = arith.constant 128 : index
      %get3A_160 = tpu.vector_load %arg9[%get3A_158, %get3A_159] {strides = array<i32>} : memref<32x768xf32, #tpu.memory_space<vmem>>, vector<1x16xf32>,
      %get3A_161 = vector.shape_cast %get3A_160 : vector<1x16xf32> to vector<16xf32>
      %add3A_162 = arith.addf %get3A_157, %get3A_161 : vector<16xf32>
      %swap3A_163 = arith.index_cast %scan3A_42 : i32 to index
      %swap3A_164 = arith.constant 128 : index
      %swap3A_165 = tpu.vector_load %arg8[%swap3A_163, %swap3A_164] {strides = array<i32>} : memref<32x768xf32, #tpu.memory_space<vmem>>, vector<1x16xf32>,
      %swap3A_166 = vector.shape_cast %swap3A_165 : vector<1x16xf32> to vector<16xf32>
      %swap3A_167 = vector.shape_cast %add3A_162 : vector<16xf32> to vector<1x16xf32>
      tpu.vector_store %arg8[%swap3A_163, %swap3A_164], %swap3A_167 {strides = array<i32>} : memref<32x768xf32, #tpu.memory_space<vmem>>, vector<1x16xf32>,
      %get3A_168 = arith.index_cast %scan3A_42 : i32 to index
      %get3A_169 = arith.constant 144 : index
      %get3A_170 = tpu.vector_load %arg8[%get3A_168, %get3A_169] {strides = array<i32>} : memref<32x768xf32, #tpu.memory_space<vmem>>, vector<1x16xf32>,
      %get3A_171 = vector.shape_cast %get3A_170 : vector<1x16xf32> to vector<16xf32>
      %get3A_172 = arith.index_cast %scan3A_42 : i32 to index
      %get3A_173 = arith.constant 144 : index
      %get3A_174 = tpu.vector_load %arg9[%get3A_172, %get3A_173] {strides = array<i32>} : memref<32x768xf32, #tpu.memory_space<vmem>>, vector<1x16xf32>,
      %get3A_175 = vector.shape_cast %get3A_174 : vector<1x16xf32> to vector<16xf32>
      %add3A_176 = arith.addf %get3A_171, %get3A_175 : vector<16xf32>
      %swap3A_177 = arith.index_cast %scan3A_42 : i32 to index
      %swap3A_178 = arith.constant 144 : index
      %swap3A_179 = tpu.vector_load %arg8[%swap3A_177, %swap3A_178] {strides = array<i32>} : memref<32x768xf32, #tpu.memory_space<vmem>>, vector<1x16xf32>,
      %swap3A_180 = vector.shape_cast %swap3A_179 : vector<1x16xf32> to vector<16xf32>
      %swap3A_181 = vector.shape_cast %add3A_176 : vector<16xf32> to vector<1x16xf32>
      tpu.vector_store %arg8[%swap3A_177, %swap3A_178], %swap3A_181 {strides = array<i32>} : memref<32x768xf32, #tpu.memory_space<vmem>>, vector<1x16xf32>,
      %get3A_182 = arith.index_cast %scan3A_42 : i32 to index
      %get3A_183 = arith.constant 160 : index
      %get3A_184 = tpu.vector_load %arg8[%get3A_182, %get3A_183] {strides = array<i32>} : memref<32x768xf32, #tpu.memory_space<vmem>>, vector<1x16xf32>,
      %get3A_185 = vector.shape_cast %get3A_184 : vector<1x16xf32> to vector<16xf32>
      %get3A_186 = arith.index_cast %scan3A_42 : i32 to index
      %get3A_187 = arith.constant 160 : index
      %get3A_188 = tpu.vector_load %arg9[%get3A_186, %get3A_187] {strides = array<i32>} : memref<32x768xf32, #tpu.memory_space<vmem>>, vector<1x16xf32>,
      %get3A_189 = vector.shape_cast %get3A_188 : vector<1x16xf32> to vector<16xf32>
      %add3A_190 = arith.addf %get3A_185, %get3A_189 : vector<16xf32>
      %swap3A_191 = arith.index_cast %scan3A_42 : i32 to index
      %swap3A_192 = arith.constant 160 : index
      %swap3A_193 = tpu.vector_load %arg8[%swap3A_191, %swap3A_192] {strides = array<i32>} : memref<32x768xf32, #tpu.memory_space<vmem>>, vector<1x16xf32>,
      %swap3A_194 = vector.shape_cast %swap3A_193 : vector<1x16xf32> to vector<16xf32>
      %swap3A_195 = vector.shape_cast %add3A_190 : vector<16xf32> to vector<1x16xf32>
      tpu.vector_store %arg8[%swap3A_191, %swap3A_192], %swap3A_195 {strides = array<i32>} : memref<32x768xf32, #tpu.memory_space<vmem>>, vector<1x16xf32>,
      %get3A_196 = arith.index_cast %scan3A_42 : i32 to index
      %get3A_197 = arith.constant 176 : index
      %get3A_198 = tpu.vector_load %arg8[%get3A_196, %get3A_197] {strides = array<i32>} : memref<32x768xf32, #tpu.memory_space<vmem>>, vector<1x16xf32>,
      %get3A_199 = vector.shape_cast %get3A_198 : vector<1x16xf32> to vector<16xf32>
      %get3A_200 = arith.index_cast %scan3A_42 : i32 to index
      %get3A_201 = arith.constant 176 : index
      %get3A_202 = tpu.vector_load %arg9[%get3A_200, %get3A_201] {strides = array<i32>} : memref<32x768xf32, #tpu.memory_space<vmem>>, vector<1x16xf32>,
      %get3A_203 = vector.shape_cast %get3A_202 : vector<1x16xf32> to vector<16xf32>
      %add3A_204 = arith.addf %get3A_199, %get3A_203 : vector<16xf32>
      %swap3A_205 = arith.index_cast %scan3A_42 : i32 to index
      %swap3A_206 = arith.constant 176 : index
      %swap3A_207 = tpu.vector_load %arg8[%swap3A_205, %swap3A_206] {strides = array<i32>} : memref<32x768xf32, #tpu.memory_space<vmem>>, vector<1x16xf32>,
      %swap3A_208 = vector.shape_cast %swap3A_207 : vector<1x16xf32> to vector<16xf32>
      %swap3A_209 = vector.shape_cast %add3A_204 : vector<16xf32> to vector<1x16xf32>
      tpu.vector_store %arg8[%swap3A_205, %swap3A_206], %swap3A_209 {strides = array<i32>} : memref<32x768xf32, #tpu.memory_space<vmem>>, vector<1x16xf32>,
      %get3A_210 = arith.index_cast %scan3A_42 : i32 to index
      %get3A_211 = arith.constant 192 : index
      %get3A_212 = tpu.vector_load %arg8[%get3A_210, %get3A_211] {strides = array<i32>} : memref<32x768xf32, #tpu.memory_space<vmem>>, vector<1x16xf32>,
      %get3A_213 = vector.shape_cast %get3A_212 : vector<1x16xf32> to vector<16xf32>
      %get3A_214 = arith.index_cast %scan3A_42 : i32 to index
      %get3A_215 = arith.constant 192 : index
      %get3A_216 = tpu.vector_load %arg9[%get3A_214, %get3A_215] {strides = array<i32>} : memref<32x768xf32, #tpu.memory_space<vmem>>, vector<1x16xf32>,
      %get3A_217 = vector.shape_cast %get3A_216 : vector<1x16xf32> to vector<16xf32>
      %add3A_218 = arith.addf %get3A_213, %get3A_217 : vector<16xf32>
      %swap3A_219 = arith.index_cast %scan3A_42 : i32 to index
      %swap3A_220 = arith.constant 192 : index
      %swap3A_221 = tpu.vector_load %arg8[%swap3A_219, %swap3A_220] {strides = array<i32>} : memref<32x768xf32, #tpu.memory_space<vmem>>, vector<1x16xf32>,
      %swap3A_222 = vector.shape_cast %swap3A_221 : vector<1x16xf32> to vector<16xf32>
      %swap3A_223 = vector.shape_cast %add3A_218 : vector<16xf32> to vector<1x16xf32>
      tpu.vector_store %arg8[%swap3A_219, %swap3A_220], %swap3A_223 {strides = array<i32>} : memref<32x768xf32, #tpu.memory_space<vmem>>, vector<1x16xf32>,
      %get3A_224 = arith.index_cast %scan3A_42 : i32 to index
      %get3A_225 = arith.constant 208 : index
      %get3A_226 = tpu.vector_load %arg8[%get3A_224, %get3A_225] {strides = array<i32>} : memref<32x768xf32, #tpu.memory_space<vmem>>, vector<1x16xf32>,
      %get3A_227 = vector.shape_cast %get3A_226 : vector<1x16xf32> to vector<16xf32>
      %get3A_228 = arith.index_cast %scan3A_42 : i32 to index
      %get3A_229 = arith.constant 208 : index
      %get3A_230 = tpu.vector_load %arg9[%get3A_228, %get3A_229] {strides = array<i32>} : memref<32x768xf32, #tpu.memory_space<vmem>>, vector<1x16xf32>,
      %get3A_231 = vector.shape_cast %get3A_230 : vector<1x16xf32> to vector<16xf32>
      %add3A_232 = arith.addf %get3A_227, %get3A_231 : vector<16xf32>
      %swap3A_233 = arith.index_cast %scan3A_42 : i32 to index
      %swap3A_234 = arith.constant 208 : index
      %swap3A_235 = tpu.vector_load %arg8[%swap3A_233, %swap3A_234] {strides = array<i32>} : memref<32x768xf32, #tpu.memory_space<vmem>>, vector<1x16xf32>,
      %swap3A_236 = vector.shape_cast %swap3A_235 : vector<1x16xf32> to vector<16xf32>
      %swap3A_237 = vector.shape_cast %add3A_232 : vector<16xf32> to vector<1x16xf32>
      tpu.vector_store %arg8[%swap3A_233, %swap3A_234], %swap3A_237 {strides = array<i32>} : memref<32x768xf32, #tpu.memory_space<vmem>>, vector<1x16xf32>,
      %get3A_238 = arith.index_cast %scan3A_42 : i32 to index
      %get3A_239 = arith.constant 224 : index
      %get3A_240 = tpu.vector_load %arg8[%get3A_238, %get3A_239] {strides = array<i32>} : memref<32x768xf32, #tpu.memory_space<vmem>>, vector<1x16xf32>,
      %get3A_241 = vector.shape_cast %get3A_240 : vector<1x16xf32> to vector<16xf32>
      %get3A_242 = arith.index_cast %scan3A_42 : i32 to index
      %get3A_243 = arith.constant 224 : index
      %get3A_244 = tpu.vector_load %arg9[%get3A_242, %get3A_243] {strides = array<i32>} : memref<32x768xf32, #tpu.memory_space<vmem>>, vector<1x16xf32>,
      %get3A_245 = vector.shape_cast %get3A_244 : vector<1x16xf32> to vector<16xf32>
      %add3A_246 = arith.addf %get3A_241, %get3A_245 : vector<16xf32>
      %swap3A_247 = arith.index_cast %scan3A_42 : i32 to index
      %swap3A_248 = arith.constant 224 : index
      %swap3A_249 = tpu.vector_load %arg8[%swap3A_247, %swap3A_248] {strides = array<i32>} : memref<32x768xf32, #tpu.memory_space<vmem>>, vector<1x16xf32>,
      %swap3A_250 = vector.shape_cast %swap3A_249 : vector<1x16xf32> to vector<16xf32>
      %swap3A_251 = vector.shape_cast %add3A_246 : vector<16xf32> to vector<1x16xf32>
      tpu.vector_store %arg8[%swap3A_247, %swap3A_248], %swap3A_251 {strides = array<i32>} : memref<32x768xf32, #tpu.memory_space<vmem>>, vector<1x16xf32>,
      %get3A_252 = arith.index_cast %scan3A_42 : i32 to index
      %get3A_253 = arith.constant 240 : index
      %get3A_254 = tpu.vector_load %arg8[%get3A_252, %get3A_253] {strides = array<i32>} : memref<32x768xf32, #tpu.memory_space<vmem>>, vector<1x16xf32>,
      %get3A_255 = vector.shape_cast %get3A_254 : vector<1x16xf32> to vector<16xf32>
      %get3A_256 = arith.index_cast %scan3A_42 : i32 to index
      %get3A_257 = arith.constant 240 : index
      %get3A_258 = tpu.vector_load %arg9[%get3A_256, %get3A_257] {strides = array<i32>} : memref<32x768xf32, #tpu.memory_space<vmem>>, vector<1x16xf32>,
      %get3A_259 = vector.shape_cast %get3A_258 : vector<1x16xf32> to vector<16xf32>
      %add3A_260 = arith.addf %get3A_255, %get3A_259 : vector<16xf32>
      %swap3A_261 = arith.index_cast %scan3A_42 : i32 to index
      %swap3A_262 = arith.constant 240 : index
      %swap3A_263 = tpu.vector_load %arg8[%swap3A_261, %swap3A_262] {strides = array<i32>} : memref<32x768xf32, #tpu.memory_space<vmem>>, vector<1x16xf32>,
      %swap3A_264 = vector.shape_cast %swap3A_263 : vector<1x16xf32> to vector<16xf32>
      %swap3A_265 = vector.shape_cast %add3A_260 : vector<16xf32> to vector<1x16xf32>
      tpu.vector_store %arg8[%swap3A_261, %swap3A_262], %swap3A_265 {strides = array<i32>} : memref<32x768xf32, #tpu.memory_space<vmem>>, vector<1x16xf32>,
      %get3A_266 = arith.index_cast %scan3A_42 : i32 to index
      %get3A_267 = arith.constant 256 : index
      %get3A_268 = tpu.vector_load %arg8[%get3A_266, %get3A_267] {strides = array<i32>} : memref<32x768xf32, #tpu.memory_space<vmem>>, vector<1x16xf32>,
      %get3A_269 = vector.shape_cast %get3A_268 : vector<1x16xf32> to vector<16xf32>
      %get3A_270 = arith.index_cast %scan3A_42 : i32 to index
      %get3A_271 = arith.constant 256 : index
      %get3A_272 = tpu.vector_load %arg9[%get3A_270, %get3A_271] {strides = array<i32>} : memref<32x768xf32, #tpu.memory_space<vmem>>, vector<1x16xf32>,
      %get3A_273 = vector.shape_cast %get3A_272 : vector<1x16xf32> to vector<16xf32>
      %add3A_274 = arith.addf %get3A_269, %get3A_273 : vector<16xf32>
      %swap3A_275 = arith.index_cast %scan3A_42 : i32 to index
      %swap3A_276 = arith.constant 256 : index
      %swap3A_277 = tpu.vector_load %arg8[%swap3A_275, %swap3A_276] {strides = array<i32>} : memref<32x768xf32, #tpu.memory_space<vmem>>, vector<1x16xf32>,
      %swap3A_278 = vector.shape_cast %swap3A_277 : vector<1x16xf32> to vector<16xf32>
      %swap3A_279 = vector.shape_cast %add3A_274 : vector<16xf32> to vector<1x16xf32>
      tpu.vector_store %arg8[%swap3A_275, %swap3A_276], %swap3A_279 {strides = array<i32>} : memref<32x768xf32, #tpu.memory_space<vmem>>, vector<1x16xf32>,
      %get3A_280 = arith.index_cast %scan3A_42 : i32 to index
      %get3A_281 = arith.constant 272 : index
      %get3A_282 = tpu.vector_load %arg8[%get3A_280, %get3A_281] {strides = array<i32>} : memref<32x768xf32, #tpu.memory_space<vmem>>, vector<1x16xf32>,
      %get3A_283 = vector.shape_cast %get3A_282 : vector<1x16xf32> to vector<16xf32>
      %get3A_284 = arith.index_cast %scan3A_42 : i32 to index
      %get3A_285 = arith.constant 272 : index
      %get3A_286 = tpu.vector_load %arg9[%get3A_284, %get3A_285] {strides = array<i32>} : memref<32x768xf32, #tpu.memory_space<vmem>>, vector<1x16xf32>,
      %get3A_287 = vector.shape_cast %get3A_286 : vector<1x16xf32> to vector<16xf32>
      %add3A_288 = arith.addf %get3A_283, %get3A_287 : vector<16xf32>
      %swap3A_289 = arith.index_cast %scan3A_42 : i32 to index
      %swap3A_290 = arith.constant 272 : index
      %swap3A_291 = tpu.vector_load %arg8[%swap3A_289, %swap3A_290] {strides = array<i32>} : memref<32x768xf32, #tpu.memory_space<vmem>>, vector<1x16xf32>,
      %swap3A_292 = vector.shape_cast %swap3A_291 : vector<1x16xf32> to vector<16xf32>
      %swap3A_293 = vector.shape_cast %add3A_288 : vector<16xf32> to vector<1x16xf32>
      tpu.vector_store %arg8[%swap3A_289, %swap3A_290], %swap3A_293 {strides = array<i32>} : memref<32x768xf32, #tpu.memory_space<vmem>>, vector<1x16xf32>,
      %get3A_294 = arith.index_cast %scan3A_42 : i32 to index
      %get3A_295 = arith.constant 288 : index
      %get3A_296 = tpu.vector_load %arg8[%get3A_294, %get3A_295] {strides = array<i32>} : memref<32x768xf32, #tpu.memory_space<vmem>>, vector<1x16xf32>,
      %get3A_297 = vector.shape_cast %get3A_296 : vector<1x16xf32> to vector<16xf32>
      %get3A_298 = arith.index_cast %scan3A_42 : i32 to index
      %get3A_299 = arith.constant 288 : index
      %get3A_300 = tpu.vector_load %arg9[%get3A_298, %get3A_299] {strides = array<i32>} : memref<32x768xf32, #tpu.memory_space<vmem>>, vector<1x16xf32>,
      %get3A_301 = vector.shape_cast %get3A_300 : vector<1x16xf32> to vector<16xf32>
      %add3A_302 = arith.addf %get3A_297, %get3A_301 : vector<16xf32>
      %swap3A_303 = arith.index_cast %scan3A_42 : i32 to index
      %swap3A_304 = arith.constant 288 : index
      %swap3A_305 = tpu.vector_load %arg8[%swap3A_303, %swap3A_304] {strides = array<i32>} : memref<32x768xf32, #tpu.memory_space<vmem>>, vector<1x16xf32>,
      %swap3A_306 = vector.shape_cast %swap3A_305 : vector<1x16xf32> to vector<16xf32>
      %swap3A_307 = vector.shape_cast %add3A_302 : vector<16xf32> to vector<1x16xf32>
      tpu.vector_store %arg8[%swap3A_303, %swap3A_304], %swap3A_307 {strides = array<i32>} : memref<32x768xf32, #tpu.memory_space<vmem>>, vector<1x16xf32>,
      %get3A_308 = arith.index_cast %scan3A_42 : i32 to index
      %get3A_309 = arith.constant 304 : index
      %get3A_310 = tpu.vector_load %arg8[%get3A_308, %get3A_309] {strides = array<i32>} : memref<32x768xf32, #tpu.memory_space<vmem>>, vector<1x16xf32>,
      %get3A_311 = vector.shape_cast %get3A_310 : vector<1x16xf32> to vector<16xf32>
      %get3A_312 = arith.index_cast %scan3A_42 : i32 to index
      %get3A_313 = arith.constant 304 : index
      %get3A_314 = tpu.vector_load %arg9[%get3A_312, %get3A_313] {strides = array<i32>} : memref<32x768xf32, #tpu.memory_space<vmem>>, vector<1x16xf32>,
      %get3A_315 = vector.shape_cast %get3A_314 : vector<1x16xf32> to vector<16xf32>
      %add3A_316 = arith.addf %get3A_311, %get3A_315 : vector<16xf32>
      %swap3A_317 = arith.index_cast %scan3A_42 : i32 to index
      %swap3A_318 = arith.constant 304 : index
      %swap3A_319 = tpu.vector_load %arg8[%swap3A_317, %swap3A_318] {strides = array<i32>} : memref<32x768xf32, #tpu.memory_space<vmem>>, vector<1x16xf32>,
      %swap3A_320 = vector.shape_cast %swap3A_319 : vector<1x16xf32> to vector<16xf32>
      %swap3A_321 = vector.shape_cast %add3A_316 : vector<16xf32> to vector<1x16xf32>
      tpu.vector_store %arg8[%swap3A_317, %swap3A_318], %swap3A_321 {strides = array<i32>} : memref<32x768xf32, #tpu.memory_space<vmem>>, vector<1x16xf32>,
      %get3A_322 = arith.index_cast %scan3A_42 : i32 to index
      %get3A_323 = arith.constant 320 : index
      %get3A_324 = tpu.vector_load %arg8[%get3A_322, %get3A_323] {strides = array<i32>} : memref<32x768xf32, #tpu.memory_space<vmem>>, vector<1x16xf32>,
      %get3A_325 = vector.shape_cast %get3A_324 : vector<1x16xf32> to vector<16xf32>
      %get3A_326 = arith.index_cast %scan3A_42 : i32 to index
      %get3A_327 = arith.constant 320 : index
      %get3A_328 = tpu.vector_load %arg9[%get3A_326, %get3A_327] {strides = array<i32>} : memref<32x768xf32, #tpu.memory_space<vmem>>, vector<1x16xf32>,
      %get3A_329 = vector.shape_cast %get3A_328 : vector<1x16xf32> to vector<16xf32>
      %add3A_330 = arith.addf %get3A_325, %get3A_329 : vector<16xf32>
      %swap3A_331 = arith.index_cast %scan3A_42 : i32 to index
      %swap3A_332 = arith.constant 320 : index
      %swap3A_333 = tpu.vector_load %arg8[%swap3A_331, %swap3A_332] {strides = array<i32>} : memref<32x768xf32, #tpu.memory_space<vmem>>, vector<1x16xf32>,
      %swap3A_334 = vector.shape_cast %swap3A_333 : vector<1x16xf32> to vector<16xf32>
      %swap3A_335 = vector.shape_cast %add3A_330 : vector<16xf32> to vector<1x16xf32>
      tpu.vector_store %arg8[%swap3A_331, %swap3A_332], %swap3A_335 {strides = array<i32>} : memref<32x768xf32, #tpu.memory_space<vmem>>, vector<1x16xf32>,
      %get3A_336 = arith.index_cast %scan3A_42 : i32 to index
      %get3A_337 = arith.constant 336 : index
      %get3A_338 = tpu.vector_load %arg8[%get3A_336, %get3A_337] {strides = array<i32>} : memref<32x768xf32, #tpu.memory_space<vmem>>, vector<1x16xf32>,
      %get3A_339 = vector.shape_cast %get3A_338 : vector<1x16xf32> to vector<16xf32>
      %get3A_340 = arith.index_cast %scan3A_42 : i32 to index
      %get3A_341 = arith.constant 336 : index
      %get3A_342 = tpu.vector_load %arg9[%get3A_340, %get3A_341] {strides = array<i32>} : memref<32x768xf32, #tpu.memory_space<vmem>>, vector<1x16xf32>,
      %get3A_343 = vector.shape_cast %get3A_342 : vector<1x16xf32> to vector<16xf32>
      %add3A_344 = arith.addf %get3A_339, %get3A_343 : vector<16xf32>
      %swap3A_345 = arith.index_cast %scan3A_42 : i32 to index
      %swap3A_346 = arith.constant 336 : index
      %swap3A_347 = tpu.vector_load %arg8[%swap3A_345, %swap3A_346] {strides = array<i32>} : memref<32x768xf32, #tpu.memory_space<vmem>>, vector<1x16xf32>,
      %swap3A_348 = vector.shape_cast %swap3A_347 : vector<1x16xf32> to vector<16xf32>
      %swap3A_349 = vector.shape_cast %add3A_344 : vector<16xf32> to vector<1x16xf32>
      tpu.vector_store %arg8[%swap3A_345, %swap3A_346], %swap3A_349 {strides = array<i32>} : memref<32x768xf32, #tpu.memory_space<vmem>>, vector<1x16xf32>,
      %get3A_350 = arith.index_cast %scan3A_42 : i32 to index
      %get3A_351 = arith.constant 352 : index
      %get3A_352 = tpu.vector_load %arg8[%get3A_350, %get3A_351] {strides = array<i32>} : memref<32x768xf32, #tpu.memory_space<vmem>>, vector<1x16xf32>,
      %get3A_353 = vector.shape_cast %get3A_352 : vector<1x16xf32> to vector<16xf32>
      %get3A_354 = arith.index_cast %scan3A_42 : i32 to index
      %get3A_355 = arith.constant 352 : index
      %get3A_356 = tpu.vector_load %arg9[%get3A_354, %get3A_355] {strides = array<i32>} : memref<32x768xf32, #tpu.memory_space<vmem>>, vector<1x16xf32>,
      %get3A_357 = vector.shape_cast %get3A_356 : vector<1x16xf32> to vector<16xf32>
      %add3A_358 = arith.addf %get3A_353, %get3A_357 : vector<16xf32>
      %swap3A_359 = arith.index_cast %scan3A_42 : i32 to index
      %swap3A_360 = arith.constant 352 : index
      %swap3A_361 = tpu.vector_load %arg8[%swap3A_359, %swap3A_360] {strides = array<i32>} : memref<32x768xf32, #tpu.memory_space<vmem>>, vector<1x16xf32>,
      %swap3A_362 = vector.shape_cast %swap3A_361 : vector<1x16xf32> to vector<16xf32>
      %swap3A_363 = vector.shape_cast %add3A_358 : vector<16xf32> to vector<1x16xf32>
      tpu.vector_store %arg8[%swap3A_359, %swap3A_360], %swap3A_363 {strides = array<i32>} : memref<32x768xf32, #tpu.memory_space<vmem>>, vector<1x16xf32>,
      %get3A_364 = arith.index_cast %scan3A_42 : i32 to index
      %get3A_365 = arith.constant 368 : index
      %get3A_366 = tpu.vector_load %arg8[%get3A_364, %get3A_365] {strides = array<i32>} : memref<32x768xf32, #tpu.memory_space<vmem>>, vector<1x16xf32>,
      %get3A_367 = vector.shape_cast %get3A_366 : vector<1x16xf32> to vector<16xf32>
      %get3A_368 = arith.index_cast %scan3A_42 : i32 to index
      %get3A_369 = arith.constant 368 : index
      %get3A_370 = tpu.vector_load %arg9[%get3A_368, %get3A_369] {strides = array<i32>} : memref<32x768xf32, #tpu.memory_space<vmem>>, vector<1x16xf32>,
      %get3A_371 = vector.shape_cast %get3A_370 : vector<1x16xf32> to vector<16xf32>
      %add3A_372 = arith.addf %get3A_367, %get3A_371 : vector<16xf32>
      %swap3A_373 = arith.index_cast %scan3A_42 : i32 to index
      %swap3A_374 = arith.constant 368 : index
      %swap3A_375 = tpu.vector_load %arg8[%swap3A_373, %swap3A_374] {strides = array<i32>} : memref<32x768xf32, #tpu.memory_space<vmem>>, vector<1x16xf32>,
      %swap3A_376 = vector.shape_cast %swap3A_375 : vector<1x16xf32> to vector<16xf32>
      %swap3A_377 = vector.shape_cast %add3A_372 : vector<16xf32> to vector<1x16xf32>
      tpu.vector_store %arg8[%swap3A_373, %swap3A_374], %swap3A_377 {strides = array<i32>} : memref<32x768xf32, #tpu.memory_space<vmem>>, vector<1x16xf32>,
      %get3A_378 = arith.index_cast %scan3A_42 : i32 to index
      %get3A_379 = arith.constant 384 : index
      %get3A_380 = tpu.vector_load %arg8[%get3A_378, %get3A_379] {strides = array<i32>} : memref<32x768xf32, #tpu.memory_space<vmem>>, vector<1x16xf32>,
      %get3A_381 = vector.shape_cast %get3A_380 : vector<1x16xf32> to vector<16xf32>
      %get3A_382 = arith.index_cast %scan3A_42 : i32 to index
      %get3A_383 = arith.constant 384 : index
      %get3A_384 = tpu.vector_load %arg9[%get3A_382, %get3A_383] {strides = array<i32>} : memref<32x768xf32, #tpu.memory_space<vmem>>, vector<1x16xf32>,
      %get3A_385 = vector.shape_cast %get3A_384 : vector<1x16xf32> to vector<16xf32>
      %add3A_386 = arith.addf %get3A_381, %get3A_385 : vector<16xf32>
      %swap3A_387 = arith.index_cast %scan3A_42 : i32 to index
      %swap3A_388 = arith.constant 384 : index
      %swap3A_389 = tpu.vector_load %arg8[%swap3A_387, %swap3A_388] {strides = array<i32>} : memref<32x768xf32, #tpu.memory_space<vmem>>, vector<1x16xf32>,
      %swap3A_390 = vector.shape_cast %swap3A_389 : vector<1x16xf32> to vector<16xf32>
      %swap3A_391 = vector.shape_cast %add3A_386 : vector<16xf32> to vector<1x16xf32>
      tpu.vector_store %arg8[%swap3A_387, %swap3A_388], %swap3A_391 {strides = array<i32>} : memref<32x768xf32, #tpu.memory_space<vmem>>, vector<1x16xf32>,
      %get3A_392 = arith.index_cast %scan3A_42 : i32 to index
      %get3A_393 = arith.constant 400 : index
      %get3A_394 = tpu.vector_load %arg8[%get3A_392, %get3A_393] {strides = array<i32>} : memref<32x768xf32, #tpu.memory_space<vmem>>, vector<1x16xf32>,
      %get3A_395 = vector.shape_cast %get3A_394 : vector<1x16xf32> to vector<16xf32>
      %get3A_396 = arith.index_cast %scan3A_42 : i32 to index
      %get3A_397 = arith.constant 400 : index
      %get3A_398 = tpu.vector_load %arg9[%get3A_396, %get3A_397] {strides = array<i32>} : memref<32x768xf32, #tpu.memory_space<vmem>>, vector<1x16xf32>,
      %get3A_399 = vector.shape_cast %get3A_398 : vector<1x16xf32> to vector<16xf32>
      %add3A_400 = arith.addf %get3A_395, %get3A_399 : vector<16xf32>
      %swap3A_401 = arith.index_cast %scan3A_42 : i32 to index
      %swap3A_402 = arith.constant 400 : index
      %swap3A_403 = tpu.vector_load %arg8[%swap3A_401, %swap3A_402] {strides = array<i32>} : memref<32x768xf32, #tpu.memory_space<vmem>>, vector<1x16xf32>,
      %swap3A_404 = vector.shape_cast %swap3A_403 : vector<1x16xf32> to vector<16xf32>
      %swap3A_405 = vector.shape_cast %add3A_400 : vector<16xf32> to vector<1x16xf32>
      tpu.vector_store %arg8[%swap3A_401, %swap3A_402], %swap3A_405 {strides = array<i32>} : memref<32x768xf32, #tpu.memory_space<vmem>>, vector<1x16xf32>,
      %get3A_406 = arith.index_cast %scan3A_42 : i32 to index
      %get3A_407 = arith.constant 416 : index
      %get3A_408 = tpu.vector_load %arg8[%get3A_406, %get3A_407] {strides = array<i32>} : memref<32x768xf32, #tpu.memory_space<vmem>>, vector<1x16xf32>,
      %get3A_409 = vector.shape_cast %get3A_408 : vector<1x16xf32> to vector<16xf32>
      %get3A_410 = arith.index_cast %scan3A_42 : i32 to index
      %get3A_411 = arith.constant 416 : index
      %get3A_412 = tpu.vector_load %arg9[%get3A_410, %get3A_411] {strides = array<i32>} : memref<32x768xf32, #tpu.memory_space<vmem>>, vector<1x16xf32>,
      %get3A_413 = vector.shape_cast %get3A_412 : vector<1x16xf32> to vector<16xf32>
      %add3A_414 = arith.addf %get3A_409, %get3A_413 : vector<16xf32>
      %swap3A_415 = arith.index_cast %scan3A_42 : i32 to index
      %swap3A_416 = arith.constant 416 : index
      %swap3A_417 = tpu.vector_load %arg8[%swap3A_415, %swap3A_416] {strides = array<i32>} : memref<32x768xf32, #tpu.memory_space<vmem>>, vector<1x16xf32>,
      %swap3A_418 = vector.shape_cast %swap3A_417 : vector<1x16xf32> to vector<16xf32>
      %swap3A_419 = vector.shape_cast %add3A_414 : vector<16xf32> to vector<1x16xf32>
      tpu.vector_store %arg8[%swap3A_415, %swap3A_416], %swap3A_419 {strides = array<i32>} : memref<32x768xf32, #tpu.memory_space<vmem>>, vector<1x16xf32>,
      %get3A_420 = arith.index_cast %scan3A_42 : i32 to index
      %get3A_421 = arith.constant 432 : index
      %get3A_422 = tpu.vector_load %arg8[%get3A_420, %get3A_421] {strides = array<i32>} : memref<32x768xf32, #tpu.memory_space<vmem>>, vector<1x16xf32>,
      %get3A_423 = vector.shape_cast %get3A_422 : vector<1x16xf32> to vector<16xf32>
      %get3A_424 = arith.index_cast %scan3A_42 : i32 to index
      %get3A_425 = arith.constant 432 : index
      %get3A_426 = tpu.vector_load %arg9[%get3A_424, %get3A_425] {strides = array<i32>} : memref<32x768xf32, #tpu.memory_space<vmem>>, vector<1x16xf32>,
      %get3A_427 = vector.shape_cast %get3A_426 : vector<1x16xf32> to vector<16xf32>
      %add3A_428 = arith.addf %get3A_423, %get3A_427 : vector<16xf32>
      %swap3A_429 = arith.index_cast %scan3A_42 : i32 to index
      %swap3A_430 = arith.constant 432 : index
      %swap3A_431 = tpu.vector_load %arg8[%swap3A_429, %swap3A_430] {strides = array<i32>} : memref<32x768xf32, #tpu.memory_space<vmem>>, vector<1x16xf32>,
      %swap3A_432 = vector.shape_cast %swap3A_431 : vector<1x16xf32> to vector<16xf32>
      %swap3A_433 = vector.shape_cast %add3A_428 : vector<16xf32> to vector<1x16xf32>
      tpu.vector_store %arg8[%swap3A_429, %swap3A_430], %swap3A_433 {strides = array<i32>} : memref<32x768xf32, #tpu.memory_space<vmem>>, vector<1x16xf32>,
      %get3A_434 = arith.index_cast %scan3A_42 : i32 to index
      %get3A_435 = arith.constant 448 : index
      %get3A_436 = tpu.vector_load %arg8[%get3A_434, %get3A_435] {strides = array<i32>} : memref<32x768xf32, #tpu.memory_space<vmem>>, vector<1x16xf32>,
      %get3A_437 = vector.shape_cast %get3A_436 : vector<1x16xf32> to vector<16xf32>
      %get3A_438 = arith.index_cast %scan3A_42 : i32 to index
      %get3A_439 = arith.constant 448 : index
      %get3A_440 = tpu.vector_load %arg9[%get3A_438, %get3A_439] {strides = array<i32>} : memref<32x768xf32, #tpu.memory_space<vmem>>, vector<1x16xf32>,
      %get3A_441 = vector.shape_cast %get3A_440 : vector<1x16xf32> to vector<16xf32>
      %add3A_442 = arith.addf %get3A_437, %get3A_441 : vector<16xf32>
      %swap3A_443 = arith.index_cast %scan3A_42 : i32 to index
      %swap3A_444 = arith.constant 448 : index
      %swap3A_445 = tpu.vector_load %arg8[%swap3A_443, %swap3A_444] {strides = array<i32>} : memref<32x768xf32, #tpu.memory_space<vmem>>, vector<1x16xf32>,
      %swap3A_446 = vector.shape_cast %swap3A_445 : vector<1x16xf32> to vector<16xf32>
      %swap3A_447 = vector.shape_cast %add3A_442 : vector<16xf32> to vector<1x16xf32>
      tpu.vector_store %arg8[%swap3A_443, %swap3A_444], %swap3A_447 {strides = array<i32>} : memref<32x768xf32, #tpu.memory_space<vmem>>, vector<1x16xf32>,
      %get3A_448 = arith.index_cast %scan3A_42 : i32 to index
      %get3A_449 = arith.constant 464 : index
      %get3A_450 = tpu.vector_load %arg8[%get3A_448, %get3A_449] {strides = array<i32>} : memref<32x768xf32, #tpu.memory_space<vmem>>, vector<1x16xf32>,
      %get3A_451 = vector.shape_cast %get3A_450 : vector<1x16xf32> to vector<16xf32>
      %get3A_452 = arith.index_cast %scan3A_42 : i32 to index
      %get3A_453 = arith.constant 464 : index
      %get3A_454 = tpu.vector_load %arg9[%get3A_452, %get3A_453] {strides = array<i32>} : memref<32x768xf32, #tpu.memory_space<vmem>>, vector<1x16xf32>,
      %get3A_455 = vector.shape_cast %get3A_454 : vector<1x16xf32> to vector<16xf32>
      %add3A_456 = arith.addf %get3A_451, %get3A_455 : vector<16xf32>
      %swap3A_457 = arith.index_cast %scan3A_42 : i32 to index
      %swap3A_458 = arith.constant 464 : index
      %swap3A_459 = tpu.vector_load %arg8[%swap3A_457, %swap3A_458] {strides = array<i32>} : memref<32x768xf32, #tpu.memory_space<vmem>>, vector<1x16xf32>,
      %swap3A_460 = vector.shape_cast %swap3A_459 : vector<1x16xf32> to vector<16xf32>
      %swap3A_461 = vector.shape_cast %add3A_456 : vector<16xf32> to vector<1x16xf32>
      tpu.vector_store %arg8[%swap3A_457, %swap3A_458], %swap3A_461 {strides = array<i32>} : memref<32x768xf32, #tpu.memory_space<vmem>>, vector<1x16xf32>,
      %get3A_462 = arith.index_cast %scan3A_42 : i32 to index
      %get3A_463 = arith.constant 480 : index
      %get3A_464 = tpu.vector_load %arg8[%get3A_462, %get3A_463] {strides = array<i32>} : memref<32x768xf32, #tpu.memory_space<vmem>>, vector<1x16xf32>,
      %get3A_465 = vector.shape_cast %get3A_464 : vector<1x16xf32> to vector<16xf32>
      %get3A_466 = arith.index_cast %scan3A_42 : i32 to index
      %get3A_467 = arith.constant 480 : index
      %get3A_468 = tpu.vector_load %arg9[%get3A_466, %get3A_467] {strides = array<i32>} : memref<32x768xf32, #tpu.memory_space<vmem>>, vector<1x16xf32>,
      %get3A_469 = vector.shape_cast %get3A_468 : vector<1x16xf32> to vector<16xf32>
      %add3A_470 = arith.addf %get3A_465, %get3A_469 : vector<16xf32>
      %swap3A_471 = arith.index_cast %scan3A_42 : i32 to index
      %swap3A_472 = arith.constant 480 : index
      %swap3A_473 = tpu.vector_load %arg8[%swap3A_471, %swap3A_472] {strides = array<i32>} : memref<32x768xf32, #tpu.memory_space<vmem>>, vector<1x16xf32>,
      %swap3A_474 = vector.shape_cast %swap3A_473 : vector<1x16xf32> to vector<16xf32>
      %swap3A_475 = vector.shape_cast %add3A_470 : vector<16xf32> to vector<1x16xf32>
      tpu.vector_store %arg8[%swap3A_471, %swap3A_472], %swap3A_475 {strides = array<i32>} : memref<32x768xf32, #tpu.memory_space<vmem>>, vector<1x16xf32>,
      %get3A_476 = arith.index_cast %scan3A_42 : i32 to index
      %get3A_477 = arith.constant 496 : index
      %get3A_478 = tpu.vector_load %arg8[%get3A_476, %get3A_477] {strides = array<i32>} : memref<32x768xf32, #tpu.memory_space<vmem>>, vector<1x16xf32>,
      %get3A_479 = vector.shape_cast %get3A_478 : vector<1x16xf32> to vector<16xf32>
      %get3A_480 = arith.index_cast %scan3A_42 : i32 to index
      %get3A_481 = arith.constant 496 : index
      %get3A_482 = tpu.vector_load %arg9[%get3A_480, %get3A_481] {strides = array<i32>} : memref<32x768xf32, #tpu.memory_space<vmem>>, vector<1x16xf32>,
      %get3A_483 = vector.shape_cast %get3A_482 : vector<1x16xf32> to vector<16xf32>
      %add3A_484 = arith.addf %get3A_479, %get3A_483 : vector<16xf32>
      %swap3A_485 = arith.index_cast %scan3A_42 : i32 to index
      %swap3A_486 = arith.constant 496 : index
      %swap3A_487 = tpu.vector_load %arg8[%swap3A_485, %swap3A_486] {strides = array<i32>} : memref<32x768xf32, #tpu.memory_space<vmem>>, vector<1x16xf32>,
      %swap3A_488 = vector.shape_cast %swap3A_487 : vector<1x16xf32> to vector<16xf32>
      %swap3A_489 = vector.shape_cast %add3A_484 : vector<16xf32> to vector<1x16xf32>
      tpu.vector_store %arg8[%swap3A_485, %swap3A_486], %swap3A_489 {strides = array<i32>} : memref<32x768xf32, #tpu.memory_space<vmem>>, vector<1x16xf32>,
      %get3A_490 = arith.index_cast %scan3A_42 : i32 to index
      %get3A_491 = arith.constant 512 : index
      %get3A_492 = tpu.vector_load %arg8[%get3A_490, %get3A_491] {strides = array<i32>} : memref<32x768xf32, #tpu.memory_space<vmem>>, vector<1x16xf32>,
      %get3A_493 = vector.shape_cast %get3A_492 : vector<1x16xf32> to vector<16xf32>
      %get3A_494 = arith.index_cast %scan3A_42 : i32 to index
      %get3A_495 = arith.constant 512 : index
      %get3A_496 = tpu.vector_load %arg9[%get3A_494, %get3A_495] {strides = array<i32>} : memref<32x768xf32, #tpu.memory_space<vmem>>, vector<1x16xf32>,
      %get3A_497 = vector.shape_cast %get3A_496 : vector<1x16xf32> to vector<16xf32>
      %add3A_498 = arith.addf %get3A_493, %get3A_497 : vector<16xf32>
      %swap3A_499 = arith.index_cast %scan3A_42 : i32 to index
      %swap3A_500 = arith.constant 512 : index
      %swap3A_501 = tpu.vector_load %arg8[%swap3A_499, %swap3A_500] {strides = array<i32>} : memref<32x768xf32, #tpu.memory_space<vmem>>, vector<1x16xf32>,
      %swap3A_502 = vector.shape_cast %swap3A_501 : vector<1x16xf32> to vector<16xf32>
      %swap3A_503 = vector.shape_cast %add3A_498 : vector<16xf32> to vector<1x16xf32>
      tpu.vector_store %arg8[%swap3A_499, %swap3A_500], %swap3A_503 {strides = array<i32>} : memref<32x768xf32, #tpu.memory_space<vmem>>, vector<1x16xf32>,
      %get3A_504 = arith.index_cast %scan3A_42 : i32 to index
      %get3A_505 = arith.constant 528 : index
      %get3A_506 = tpu.vector_load %arg8[%get3A_504, %get3A_505] {strides = array<i32>} : memref<32x768xf32, #tpu.memory_space<vmem>>, vector<1x16xf32>,
      %get3A_507 = vector.shape_cast %get3A_506 : vector<1x16xf32> to vector<16xf32>
      %get3A_508 = arith.index_cast %scan3A_42 : i32 to index
      %get3A_509 = arith.constant 528 : index
      %get3A_510 = tpu.vector_load %arg9[%get3A_508, %get3A_509] {strides = array<i32>} : memref<32x768xf32, #tpu.memory_space<vmem>>, vector<1x16xf32>,
      %get3A_511 = vector.shape_cast %get3A_510 : vector<1x16xf32> to vector<16xf32>
      %add3A_512 = arith.addf %get3A_507, %get3A_511 : vector<16xf32>
      %swap3A_513 = arith.index_cast %scan3A_42 : i32 to index
      %swap3A_514 = arith.constant 528 : index
      %swap3A_515 = tpu.vector_load %arg8[%swap3A_513, %swap3A_514] {strides = array<i32>} : memref<32x768xf32, #tpu.memory_space<vmem>>, vector<1x16xf32>,
      %swap3A_516 = vector.shape_cast %swap3A_515 : vector<1x16xf32> to vector<16xf32>
      %swap3A_517 = vector.shape_cast %add3A_512 : vector<16xf32> to vector<1x16xf32>
      tpu.vector_store %arg8[%swap3A_513, %swap3A_514], %swap3A_517 {strides = array<i32>} : memref<32x768xf32, #tpu.memory_space<vmem>>, vector<1x16xf32>,
      %get3A_518 = arith.index_cast %scan3A_42 : i32 to index
      %get3A_519 = arith.constant 544 : index
      %get3A_520 = tpu.vector_load %arg8[%get3A_518, %get3A_519] {strides = array<i32>} : memref<32x768xf32, #tpu.memory_space<vmem>>, vector<1x16xf32>,
      %get3A_521 = vector.shape_cast %get3A_520 : vector<1x16xf32> to vector<16xf32>
      %get3A_522 = arith.index_cast %scan3A_42 : i32 to index
      %get3A_523 = arith.constant 544 : index
      %get3A_524 = tpu.vector_load %arg9[%get3A_522, %get3A_523] {strides = array<i32>} : memref<32x768xf32, #tpu.memory_space<vmem>>, vector<1x16xf32>,
      %get3A_525 = vector.shape_cast %get3A_524 : vector<1x16xf32> to vector<16xf32>
      %add3A_526 = arith.addf %get3A_521, %get3A_525 : vector<16xf32>
      %swap3A_527 = arith.index_cast %scan3A_42 : i32 to index
      %swap3A_528 = arith.constant 544 : index
      %swap3A_529 = tpu.vector_load %arg8[%swap3A_527, %swap3A_528] {strides = array<i32>} : memref<32x768xf32, #tpu.memory_space<vmem>>, vector<1x16xf32>,
      %swap3A_530 = vector.shape_cast %swap3A_529 : vector<1x16xf32> to vector<16xf32>
      %swap3A_531 = vector.shape_cast %add3A_526 : vector<16xf32> to vector<1x16xf32>
      tpu.vector_store %arg8[%swap3A_527, %swap3A_528], %swap3A_531 {strides = array<i32>} : memref<32x768xf32, #tpu.memory_space<vmem>>, vector<1x16xf32>,
      %get3A_532 = arith.index_cast %scan3A_42 : i32 to index
      %get3A_533 = arith.constant 560 : index
      %get3A_534 = tpu.vector_load %arg8[%get3A_532, %get3A_533] {strides = array<i32>} : memref<32x768xf32, #tpu.memory_space<vmem>>, vector<1x16xf32>,
      %get3A_535 = vector.shape_cast %get3A_534 : vector<1x16xf32> to vector<16xf32>
      %get3A_536 = arith.index_cast %scan3A_42 : i32 to index
      %get3A_537 = arith.constant 560 : index
      %get3A_538 = tpu.vector_load %arg9[%get3A_536, %get3A_537] {strides = array<i32>} : memref<32x768xf32, #tpu.memory_space<vmem>>, vector<1x16xf32>,
      %get3A_539 = vector.shape_cast %get3A_538 : vector<1x16xf32> to vector<16xf32>
      %add3A_540 = arith.addf %get3A_535, %get3A_539 : vector<16xf32>
      %swap3A_541 = arith.index_cast %scan3A_42 : i32 to index
      %swap3A_542 = arith.constant 560 : index
      %swap3A_543 = tpu.vector_load %arg8[%swap3A_541, %swap3A_542] {strides = array<i32>} : memref<32x768xf32, #tpu.memory_space<vmem>>, vector<1x16xf32>,
      %swap3A_544 = vector.shape_cast %swap3A_543 : vector<1x16xf32> to vector<16xf32>
      %swap3A_545 = vector.shape_cast %add3A_540 : vector<16xf32> to vector<1x16xf32>
      tpu.vector_store %arg8[%swap3A_541, %swap3A_542], %swap3A_545 {strides = array<i32>} : memref<32x768xf32, #tpu.memory_space<vmem>>, vector<1x16xf32>,
      %get3A_546 = arith.index_cast %scan3A_42 : i32 to index
      %get3A_547 = arith.constant 576 : index
      %get3A_548 = tpu.vector_load %arg8[%get3A_546, %get3A_547] {strides = array<i32>} : memref<32x768xf32, #tpu.memory_space<vmem>>, vector<1x16xf32>,
      %get3A_549 = vector.shape_cast %get3A_548 : vector<1x16xf32> to vector<16xf32>
      %get3A_550 = arith.index_cast %scan3A_42 : i32 to index
      %get3A_551 = arith.constant 576 : index
      %get3A_552 = tpu.vector_load %arg9[%get3A_550, %get3A_551] {strides = array<i32>} : memref<32x768xf32, #tpu.memory_space<vmem>>, vector<1x16xf32>,
      %get3A_553 = vector.shape_cast %get3A_552 : vector<1x16xf32> to vector<16xf32>
      %add3A_554 = arith.addf %get3A_549, %get3A_553 : vector<16xf32>
      %swap3A_555 = arith.index_cast %scan3A_42 : i32 to index
      %swap3A_556 = arith.constant 576 : index
      %swap3A_557 = tpu.vector_load %arg8[%swap3A_555, %swap3A_556] {strides = array<i32>} : memref<32x768xf32, #tpu.memory_space<vmem>>, vector<1x16xf32>,
      %swap3A_558 = vector.shape_cast %swap3A_557 : vector<1x16xf32> to vector<16xf32>
      %swap3A_559 = vector.shape_cast %add3A_554 : vector<16xf32> to vector<1x16xf32>
      tpu.vector_store %arg8[%swap3A_555, %swap3A_556], %swap3A_559 {strides = array<i32>} : memref<32x768xf32, #tpu.memory_space<vmem>>, vector<1x16xf32>,
      %get3A_560 = arith.index_cast %scan3A_42 : i32 to index
      %get3A_561 = arith.constant 592 : index
      %get3A_562 = tpu.vector_load %arg8[%get3A_560, %get3A_561] {strides = array<i32>} : memref<32x768xf32, #tpu.memory_space<vmem>>, vector<1x16xf32>,
      %get3A_563 = vector.shape_cast %get3A_562 : vector<1x16xf32> to vector<16xf32>
      %get3A_564 = arith.index_cast %scan3A_42 : i32 to index
      %get3A_565 = arith.constant 592 : index
      %get3A_566 = tpu.vector_load %arg9[%get3A_564, %get3A_565] {strides = array<i32>} : memref<32x768xf32, #tpu.memory_space<vmem>>, vector<1x16xf32>,
      %get3A_567 = vector.shape_cast %get3A_566 : vector<1x16xf32> to vector<16xf32>
      %add3A_568 = arith.addf %get3A_563, %get3A_567 : vector<16xf32>
      %swap3A_569 = arith.index_cast %scan3A_42 : i32 to index
      %swap3A_570 = arith.constant 592 : index
      %swap3A_571 = tpu.vector_load %arg8[%swap3A_569, %swap3A_570] {strides = array<i32>} : memref<32x768xf32, #tpu.memory_space<vmem>>, vector<1x16xf32>,
      %swap3A_572 = vector.shape_cast %swap3A_571 : vector<1x16xf32> to vector<16xf32>
      %swap3A_573 = vector.shape_cast %add3A_568 : vector<16xf32> to vector<1x16xf32>
      tpu.vector_store %arg8[%swap3A_569, %swap3A_570], %swap3A_573 {strides = array<i32>} : memref<32x768xf32, #tpu.memory_space<vmem>>, vector<1x16xf32>,
      %get3A_574 = arith.index_cast %scan3A_42 : i32 to index
      %get3A_575 = arith.constant 608 : index
      %get3A_576 = tpu.vector_load %arg8[%get3A_574, %get3A_575] {strides = array<i32>} : memref<32x768xf32, #tpu.memory_space<vmem>>, vector<1x16xf32>,
      %get3A_577 = vector.shape_cast %get3A_576 : vector<1x16xf32> to vector<16xf32>
      %get3A_578 = arith.index_cast %scan3A_42 : i32 to index
      %get3A_579 = arith.constant 608 : index
      %get3A_580 = tpu.vector_load %arg9[%get3A_578, %get3A_579] {strides = array<i32>} : memref<32x768xf32, #tpu.memory_space<vmem>>, vector<1x16xf32>,
      %get3A_581 = vector.shape_cast %get3A_580 : vector<1x16xf32> to vector<16xf32>
      %add3A_582 = arith.addf %get3A_577, %get3A_581 : vector<16xf32>
      %swap3A_583 = arith.index_cast %scan3A_42 : i32 to index
      %swap3A_584 = arith.constant 608 : index
      %swap3A_585 = tpu.vector_load %arg8[%swap3A_583, %swap3A_584] {strides = array<i32>} : memref<32x768xf32, #tpu.memory_space<vmem>>, vector<1x16xf32>,
      %swap3A_586 = vector.shape_cast %swap3A_585 : vector<1x16xf32> to vector<16xf32>
      %swap3A_587 = vector.shape_cast %add3A_582 : vector<16xf32> to vector<1x16xf32>
      tpu.vector_store %arg8[%swap3A_583, %swap3A_584], %swap3A_587 {strides = array<i32>} : memref<32x768xf32, #tpu.memory_space<vmem>>, vector<1x16xf32>,
      %get3A_588 = arith.index_cast %scan3A_42 : i32 to index
      %get3A_589 = arith.constant 624 : index
      %get3A_590 = tpu.vector_load %arg8[%get3A_588, %get3A_589] {strides = array<i32>} : memref<32x768xf32, #tpu.memory_space<vmem>>, vector<1x16xf32>,
      %get3A_591 = vector.shape_cast %get3A_590 : vector<1x16xf32> to vector<16xf32>
      %get3A_592 = arith.index_cast %scan3A_42 : i32 to index
      %get3A_593 = arith.constant 624 : index
      %get3A_594 = tpu.vector_load %arg9[%get3A_592, %get3A_593] {strides = array<i32>} : memref<32x768xf32, #tpu.memory_space<vmem>>, vector<1x16xf32>,
      %get3A_595 = vector.shape_cast %get3A_594 : vector<1x16xf32> to vector<16xf32>
      %add3A_596 = arith.addf %get3A_591, %get3A_595 : vector<16xf32>
      %swap3A_597 = arith.index_cast %scan3A_42 : i32 to index
      %swap3A_598 = arith.constant 624 : index
      %swap3A_599 = tpu.vector_load %arg8[%swap3A_597, %swap3A_598] {strides = array<i32>} : memref<32x768xf32, #tpu.memory_space<vmem>>, vector<1x16xf32>,
      %swap3A_600 = vector.shape_cast %swap3A_599 : vector<1x16xf32> to vector<16xf32>
      %swap3A_601 = vector.shape_cast %add3A_596 : vector<16xf32> to vector<1x16xf32>
      tpu.vector_store %arg8[%swap3A_597, %swap3A_598], %swap3A_601 {strides = array<i32>} : memref<32x768xf32, #tpu.memory_space<vmem>>, vector<1x16xf32>,
      %get3A_602 = arith.index_cast %scan3A_42 : i32 to index
      %get3A_603 = arith.constant 640 : index
      %get3A_604 = tpu.vector_load %arg8[%get3A_602, %get3A_603] {strides = array<i32>} : memref<32x768xf32, #tpu.memory_space<vmem>>, vector<1x16xf32>,
      %get3A_605 = vector.shape_cast %get3A_604 : vector<1x16xf32> to vector<16xf32>
      %get3A_606 = arith.index_cast %scan3A_42 : i32 to index
      %get3A_607 = arith.constant 640 : index
      %get3A_608 = tpu.vector_load %arg9[%get3A_606, %get3A_607] {strides = array<i32>} : memref<32x768xf32, #tpu.memory_space<vmem>>, vector<1x16xf32>,
      %get3A_609 = vector.shape_cast %get3A_608 : vector<1x16xf32> to vector<16xf32>
      %add3A_610 = arith.addf %get3A_605, %get3A_609 : vector<16xf32>
      %swap3A_611 = arith.index_cast %scan3A_42 : i32 to index
      %swap3A_612 = arith.constant 640 : index
      %swap3A_613 = tpu.vector_load %arg8[%swap3A_611, %swap3A_612] {strides = array<i32>} : memref<32x768xf32, #tpu.memory_space<vmem>>, vector<1x16xf32>,
      %swap3A_614 = vector.shape_cast %swap3A_613 : vector<1x16xf32> to vector<16xf32>
      %swap3A_615 = vector.shape_cast %add3A_610 : vector<16xf32> to vector<1x16xf32>
      tpu.vector_store %arg8[%swap3A_611, %swap3A_612], %swap3A_615 {strides = array<i32>} : memref<32x768xf32, #tpu.memory_space<vmem>>, vector<1x16xf32>,
      %get3A_616 = arith.index_cast %scan3A_42 : i32 to index
      %get3A_617 = arith.constant 656 : index
      %get3A_618 = tpu.vector_load %arg8[%get3A_616, %get3A_617] {strides = array<i32>} : memref<32x768xf32, #tpu.memory_space<vmem>>, vector<1x16xf32>,
      %get3A_619 = vector.shape_cast %get3A_618 : vector<1x16xf32> to vector<16xf32>
      %get3A_620 = arith.index_cast %scan3A_42 : i32 to index
      %get3A_621 = arith.constant 656 : index
      %get3A_622 = tpu.vector_load %arg9[%get3A_620, %get3A_621] {strides = array<i32>} : memref<32x768xf32, #tpu.memory_space<vmem>>, vector<1x16xf32>,
      %get3A_623 = vector.shape_cast %get3A_622 : vector<1x16xf32> to vector<16xf32>
      %add3A_624 = arith.addf %get3A_619, %get3A_623 : vector<16xf32>
      %swap3A_625 = arith.index_cast %scan3A_42 : i32 to index
      %swap3A_626 = arith.constant 656 : index
      %swap3A_627 = tpu.vector_load %arg8[%swap3A_625, %swap3A_626] {strides = array<i32>} : memref<32x768xf32, #tpu.memory_space<vmem>>, vector<1x16xf32>,
      %swap3A_628 = vector.shape_cast %swap3A_627 : vector<1x16xf32> to vector<16xf32>
      %swap3A_629 = vector.shape_cast %add3A_624 : vector<16xf32> to vector<1x16xf32>
      tpu.vector_store %arg8[%swap3A_625, %swap3A_626], %swap3A_629 {strides = array<i32>} : memref<32x768xf32, #tpu.memory_space<vmem>>, vector<1x16xf32>,
      %get3A_630 = arith.index_cast %scan3A_42 : i32 to index
      %get3A_631 = arith.constant 672 : index
      %get3A_632 = tpu.vector_load %arg8[%get3A_630, %get3A_631] {strides = array<i32>} : memref<32x768xf32, #tpu.memory_space<vmem>>, vector<1x16xf32>,
      %get3A_633 = vector.shape_cast %get3A_632 : vector<1x16xf32> to vector<16xf32>
      %get3A_634 = arith.index_cast %scan3A_42 : i32 to index
      %get3A_635 = arith.constant 672 : index
      %get3A_636 = tpu.vector_load %arg9[%get3A_634, %get3A_635] {strides = array<i32>} : memref<32x768xf32, #tpu.memory_space<vmem>>, vector<1x16xf32>,
      %get3A_637 = vector.shape_cast %get3A_636 : vector<1x16xf32> to vector<16xf32>
      %add3A_638 = arith.addf %get3A_633, %get3A_637 : vector<16xf32>
      %swap3A_639 = arith.index_cast %scan3A_42 : i32 to index
      %swap3A_640 = arith.constant 672 : index
      %swap3A_641 = tpu.vector_load %arg8[%swap3A_639, %swap3A_640] {strides = array<i32>} : memref<32x768xf32, #tpu.memory_space<vmem>>, vector<1x16xf32>,
      %swap3A_642 = vector.shape_cast %swap3A_641 : vector<1x16xf32> to vector<16xf32>
      %swap3A_643 = vector.shape_cast %add3A_638 : vector<16xf32> to vector<1x16xf32>
      tpu.vector_store %arg8[%swap3A_639, %swap3A_640], %swap3A_643 {strides = array<i32>} : memref<32x768xf32, #tpu.memory_space<vmem>>, vector<1x16xf32>,
      %get3A_644 = arith.index_cast %scan3A_42 : i32 to index
      %get3A_645 = arith.constant 688 : index
      %get3A_646 = tpu.vector_load %arg8[%get3A_644, %get3A_645] {strides = array<i32>} : memref<32x768xf32, #tpu.memory_space<vmem>>, vector<1x16xf32>,
      %get3A_647 = vector.shape_cast %get3A_646 : vector<1x16xf32> to vector<16xf32>
      %get3A_648 = arith.index_cast %scan3A_42 : i32 to index
      %get3A_649 = arith.constant 688 : index
      %get3A_650 = tpu.vector_load %arg9[%get3A_648, %get3A_649] {strides = array<i32>} : memref<32x768xf32, #tpu.memory_space<vmem>>, vector<1x16xf32>,
      %get3A_651 = vector.shape_cast %get3A_650 : vector<1x16xf32> to vector<16xf32>
      %add3A_652 = arith.addf %get3A_647, %get3A_651 : vector<16xf32>
      %swap3A_653 = arith.index_cast %scan3A_42 : i32 to index
      %swap3A_654 = arith.constant 688 : index
      %swap3A_655 = tpu.vector_load %arg8[%swap3A_653, %swap3A_654] {strides = array<i32>} : memref<32x768xf32, #tpu.memory_space<vmem>>, vector<1x16xf32>,
      %swap3A_656 = vector.shape_cast %swap3A_655 : vector<1x16xf32> to vector<16xf32>
      %swap3A_657 = vector.shape_cast %add3A_652 : vector<16xf32> to vector<1x16xf32>
      tpu.vector_store %arg8[%swap3A_653, %swap3A_654], %swap3A_657 {strides = array<i32>} : memref<32x768xf32, #tpu.memory_space<vmem>>, vector<1x16xf32>,
      %get3A_658 = arith.index_cast %scan3A_42 : i32 to index
      %get3A_659 = arith.constant 704 : index
      %get3A_660 = tpu.vector_load %arg8[%get3A_658, %get3A_659] {strides = array<i32>} : memref<32x768xf32, #tpu.memory_space<vmem>>, vector<1x16xf32>,
      %get3A_661 = vector.shape_cast %get3A_660 : vector<1x16xf32> to vector<16xf32>
      %get3A_662 = arith.index_cast %scan3A_42 : i32 to index
      %get3A_663 = arith.constant 704 : index
      %get3A_664 = tpu.vector_load %arg9[%get3A_662, %get3A_663] {strides = array<i32>} : memref<32x768xf32, #tpu.memory_space<vmem>>, vector<1x16xf32>,
      %get3A_665 = vector.shape_cast %get3A_664 : vector<1x16xf32> to vector<16xf32>
      %add3A_666 = arith.addf %get3A_661, %get3A_665 : vector<16xf32>
      %swap3A_667 = arith.index_cast %scan3A_42 : i32 to index
      %swap3A_668 = arith.constant 704 : index
      %swap3A_669 = tpu.vector_load %arg8[%swap3A_667, %swap3A_668] {strides = array<i32>} : memref<32x768xf32, #tpu.memory_space<vmem>>, vector<1x16xf32>,
      %swap3A_670 = vector.shape_cast %swap3A_669 : vector<1x16xf32> to vector<16xf32>
      %swap3A_671 = vector.shape_cast %add3A_666 : vector<16xf32> to vector<1x16xf32>
      tpu.vector_store %arg8[%swap3A_667, %swap3A_668], %swap3A_671 {strides = array<i32>} : memref<32x768xf32, #tpu.memory_space<vmem>>, vector<1x16xf32>,
      %get3A_672 = arith.index_cast %scan3A_42 : i32 to index
      %get3A_673 = arith.constant 720 : index
      %get3A_674 = tpu.vector_load %arg8[%get3A_672, %get3A_673] {strides = array<i32>} : memref<32x768xf32, #tpu.memory_space<vmem>>, vector<1x16xf32>,
      %get3A_675 = vector.shape_cast %get3A_674 : vector<1x16xf32> to vector<16xf32>
      %get3A_676 = arith.index_cast %scan3A_42 : i32 to index
      %get3A_677 = arith.constant 720 : index
      %get3A_678 = tpu.vector_load %arg9[%get3A_676, %get3A_677] {strides = array<i32>} : memref<32x768xf32, #tpu.memory_space<vmem>>, vector<1x16xf32>,
      %get3A_679 = vector.shape_cast %get3A_678 : vector<1x16xf32> to vector<16xf32>
      %add3A_680 = arith.addf %get3A_675, %get3A_679 : vector<16xf32>
      %swap3A_681 = arith.index_cast %scan3A_42 : i32 to index
      %swap3A_682 = arith.constant 720 : index
      %swap3A_683 = tpu.vector_load %arg8[%swap3A_681, %swap3A_682] {strides = array<i32>} : memref<32x768xf32, #tpu.memory_space<vmem>>, vector<1x16xf32>,
      %swap3A_684 = vector.shape_cast %swap3A_683 : vector<1x16xf32> to vector<16xf32>
      %swap3A_685 = vector.shape_cast %add3A_680 : vector<16xf32> to vector<1x16xf32>
      tpu.vector_store %arg8[%swap3A_681, %swap3A_682], %swap3A_685 {strides = array<i32>} : memref<32x768xf32, #tpu.memory_space<vmem>>, vector<1x16xf32>,
      %get3A_686 = arith.index_cast %scan3A_42 : i32 to index
      %get3A_687 = arith.constant 736 : index
      %get3A_688 = tpu.vector_load %arg8[%get3A_686, %get3A_687] {strides = array<i32>} : memref<32x768xf32, #tpu.memory_space<vmem>>, vector<1x16xf32>,
      %get3A_689 = vector.shape_cast %get3A_688 : vector<1x16xf32> to vector<16xf32>
      %get3A_690 = arith.index_cast %scan3A_42 : i32 to index
      %get3A_691 = arith.constant 736 : index
      %get3A_692 = tpu.vector_load %arg9[%get3A_690, %get3A_691] {strides = array<i32>} : memref<32x768xf32, #tpu.memory_space<vmem>>, vector<1x16xf32>,
      %get3A_693 = vector.shape_cast %get3A_692 : vector<1x16xf32> to vector<16xf32>
      %add3A_694 = arith.addf %get3A_689, %get3A_693 : vector<16xf32>
      %swap3A_695 = arith.index_cast %scan3A_42 : i32 to index
      %swap3A_696 = arith.constant 736 : index
      %swap3A_697 = tpu.vector_load %arg8[%swap3A_695, %swap3A_696] {strides = array<i32>} : memref<32x768xf32, #tpu.memory_space<vmem>>, vector<1x16xf32>,
      %swap3A_698 = vector.shape_cast %swap3A_697 : vector<1x16xf32> to vector<16xf32>
      %swap3A_699 = vector.shape_cast %add3A_694 : vector<16xf32> to vector<1x16xf32>
      tpu.vector_store %arg8[%swap3A_695, %swap3A_696], %swap3A_699 {strides = array<i32>} : memref<32x768xf32, #tpu.memory_space<vmem>>, vector<1x16xf32>,
      %get3A_700 = arith.index_cast %scan3A_42 : i32 to index
      %get3A_701 = arith.constant 752 : index
      %get3A_702 = tpu.vector_load %arg8[%get3A_700, %get3A_701] {strides = array<i32>} : memref<32x768xf32, #tpu.memory_space<vmem>>, vector<1x16xf32>,
      %get3A_703 = vector.shape_cast %get3A_702 : vector<1x16xf32> to vector<16xf32>
      %get3A_704 = arith.index_cast %scan3A_42 : i32 to index
      %get3A_705 = arith.constant 752 : index
      %get3A_706 = tpu.vector_load %arg9[%get3A_704, %get3A_705] {strides = array<i32>} : memref<32x768xf32, #tpu.memory_space<vmem>>, vector<1x16xf32>,
      %get3A_707 = vector.shape_cast %get3A_706 : vector<1x16xf32> to vector<16xf32>
      %add3A_708 = arith.addf %get3A_703, %get3A_707 : vector<16xf32>
      %swap3A_709 = arith.index_cast %scan3A_42 : i32 to index
      %swap3A_710 = arith.constant 752 : index
      %swap3A_711 = tpu.vector_load %arg8[%swap3A_709, %swap3A_710] {strides = array<i32>} : memref<32x768xf32, #tpu.memory_space<vmem>>, vector<1x16xf32>,
      %swap3A_712 = vector.shape_cast %swap3A_711 : vector<1x16xf32> to vector<16xf32>
      %swap3A_713 = vector.shape_cast %add3A_708 : vector<16xf32> to vector<1x16xf32>
      tpu.vector_store %arg8[%swap3A_709, %swap3A_710], %swap3A_713 {strides = array<i32>} : memref<32x768xf32, #tpu.memory_space<vmem>>, vector<1x16xf32>,
      %scan3A_714 = arith.constant 0 : i32
      scf.yield %scan3A_714 : i32
    }
    %scan3A_41 = arith.constant 32 : i32
    "tpu.region"() ({
      %run_scoped3A = tpu.sem_alloc : memref<!tpu.dma_semaphore, #tpu.memory_space<semaphore_mem>>
      %dma_start3A_42 = arith.constant 0 : i32
      %dma_start3A_43 = tpu.memref_slice %arg5[%add3A_22, %dma_start3A_42] : memref<2048x768xf32, #tpu.memory_space<hbm>> -> memref<32x768xf32, #tpu.memory_space<hbm>>
      %dma_start3A_44 = arith.constant 0 : i32
      %dma_start3A_45 = tpu.memref_slice %arg5[%add3A_22, %dma_start3A_44] : memref<2048x768xf32, #tpu.memory_space<hbm>> -> memref<32x768xf32, #tpu.memory_space<hbm>>
      tpu.enqueue_dma source(%arg8 : memref<32x768xf32, #tpu.memory_space<vmem>>) target(%dma_start3A_45 : memref<32x768xf32, #tpu.memory_space<hbm>>) target_semaphore(%run_scoped3A : memref<!tpu.dma_semaphore, #tpu.memory_space<semaphore_mem>>)
      %dma_wait3A_46 = arith.constant 0 : i32
      %dma_wait3A_47 = tpu.memref_slice %arg5[%add3A_22, %dma_wait3A_46] : memref<2048x768xf32, #tpu.memory_space<hbm>> -> memref<32x768xf32, #tpu.memory_space<hbm>>
      %dma_wait3A_48 = arith.constant 0 : i32
      %dma_wait3A_49 = tpu.memref_slice %arg5[%add3A_22, %dma_wait3A_48] : memref<2048x768xf32, #tpu.memory_space<hbm>> -> memref<32x768xf32, #tpu.memory_space<hbm>>
      tpu.wait_dma2 semaphore(%run_scoped3A : memref<!tpu.dma_semaphore, #tpu.memory_space<semaphore_mem>>) src(%arg8 : memref<32x768xf32, #tpu.memory_space<vmem>>) dst(%dma_wait3A_49 : memref<32x768xf32, #tpu.memory_space<hbm>>)
      tpu.yield
    }) : () -> ()
    return
  }
}

module attributes {stable_mosaic.version = 14 : i64} {
  func.func @_router_body(%arg0: memref<2048x768xf32, #tpu.memory_space<vmem>>, %arg1: memref<8x768xf32, #tpu.memory_space<vmem>>, %arg2: memref<2048x2xf32, #tpu.memory_space<vmem>>, %arg3: memref<2048x2xi32, #tpu.memory_space<vmem>>) attributes {dimension_semantics = [], scalar_prefetch = 0 : i64, scratch_operands = 0 : i64, tpu.core_type = #tpu.core_type<tc>} {
    %get3A = arith.constant 0 : index
    %get3A_0 = arith.constant 0 : index
    %get3A_1 = vector.load %arg0[%get3A, %get3A_0] : memref<2048x768xf32, #tpu.memory_space<vmem>>, vector<2048x768xf32>
    %get3A_2 = arith.constant 0 : index
    %get3A_3 = arith.constant 0 : index
    %get3A_4 = vector.load %arg1[%get3A_2, %get3A_3] : memref<8x768xf32, #tpu.memory_space<vmem>>, vector<8x768xf32>
    %dot_general3A = arith.constant dense<0.000000e+00> : vector<2048x8xf32>
    %dot_general3A_5 = tpu.matmul %get3A_1, %get3A_4, %dot_general3A {dimension_numbers = #tpu.dot_dimension_numbers<[1], [1], [0], [0], [0, 0, 1, 0], [], []>, transpose_lhs_hint = false} : vector<2048x768xf32>, vector<8x768xf32>, vector<2048x8xf32> -> vector<2048x8xf32>
    %reduce_max3A = arith.constant dense<0xFF800000> : vector<2048xf32>
    %reduce_max3A_6 = vector.multi_reduction <maximumf>, %dot_general3A_5, %reduce_max3A [1] : vector<2048x8xf32> to vector<2048xf32>
    %broadcast_in_dim3A = vector.shape_cast %reduce_max3A_6 : vector<2048xf32> to vector<2048x1xf32>
    %sub3A = vector.broadcast %broadcast_in_dim3A : vector<2048x1xf32> to vector<2048x8xf32>
    %sub3A_7 = arith.subf %dot_general3A_5, %sub3A : vector<2048x8xf32>
    %exp3A = math.exp %sub3A_7 : vector<2048x8xf32>
    %reduce_sum3A = arith.constant dense<0.000000e+00> : vector<2048xf32>
    %reduce_sum3A_8 = vector.multi_reduction <add>, %exp3A, %reduce_sum3A [1] : vector<2048x8xf32> to vector<2048xf32>
    %broadcast_in_dim3A_9 = vector.shape_cast %reduce_sum3A_8 : vector<2048xf32> to vector<2048x1xf32>
    %div3A = vector.broadcast %broadcast_in_dim3A_9 : vector<2048x1xf32> to vector<2048x8xf32>
    %div3A_10 = arith.divf %exp3A, %div3A : vector<2048x8xf32>
    %iota3A = tpu.iota {dimensions = array<i32: 1>} : vector<2048x8xi32>
    %reduce_max3A_11 = arith.constant dense<0xFF800000> : vector<2048xf32>
    %reduce_max3A_12 = vector.multi_reduction <maximumf>, %div3A_10, %reduce_max3A_11 [1] : vector<2048x8xf32> to vector<2048xf32>
    %broadcast_in_dim3A_13 = vector.shape_cast %reduce_max3A_12 : vector<2048xf32> to vector<2048x1xf32>
    %ge3A = vector.broadcast %broadcast_in_dim3A_13 : vector<2048x1xf32> to vector<2048x8xf32>
    %ge3A_14 = arith.cmpf oge, %div3A_10, %ge3A : vector<2048x8xf32>
    %jit3A = arith.constant 8 : i32
    %broadcast_in_dim3A_15 = vector.broadcast %jit3A : i32 to vector<2048x8xi32>
    %select_n3A = arith.select %ge3A_14, %iota3A, %broadcast_in_dim3A_15 : vector<2048x8xi1>, vector<2048x8xi32>
    %reduce_min3A = arith.constant dense<2147483647> : vector<2048xi32>
    %reduce_min3A_16 = vector.multi_reduction <minsi>, %select_n3A, %reduce_min3A [1] : vector<2048x8xi32> to vector<2048xi32>
    %broadcast_in_dim3A_17 = vector.shape_cast %reduce_min3A_16 : vector<2048xi32> to vector<2048x1xi32>
    %eq3A = vector.broadcast %broadcast_in_dim3A_17 : vector<2048x1xi32> to vector<2048x8xi32>
    %eq3A_18 = arith.cmpi eq, %iota3A, %eq3A : vector<2048x8xi32>
    %jit3A_19 = arith.constant 0xFF800000 : f32
    %broadcast_in_dim3A_20 = vector.broadcast %jit3A_19 : f32 to vector<2048x8xf32>
    %select_n3A_21 = arith.select %eq3A_18, %broadcast_in_dim3A_20, %div3A_10 : vector<2048x8xi1>, vector<2048x8xf32>
    %reduce_max3A_22 = arith.constant dense<0xFF800000> : vector<2048xf32>
    %reduce_max3A_23 = vector.multi_reduction <maximumf>, %select_n3A_21, %reduce_max3A_22 [1] : vector<2048x8xf32> to vector<2048xf32>
    %broadcast_in_dim3A_24 = vector.shape_cast %reduce_max3A_23 : vector<2048xf32> to vector<2048x1xf32>
    %ge3A_25 = vector.broadcast %broadcast_in_dim3A_24 : vector<2048x1xf32> to vector<2048x8xf32>
    %ge3A_26 = arith.cmpf oge, %select_n3A_21, %ge3A_25 : vector<2048x8xf32>
    %jit3A_27 = arith.constant 8 : i32
    %broadcast_in_dim3A_28 = vector.broadcast %jit3A_27 : i32 to vector<2048x8xi32>
    %select_n3A_29 = arith.select %ge3A_26, %iota3A, %broadcast_in_dim3A_28 : vector<2048x8xi1>, vector<2048x8xi32>
    %reduce_min3A_30 = arith.constant dense<2147483647> : vector<2048xi32>
    %reduce_min3A_31 = vector.multi_reduction <minsi>, %select_n3A_29, %reduce_min3A_30 [1] : vector<2048x8xi32> to vector<2048xi32>
    %broadcast_in_dim3A_32 = vector.shape_cast %reduce_min3A_31 : vector<2048xi32> to vector<2048x1xi32>
    %add3A = arith.addf %broadcast_in_dim3A_13, %broadcast_in_dim3A_24 : vector<2048x1xf32>
    %jit3A_33 = arith.constant 9.99999971E-10 : f32
    %max3A = vector.broadcast %jit3A_33 : f32 to vector<2048x1xf32>
    %max3A_34 = arith.maximumf %max3A, %add3A : vector<2048x1xf32>
    %concatenate3A = tpu.concatenate %broadcast_in_dim3A_13, %broadcast_in_dim3A_24 in 1 : vector<2048x1xf32>, vector<2048x1xf32> -> vector<2048x2xf32>
    %div3A_35 = vector.broadcast %max3A_34 : vector<2048x1xf32> to vector<2048x2xf32>
    %div3A_36 = arith.divf %concatenate3A, %div3A_35 : vector<2048x2xf32>
    %swap3A = arith.constant 0 : index
    %swap3A_37 = arith.constant 0 : index
    %swap3A_38 = vector.load %arg2[%swap3A, %swap3A_37] : memref<2048x2xf32, #tpu.memory_space<vmem>>, vector<2048x2xf32>
    tpu.vector_store %arg2[%swap3A, %swap3A_37], %div3A_36 {strides = array<i32>} : memref<2048x2xf32, #tpu.memory_space<vmem>>, vector<2048x2xf32>,
    %concatenate3A_39 = tpu.concatenate %broadcast_in_dim3A_17, %broadcast_in_dim3A_32 in 1 : vector<2048x1xi32>, vector<2048x1xi32> -> vector<2048x2xi32>
    %swap3A_40 = arith.constant 0 : index
    %swap3A_41 = arith.constant 0 : index
    %swap3A_42 = vector.load %arg3[%swap3A_40, %swap3A_41] : memref<2048x2xi32, #tpu.memory_space<vmem>>, vector<2048x2xi32>
    tpu.vector_store %arg3[%swap3A_40, %swap3A_41], %concatenate3A_39 {strides = array<i32>} : memref<2048x2xi32, #tpu.memory_space<vmem>>, vector<2048x2xi32>,
    return
  }
}

module attributes {stable_mosaic.version = 14 : i64} {
  func.func @_ffn_body(%arg0: i32, %arg1: i32, %arg2: memref<768x1xi32, #tpu.memory_space<vmem>>, %arg3: memref<768x1xf32, #tpu.memory_space<vmem>>, %arg4: memref<2048x768xf32, #tpu.memory_space<vmem>>, %arg5: memref<1x512x768xf32, #tpu.memory_space<vmem>>, %arg6: memref<1x512x768xf32, #tpu.memory_space<vmem>>, %arg7: memref<1x768x512xf32, #tpu.memory_space<vmem>>, %arg8: memref<768x768xf32, #tpu.memory_space<vmem>>, %arg9: memref<768x768xbf16, #tpu.memory_space<vmem>>) attributes {dimension_semantics = [#tpu.dimension_semantics<arbitrary>, #tpu.dimension_semantics<arbitrary>], iteration_bounds = array<i64: 8, 6>, scalar_prefetch = 0 : i64, scratch_operands = 1 : i64, tpu.core_type = #tpu.core_type<tc>, window_params = [{transform_indices = @transform_0, window_bounds = array<i64: 768, 1>}, {transform_indices = @transform_1, window_bounds = array<i64: 768, 1>}, {pipeline_mode = #tpu.pipeline_mode<synchronous>, transform_indices = @transform_2, window_bounds = array<i64: 2048, 768>}, {transform_indices = @transform_3, window_bounds = array<i64: 1, 512, 768>}, {transform_indices = @transform_4, window_bounds = array<i64: 1, 512, 768>}, {transform_indices = @transform_5, window_bounds = array<i64: 1, 768, 512>}, {transform_indices = @transform_6, window_bounds = array<i64: 768, 768>}]} {
    %eq3A = arith.constant 0 : i32
    %eq3A_0 = arith.cmpi eq, %arg1, %eq3A : i32
    %convert_element_type3A = arith.extui %eq3A_0 : i1 to i32
    %cond3A = arith.constant 0 : i32
    %cond3A_1 = arith.cmpi ne, %convert_element_type3A, %cond3A : i32
    scf.if %cond3A_1 {
      %get3A_48 = arith.constant 0 : index
      %get3A_49 = arith.constant 0 : index
      %get3A_50 = vector.load %arg2[%get3A_48, %get3A_49] : memref<768x1xi32, #tpu.memory_space<vmem>>, vector<768x1xi32>
      %get3A_51 = arith.constant 0 : index
      %get3A_52 = arith.constant 0 : index
      %get3A_53 = vector.load %arg4[%get3A_51, %get3A_52] : memref<2048x768xf32, #tpu.memory_space<vmem>>, vector<2048x768xf32>
      %convert_element_type3A_54 = arith.truncf %get3A_53 : vector<2048x768xf32> to vector<2048x768xbf16>
      %iota3A = tpu.iota {dimensions = array<i32: 1>} : vector<768x2048xi32>
      %eq3A_55 = vector.broadcast %get3A_50 : vector<768x1xi32> to vector<768x2048xi32>
      %eq3A_56 = arith.cmpi eq, %iota3A, %eq3A_55 : vector<768x2048xi32>
      %convert_element_type3A_57 = arith.extui %eq3A_56 : vector<768x2048xi1> to vector<768x2048xi32>
      %convert_element_type3A_58 = arith.sitofp %convert_element_type3A_57 : vector<768x2048xi32> to vector<768x2048xf32>
      %convert_element_type3A_59 = arith.truncf %convert_element_type3A_58 : vector<768x2048xf32> to vector<768x2048xbf16>
      %dot_general3A_60 = arith.constant dense<0.000000e+00> : vector<768x768xf32>
      %dot_general3A_61 = tpu.matmul %convert_element_type3A_59, %convert_element_type3A_54, %dot_general3A_60 {dimension_numbers = #tpu.dot_dimension_numbers<[1], [0], [0], [1], [0, 0, 1, 1], [], []>, transpose_lhs_hint = false} : vector<768x2048xbf16>, vector<2048x768xbf16>, vector<768x768xf32> -> vector<768x768xf32>
      %convert_element_type3A_62 = arith.truncf %dot_general3A_61 : vector<768x768xf32> to vector<768x768xbf16>
      %swap3A = arith.constant 0 : index
      %swap3A_63 = arith.constant 0 : index
      %swap3A_64 = vector.load %arg9[%swap3A, %swap3A_63] : memref<768x768xbf16, #tpu.memory_space<vmem>>, vector<768x768xbf16>
      tpu.vector_store %arg9[%swap3A, %swap3A_63], %convert_element_type3A_62 {strides = array<i32>} : memref<768x768xbf16, #tpu.memory_space<vmem>>, vector<768x768xbf16>,
    } else {
    }
    %get3A = arith.constant 0 : index
    %get3A_2 = arith.constant 0 : index
    %get3A_3 = vector.load %arg9[%get3A, %get3A_2] : memref<768x768xbf16, #tpu.memory_space<vmem>>, vector<768x768xbf16>
    %get3A_4 = arith.constant 0 : index
    %get3A_5 = arith.constant 0 : index
    %get3A_6 = arith.constant 0 : index
    %get3A_7 = vector.load %arg5[%get3A_4, %get3A_5, %get3A_6] : memref<1x512x768xf32, #tpu.memory_space<vmem>>, vector<1x512x768xf32>
    %get3A_8 = vector.shape_cast %get3A_7 : vector<1x512x768xf32> to vector<512x768xf32>
    %convert_element_type3A_9 = arith.truncf %get3A_8 : vector<512x768xf32> to vector<512x768xbf16>
    %dot_general3A = arith.constant dense<0.000000e+00> : vector<768x512xf32>
    %dot_general3A_10 = tpu.matmul %get3A_3, %convert_element_type3A_9, %dot_general3A {dimension_numbers = #tpu.dot_dimension_numbers<[1], [1], [0], [0], [0, 0, 1, 0], [], []>, transpose_lhs_hint = false} : vector<768x768xbf16>, vector<512x768xbf16>, vector<768x512xf32> -> vector<768x512xf32>
    %get3A_11 = arith.constant 0 : index
    %get3A_12 = arith.constant 0 : index
    %get3A_13 = arith.constant 0 : index
    %get3A_14 = vector.load %arg6[%get3A_11, %get3A_12, %get3A_13] : memref<1x512x768xf32, #tpu.memory_space<vmem>>, vector<1x512x768xf32>
    %get3A_15 = vector.shape_cast %get3A_14 : vector<1x512x768xf32> to vector<512x768xf32>
    %convert_element_type3A_16 = arith.truncf %get3A_15 : vector<512x768xf32> to vector<512x768xbf16>
    %dot_general3A_17 = arith.constant dense<0.000000e+00> : vector<768x512xf32>
    %dot_general3A_18 = tpu.matmul %get3A_3, %convert_element_type3A_16, %dot_general3A_17 {dimension_numbers = #tpu.dot_dimension_numbers<[1], [1], [0], [0], [0, 0, 1, 0], [], []>, transpose_lhs_hint = false} : vector<768x768xbf16>, vector<512x768xbf16>, vector<768x512xf32> -> vector<768x512xf32>
    %logistic3A = arith.negf %dot_general3A_10 : vector<768x512xf32>
    %logistic3A_19 = math.exp %logistic3A : vector<768x512xf32>
    %logistic3A_20 = arith.constant 1.000000e+00 : f32
    %logistic3A_21 = vector.broadcast %logistic3A_20 : f32 to vector<768x512xf32>
    %logistic3A_22 = arith.addf %logistic3A_21, %logistic3A_19 : vector<768x512xf32>
    %logistic3A_23 = arith.divf %logistic3A_21, %logistic3A_22 : vector<768x512xf32>
    %mul3A = arith.mulf %dot_general3A_10, %logistic3A_23 : vector<768x512xf32>
    %mul3A_24 = arith.mulf %mul3A, %dot_general3A_18 : vector<768x512xf32>
    %get3A_25 = arith.constant 0 : index
    %get3A_26 = arith.constant 0 : index
    %get3A_27 = vector.load %arg3[%get3A_25, %get3A_26] : memref<768x1xf32, #tpu.memory_space<vmem>>, vector<768x1xf32>
    %mul3A_28 = vector.broadcast %get3A_27 : vector<768x1xf32> to vector<768x512xf32>
    %mul3A_29 = arith.mulf %mul3A_24, %mul3A_28 : vector<768x512xf32>
    %convert_element_type3A_30 = arith.truncf %mul3A_29 : vector<768x512xf32> to vector<768x512xbf16>
    %get3A_31 = arith.constant 0 : index
    %get3A_32 = arith.constant 0 : index
    %get3A_33 = arith.constant 0 : index
    %get3A_34 = vector.load %arg7[%get3A_31, %get3A_32, %get3A_33] : memref<1x768x512xf32, #tpu.memory_space<vmem>>, vector<1x768x512xf32>
    %get3A_35 = vector.shape_cast %get3A_34 : vector<1x768x512xf32> to vector<768x512xf32>
    %convert_element_type3A_36 = arith.truncf %get3A_35 : vector<768x512xf32> to vector<768x512xbf16>
    %dot_general3A_37 = arith.constant dense<0.000000e+00> : vector<768x768xf32>
    %dot_general3A_38 = tpu.matmul %convert_element_type3A_30, %convert_element_type3A_36, %dot_general3A_37 {dimension_numbers = #tpu.dot_dimension_numbers<[1], [1], [0], [0], [0, 0, 1, 0], [], []>, transpose_lhs_hint = false} : vector<768x512xbf16>, vector<768x512xbf16>, vector<768x768xf32> -> vector<768x768xf32>
    %eq3A_39 = arith.constant 0 : i32
    %eq3A_40 = arith.cmpi eq, %arg1, %eq3A_39 : i32
    %convert_element_type3A_41 = arith.extui %eq3A_40 : i1 to i32
    %cond3A_42 = arith.constant 0 : i32
    %cond3A_43 = arith.cmpi ne, %convert_element_type3A_41, %cond3A_42 : i32
    scf.if %cond3A_43 {
      %swap3A = arith.constant 0 : index
      %swap3A_48 = arith.constant 0 : index
      %swap3A_49 = vector.load %arg8[%swap3A, %swap3A_48] : memref<768x768xf32, #tpu.memory_space<vmem>>, vector<768x768xf32>
      tpu.vector_store %arg8[%swap3A, %swap3A_48], %dot_general3A_38 {strides = array<i32>} : memref<768x768xf32, #tpu.memory_space<vmem>>, vector<768x768xf32>,
    } else {
    }
    %ne3A = arith.constant 0 : i32
    %ne3A_44 = arith.cmpi ne, %arg1, %ne3A : i32
    %convert_element_type3A_45 = arith.extui %ne3A_44 : i1 to i32
    %cond3A_46 = arith.constant 0 : i32
    %cond3A_47 = arith.cmpi ne, %convert_element_type3A_45, %cond3A_46 : i32
    scf.if %cond3A_47 {
      %get3A_48 = arith.constant 0 : index
      %get3A_49 = arith.constant 0 : index
      %get3A_50 = vector.load %arg8[%get3A_48, %get3A_49] : memref<768x768xf32, #tpu.memory_space<vmem>>, vector<768x768xf32>
      %add3A = arith.addf %get3A_50, %dot_general3A_38 : vector<768x768xf32>
      %swap3A = arith.constant 0 : index
      %swap3A_51 = arith.constant 0 : index
      %swap3A_52 = vector.load %arg8[%swap3A, %swap3A_51] : memref<768x768xf32, #tpu.memory_space<vmem>>, vector<768x768xf32>
      tpu.vector_store %arg8[%swap3A, %swap3A_51], %add3A {strides = array<i32>} : memref<768x768xf32, #tpu.memory_space<vmem>>, vector<768x768xf32>,
    } else {
    }
    return
  }
  func.func @transform_0(%arg0: i32, %arg1: i32) -> (i32, i32) {
    %c0_i32 = arith.constant 0 : i32
    %c0_i32_0 = arith.constant 0 : i32
    return %arg0, %c0_i32 : i32, i32
  }
  func.func @transform_1(%arg0: i32, %arg1: i32) -> (i32, i32) {
    %c0_i32 = arith.constant 0 : i32
    %c0_i32_0 = arith.constant 0 : i32
    return %arg0, %c0_i32 : i32, i32
  }
  func.func @transform_2(%arg0: i32, %arg1: i32) -> (i32, i32) {
    %c0_i32 = arith.constant 0 : i32
    %c0_i32_0 = arith.constant 0 : i32
    %c0_i32_1 = arith.constant 0 : i32
    return %c0_i32, %c0_i32_0 : i32, i32
  }
  func.func @transform_3(%arg0: i32, %arg1: i32) -> (i32, i32, i32) {
    %c0_i32 = arith.constant 0 : i32
    %c0_i32_0 = arith.constant 0 : i32
    return %arg0, %arg1, %c0_i32 : i32, i32, i32
  }
  func.func @transform_4(%arg0: i32, %arg1: i32) -> (i32, i32, i32) {
    %add3A = arith.constant 6 : i32
    %add3A_0 = arith.addi %add3A, %arg1 : i32
    %c0_i32 = arith.constant 0 : i32
    %c0_i32_1 = arith.constant 0 : i32
    return %arg0, %add3A_0, %c0_i32 : i32, i32, i32
  }
  func.func @transform_5(%arg0: i32, %arg1: i32) -> (i32, i32, i32) {
    %c0_i32 = arith.constant 0 : i32
    %c0_i32_0 = arith.constant 0 : i32
    return %arg0, %c0_i32, %arg1 : i32, i32, i32
  }
  func.func @transform_6(%arg0: i32, %arg1: i32) -> (i32, i32) {
    %c0_i32 = arith.constant 0 : i32
    %c0_i32_0 = arith.constant 0 : i32
    return %arg0, %c0_i32 : i32, i32
  }
}

module attributes {stable_mosaic.version = 14 : i64} {
  func.func @_ffn_body(%arg0: i32, %arg1: i32, %arg2: memref<1344x1xi32, #tpu.memory_space<vmem>>, %arg3: memref<1344x1xf32, #tpu.memory_space<vmem>>, %arg4: memref<2048x768xf32, #tpu.memory_space<vmem>>, %arg5: memref<1x512x768xf32, #tpu.memory_space<vmem>>, %arg6: memref<1x512x768xf32, #tpu.memory_space<vmem>>, %arg7: memref<1x768x512xf32, #tpu.memory_space<vmem>>, %arg8: memref<1344x768xf32, #tpu.memory_space<vmem>>, %arg9: memref<1344x768xbf16, #tpu.memory_space<vmem>>) attributes {dimension_semantics = [#tpu.dimension_semantics<arbitrary>, #tpu.dimension_semantics<arbitrary>], iteration_bounds = array<i64: 8, 6>, scalar_prefetch = 0 : i64, scratch_operands = 1 : i64, tpu.core_type = #tpu.core_type<tc>, window_params = [{transform_indices = @transform_0, window_bounds = array<i64: 1344, 1>}, {transform_indices = @transform_1, window_bounds = array<i64: 1344, 1>}, {pipeline_mode = #tpu.pipeline_mode<synchronous>, transform_indices = @transform_2, window_bounds = array<i64: 2048, 768>}, {transform_indices = @transform_3, window_bounds = array<i64: 1, 512, 768>}, {transform_indices = @transform_4, window_bounds = array<i64: 1, 512, 768>}, {transform_indices = @transform_5, window_bounds = array<i64: 1, 768, 512>}, {transform_indices = @transform_6, window_bounds = array<i64: 1344, 768>}]} {
    %eq3A = arith.constant 0 : i32
    %eq3A_0 = arith.cmpi eq, %arg1, %eq3A : i32
    %convert_element_type3A = arith.extui %eq3A_0 : i1 to i32
    %cond3A = arith.constant 0 : i32
    %cond3A_1 = arith.cmpi ne, %convert_element_type3A, %cond3A : i32
    scf.if %cond3A_1 {
      %get3A_48 = arith.constant 0 : index
      %get3A_49 = arith.constant 0 : index
      %get3A_50 = vector.load %arg2[%get3A_48, %get3A_49] : memref<1344x1xi32, #tpu.memory_space<vmem>>, vector<1344x1xi32>
      %get3A_51 = arith.constant 0 : index
      %get3A_52 = arith.constant 0 : index
      %get3A_53 = vector.load %arg4[%get3A_51, %get3A_52] : memref<2048x768xf32, #tpu.memory_space<vmem>>, vector<2048x768xf32>
      %convert_element_type3A_54 = arith.truncf %get3A_53 : vector<2048x768xf32> to vector<2048x768xbf16>
      %iota3A = tpu.iota {dimensions = array<i32: 1>} : vector<1344x2048xi32>
      %eq3A_55 = vector.broadcast %get3A_50 : vector<1344x1xi32> to vector<1344x2048xi32>
      %eq3A_56 = arith.cmpi eq, %iota3A, %eq3A_55 : vector<1344x2048xi32>
      %convert_element_type3A_57 = arith.extui %eq3A_56 : vector<1344x2048xi1> to vector<1344x2048xi32>
      %convert_element_type3A_58 = arith.sitofp %convert_element_type3A_57 : vector<1344x2048xi32> to vector<1344x2048xf32>
      %convert_element_type3A_59 = arith.truncf %convert_element_type3A_58 : vector<1344x2048xf32> to vector<1344x2048xbf16>
      %dot_general3A_60 = arith.constant dense<0.000000e+00> : vector<1344x768xf32>
      %dot_general3A_61 = tpu.matmul %convert_element_type3A_59, %convert_element_type3A_54, %dot_general3A_60 {dimension_numbers = #tpu.dot_dimension_numbers<[1], [0], [0], [1], [0, 0, 1, 1], [], []>, transpose_lhs_hint = false} : vector<1344x2048xbf16>, vector<2048x768xbf16>, vector<1344x768xf32> -> vector<1344x768xf32>
      %convert_element_type3A_62 = arith.truncf %dot_general3A_61 : vector<1344x768xf32> to vector<1344x768xbf16>
      %swap3A = arith.constant 0 : index
      %swap3A_63 = arith.constant 0 : index
      %swap3A_64 = vector.load %arg9[%swap3A, %swap3A_63] : memref<1344x768xbf16, #tpu.memory_space<vmem>>, vector<1344x768xbf16>
      tpu.vector_store %arg9[%swap3A, %swap3A_63], %convert_element_type3A_62 {strides = array<i32>} : memref<1344x768xbf16, #tpu.memory_space<vmem>>, vector<1344x768xbf16>,
    } else {
    }
    %get3A = arith.constant 0 : index
    %get3A_2 = arith.constant 0 : index
    %get3A_3 = vector.load %arg9[%get3A, %get3A_2] : memref<1344x768xbf16, #tpu.memory_space<vmem>>, vector<1344x768xbf16>
    %get3A_4 = arith.constant 0 : index
    %get3A_5 = arith.constant 0 : index
    %get3A_6 = arith.constant 0 : index
    %get3A_7 = vector.load %arg5[%get3A_4, %get3A_5, %get3A_6] : memref<1x512x768xf32, #tpu.memory_space<vmem>>, vector<1x512x768xf32>
    %get3A_8 = vector.shape_cast %get3A_7 : vector<1x512x768xf32> to vector<512x768xf32>
    %convert_element_type3A_9 = arith.truncf %get3A_8 : vector<512x768xf32> to vector<512x768xbf16>
    %dot_general3A = arith.constant dense<0.000000e+00> : vector<1344x512xf32>
    %dot_general3A_10 = tpu.matmul %get3A_3, %convert_element_type3A_9, %dot_general3A {dimension_numbers = #tpu.dot_dimension_numbers<[1], [1], [0], [0], [0, 0, 1, 0], [], []>, transpose_lhs_hint = false} : vector<1344x768xbf16>, vector<512x768xbf16>, vector<1344x512xf32> -> vector<1344x512xf32>
    %get3A_11 = arith.constant 0 : index
    %get3A_12 = arith.constant 0 : index
    %get3A_13 = arith.constant 0 : index
    %get3A_14 = vector.load %arg6[%get3A_11, %get3A_12, %get3A_13] : memref<1x512x768xf32, #tpu.memory_space<vmem>>, vector<1x512x768xf32>
    %get3A_15 = vector.shape_cast %get3A_14 : vector<1x512x768xf32> to vector<512x768xf32>
    %convert_element_type3A_16 = arith.truncf %get3A_15 : vector<512x768xf32> to vector<512x768xbf16>
    %dot_general3A_17 = arith.constant dense<0.000000e+00> : vector<1344x512xf32>
    %dot_general3A_18 = tpu.matmul %get3A_3, %convert_element_type3A_16, %dot_general3A_17 {dimension_numbers = #tpu.dot_dimension_numbers<[1], [1], [0], [0], [0, 0, 1, 0], [], []>, transpose_lhs_hint = false} : vector<1344x768xbf16>, vector<512x768xbf16>, vector<1344x512xf32> -> vector<1344x512xf32>
    %logistic3A = arith.negf %dot_general3A_10 : vector<1344x512xf32>
    %logistic3A_19 = math.exp %logistic3A : vector<1344x512xf32>
    %logistic3A_20 = arith.constant 1.000000e+00 : f32
    %logistic3A_21 = vector.broadcast %logistic3A_20 : f32 to vector<1344x512xf32>
    %logistic3A_22 = arith.addf %logistic3A_21, %logistic3A_19 : vector<1344x512xf32>
    %logistic3A_23 = arith.divf %logistic3A_21, %logistic3A_22 : vector<1344x512xf32>
    %mul3A = arith.mulf %dot_general3A_10, %logistic3A_23 : vector<1344x512xf32>
    %mul3A_24 = arith.mulf %mul3A, %dot_general3A_18 : vector<1344x512xf32>
    %get3A_25 = arith.constant 0 : index
    %get3A_26 = arith.constant 0 : index
    %get3A_27 = vector.load %arg3[%get3A_25, %get3A_26] : memref<1344x1xf32, #tpu.memory_space<vmem>>, vector<1344x1xf32>
    %mul3A_28 = vector.broadcast %get3A_27 : vector<1344x1xf32> to vector<1344x512xf32>
    %mul3A_29 = arith.mulf %mul3A_24, %mul3A_28 : vector<1344x512xf32>
    %convert_element_type3A_30 = arith.truncf %mul3A_29 : vector<1344x512xf32> to vector<1344x512xbf16>
    %get3A_31 = arith.constant 0 : index
    %get3A_32 = arith.constant 0 : index
    %get3A_33 = arith.constant 0 : index
    %get3A_34 = vector.load %arg7[%get3A_31, %get3A_32, %get3A_33] : memref<1x768x512xf32, #tpu.memory_space<vmem>>, vector<1x768x512xf32>
    %get3A_35 = vector.shape_cast %get3A_34 : vector<1x768x512xf32> to vector<768x512xf32>
    %convert_element_type3A_36 = arith.truncf %get3A_35 : vector<768x512xf32> to vector<768x512xbf16>
    %dot_general3A_37 = arith.constant dense<0.000000e+00> : vector<1344x768xf32>
    %dot_general3A_38 = tpu.matmul %convert_element_type3A_30, %convert_element_type3A_36, %dot_general3A_37 {dimension_numbers = #tpu.dot_dimension_numbers<[1], [1], [0], [0], [0, 0, 1, 0], [], []>, transpose_lhs_hint = false} : vector<1344x512xbf16>, vector<768x512xbf16>, vector<1344x768xf32> -> vector<1344x768xf32>
    %eq3A_39 = arith.constant 0 : i32
    %eq3A_40 = arith.cmpi eq, %arg1, %eq3A_39 : i32
    %convert_element_type3A_41 = arith.extui %eq3A_40 : i1 to i32
    %cond3A_42 = arith.constant 0 : i32
    %cond3A_43 = arith.cmpi ne, %convert_element_type3A_41, %cond3A_42 : i32
    scf.if %cond3A_43 {
      %swap3A = arith.constant 0 : index
      %swap3A_48 = arith.constant 0 : index
      %swap3A_49 = vector.load %arg8[%swap3A, %swap3A_48] : memref<1344x768xf32, #tpu.memory_space<vmem>>, vector<1344x768xf32>
      tpu.vector_store %arg8[%swap3A, %swap3A_48], %dot_general3A_38 {strides = array<i32>} : memref<1344x768xf32, #tpu.memory_space<vmem>>, vector<1344x768xf32>,
    } else {
    }
    %ne3A = arith.constant 0 : i32
    %ne3A_44 = arith.cmpi ne, %arg1, %ne3A : i32
    %convert_element_type3A_45 = arith.extui %ne3A_44 : i1 to i32
    %cond3A_46 = arith.constant 0 : i32
    %cond3A_47 = arith.cmpi ne, %convert_element_type3A_45, %cond3A_46 : i32
    scf.if %cond3A_47 {
      %get3A_48 = arith.constant 0 : index
      %get3A_49 = arith.constant 0 : index
      %get3A_50 = vector.load %arg8[%get3A_48, %get3A_49] : memref<1344x768xf32, #tpu.memory_space<vmem>>, vector<1344x768xf32>
      %add3A = arith.addf %get3A_50, %dot_general3A_38 : vector<1344x768xf32>
      %swap3A = arith.constant 0 : index
      %swap3A_51 = arith.constant 0 : index
      %swap3A_52 = vector.load %arg8[%swap3A, %swap3A_51] : memref<1344x768xf32, #tpu.memory_space<vmem>>, vector<1344x768xf32>
      tpu.vector_store %arg8[%swap3A, %swap3A_51], %add3A {strides = array<i32>} : memref<1344x768xf32, #tpu.memory_space<vmem>>, vector<1344x768xf32>,
    } else {
    }
    return
  }
  func.func @transform_0(%arg0: i32, %arg1: i32) -> (i32, i32) {
    %c0_i32 = arith.constant 0 : i32
    %c0_i32_0 = arith.constant 0 : i32
    return %arg0, %c0_i32 : i32, i32
  }
  func.func @transform_1(%arg0: i32, %arg1: i32) -> (i32, i32) {
    %c0_i32 = arith.constant 0 : i32
    %c0_i32_0 = arith.constant 0 : i32
    return %arg0, %c0_i32 : i32, i32
  }
  func.func @transform_2(%arg0: i32, %arg1: i32) -> (i32, i32) {
    %c0_i32 = arith.constant 0 : i32
    %c0_i32_0 = arith.constant 0 : i32
    %c0_i32_1 = arith.constant 0 : i32
    return %c0_i32, %c0_i32_0 : i32, i32
  }
  func.func @transform_3(%arg0: i32, %arg1: i32) -> (i32, i32, i32) {
    %c0_i32 = arith.constant 0 : i32
    %c0_i32_0 = arith.constant 0 : i32
    return %arg0, %arg1, %c0_i32 : i32, i32, i32
  }
  func.func @transform_4(%arg0: i32, %arg1: i32) -> (i32, i32, i32) {
    %add3A = arith.constant 6 : i32
    %add3A_0 = arith.addi %add3A, %arg1 : i32
    %c0_i32 = arith.constant 0 : i32
    %c0_i32_1 = arith.constant 0 : i32
    return %arg0, %add3A_0, %c0_i32 : i32, i32, i32
  }
  func.func @transform_5(%arg0: i32, %arg1: i32) -> (i32, i32, i32) {
    %c0_i32 = arith.constant 0 : i32
    %c0_i32_0 = arith.constant 0 : i32
    return %arg0, %c0_i32, %arg1 : i32, i32, i32
  }
  func.func @transform_6(%arg0: i32, %arg1: i32) -> (i32, i32) {
    %c0_i32 = arith.constant 0 : i32
    %c0_i32_0 = arith.constant 0 : i32
    return %arg0, %c0_i32 : i32, i32
  }
}

</mosaic_0001>

<sc_bundles>
// kernel: gather_offload_async_start.1
scs
__scs_entry_jumppad:
0x0: {  	(pc) =	sbr.rel $0x88, $3  }
0x1: {  	(tag) =	ssettag $0x0;
	lr =	simm.s32 $0x1  }
0x2: {  	[smem:$0x3F9D] =	sst lr;
	_ =	strace $0xD0000000  }
0x3: {  	_ = 	snop  }
0x4: {  	_ = 	snop  }
0x5: {  	_ = 	snop  }
0x6: {  	_ = 	snop  }
0x7: {  	_ = 	snop  }
__scs_overlays_trampoline_lowered:
0x8: {  	[smem:$0x3FAC] =	sst s0  }
0x9: {  	[smem:$0x3FAD] =	sst s1  }
0xa: {  	[smem:$0x3FAE] =	sst s2  }
0xb: {  	[smem:$0x3FAF] =	sst s3  }
0xc: {  	[smem:$0x3FB0] =	sst s4  }
0xd: {  	[smem:$0x3FB1] =	sst s5  }
0xe: {  	[smem:$0x3FB2] =	sst s6  }
0xf: {  	[smem:$0x3FB3] =	sst s7  }
0x10: {  	[smem:$0x3FB4] =	sst s8  }
0x11: {  	[smem:$0x3FB5] =	sst s9;
	s0 =	simm.s32 @!p0 $0x0  }
0x12: {  	s1 =	sld [smem:$0x3F9B];
	s0 =	simm.s32 @p0 $0x1  }
0x13: {  	[smem:$0x3FB6] =	sst s0;
	s0 =	simm.s32 @!p1 $0x0  }
0x14: {  	s2 =	sld [smem:$0x3F9A];
	s0 =	simm.s32 @p1 $0x1  }
0x15: {  	[smem:$0x3FB7] =	sst s0;
	s0 =	simm.s32 @!p2 $0x0  }
0x16: {  	s3 =	sld [smem:$0x3FDB];
	s0 =	simm.s32 @p2 $0x1  }
0x17: {  	s4 =	simm.s32 $0x1BF5;
	[smem:$0x3FB9] =	sst s0  }
0x18: {  	s0 =	sld [smem:$0x3F9C];
	_ =	swait.ge [sflag:s4], $0x0  }
0x19: {  	s7 =	sld [smem:$0x3F9D]  }
0x1a: {  	s8 =	sadd.s32 $0xFFFFE003, lr  }
0x1b: {  	s9 =	sadd.s32 $0xFFFFFEF7, lr;
	s5 =	simm.s32 $0xFFFFFFFF;
	p2 =	slt.u32 s8, $0xFFFFF086  }
0x1c: {  	p1 =	slt.u32 s9, $0xF7A;
	s5 =	simm.s32 @!p2 $0x0  }
0x1d: {  	s5 =	simm.s32 @p1 $0x1;
	p0 =	seq.s32 s7, s2  }
0x1e: {  	s7 =	smul.u32 @!p0 $0xF7A, s2;
	p2 =	seq.s32 @!p0 s5, $0x0  }
0x1f: {  	s9 =	smul.u32 $0xF7A, s1;
	s8 =	simm.s32 @!p0 $0x1BF5;
	p2 =	por !p2, p0  }
0x20: {  	[sflag:s8] =	ssyncset.s32 @!p0 $0xFFFFF086;
	s6 =	sadd.s32 @!p0 s3, s7;
	s7 =	simm.s32 @!p0 $0x108  }
0x21: {  	s3 =	sadd.s32 s3, s9;
	s6 =	sadd.s32 @!p0 $0x88, s6;
	s7 =	simm.s32 @p2 $0x1082  }
0x22: {  	[simem:s7], [sflag:s8] =	dma.local @!p0 [hbm:s6], $0xF7A  }
0x23: {  	s9 =	sor.u32 $0xD0000000, s2;
	s6 =	simm.s32 $0x108;
	_ =	swait.ge @!p0 [sflag:s8], $0x0  }
0x24: {  	s3 =	sadd.s32 $0x88, s3;
	s6 =	simm.s32 @!p1 $0x1082;
	[sflag:s4] =	ssyncset.s32 $0xFFFFF086  }
0x25: {  	[simem:s6], [sflag:s4] =	dma.local [hbm:s3], $0xF7A  }
0x26: {  	[smem:$0x3F9D] =	sst s1;
	(tag) =	ssettag s2;
	_ =	strace s9  }
0x27: {  	s1 =	sld [smem:$0x3FAD]  }
0x28: {  	s2 =	sld [smem:$0x3FAE]  }
0x29: {  	s4 =	sld [smem:$0x3FB0]  }
0x2a: {  	p0 =	seq.s32 s5, $0x0;
	s5 =	sld [smem:$0x3FB1]  }
0x2b: {  	s6 =	sld [smem:$0x3FB2]  }
0x2c: {  	s7 =	sld [smem:$0x3FB3]  }
0x2d: {  	s3 =	simm.s32 $0x108;
	s8 =	sld [smem:$0x3FB4]  }
0x2e: {  	s3 =	simm.s32 @!p0 $0x1082;
	s9 =	sld [smem:$0x3FB5]  }
0x2f: {  	lr =	sadd.s32 s0, s3;
	s0 =	sld [smem:$0x3FAC]  }
0x30: {  	s3 =	sld [smem:$0x3FAF]  }
0x31: {  	[smem:$0x3FB8] =	sst s10  }
0x32: {  	s10 =	sld [smem:$0x3FB6];
	_ =	sdelay $0x3  }
0x33: {  	p0 =	seq.s32 s10, $0x1;
	s10 =	sld [smem:$0x3FB8];
	_ =	sdelay $0x3  }
0x34: {  	[smem:$0x3FB8] =	sst s10  }
0x35: {  	s10 =	sld [smem:$0x3FB7];
	_ =	sdelay $0x3  }
0x36: {  	p1 =	seq.s32 s10, $0x1;
	s10 =	sld [smem:$0x3FB8];
	_ =	sdelay $0x3  }
0x37: {  	[smem:$0x3FB8] =	sst s10  }
0x38: {  	s10 =	sld [smem:$0x3FB9]  }
0x39: {  	_ = 	snop;
	(pc) =	sbr.ind lr, $3  }
0x3a: {  	_ = 	snop  }
0x3b: {  	_ = 	snop  }
0x3c: {  	p2 =	seq.s32 s10, $0x1;
	s10 =	sld [smem:$0x3FB8]  }
0x3d: {  	_ =	shalt  }
0x3e: {  	_ =	shalt  }
0x3f: {  	_ =	shalt  }
0x40: {  	_ =	shalt  }
0x41: {  	_ =	shalt  }
0x42: {  	_ =	shalt  }
0x43: {  	_ =	shalt  }
0x44: {  	_ =	shalt  }
0x45: {  	_ =	shalt  }
0x46: {  	_ =	shalt  }
0x47: {  	_ =	shalt  }
0x48: {  	_ =	shalt  }
0x49: {  	_ =	shalt  }
0x4a: {  	_ =	shalt  }
0x4b: {  	_ =	shalt  }
0x4c: {  	_ =	shalt  }
0x4d: {  	_ =	shalt  }
0x4e: {  	_ =	shalt  }
0x4f: {  	_ =	shalt  }
0x50: {  	_ =	shalt  }
0x51: {  	_ =	shalt  }
0x52: {  	_ =	shalt  }
0x53: {  	_ =	shalt  }
0x54: {  	_ =	shalt  }
0x55: {  	_ =	shalt  }
0x56: {  	_ =	shalt  }
0x57: {  	_ =	shalt  }
0x58: {  	_ =	shalt  }
0x59: {  	_ =	shalt  }
0x5a: {  	_ =	shalt  }
0x5b: {  	_ =	shalt  }
0x5c: {  	_ =	shalt  }
0x5d: {  	_ =	shalt  }
0x5e: {  	_ =	shalt  }
0x5f: {  	_ =	shalt  }
0x60: {  	_ =	shalt  }
0x61: {  	_ =	shalt  }
0x62: {  	_ =	shalt  }
0x63: {  	_ =	shalt  }
0x64: {  	_ =	shalt  }
0x65: {  	_ =	shalt  }
0x66: {  	_ =	shalt  }
0x67: {  	_ =	shalt  }
0x68: {  	_ =	shalt  }
0x69: {  	_ =	shalt  }
0x6a: {  	_ =	shalt  }
0x6b: {  	_ =	shalt  }
0x6c: {  	_ =	shalt  }
0x6d: {  	_ =	shalt  }
0x6e: {  	_ =	shalt  }
0x6f: {  	_ =	shalt  }
0x70: {  	_ =	shalt  }
0x71: {  	_ =	shalt  }
0x72: {  	_ =	shalt  }
0x73: {  	_ =	shalt  }
0x74: {  	_ =	shalt  }
0x75: {  	_ =	shalt  }
0x76: {  	_ =	shalt  }
0x77: {  	_ =	shalt  }
0x78: {  	_ =	shalt  }
0x79: {  	_ =	shalt  }
0x7a: {  	_ =	shalt  }
0x7b: {  	_ =	shalt  }
0x7c: {  	_ =	shalt  }
0x7d: {  	_ =	shalt  }
0x7e: {  	_ =	shalt  }
0x7f: {  	_ =	shalt  }
0x80: {  	_ =	shalt  }
0x81: {  	_ =	shalt  }
0x82: {  	_ =	shalt  }
0x83: {  	_ =	shalt  }
0x84: {  	_ =	shalt  }
0x85: {  	_ =	shalt  }
0x86: {  	_ =	shalt  }
0x87: {  	_ =	shalt  }
.Lfunc_end0:
.L_simem_size_0:
called_computation.1_lowered:
.L_overlay_start_0:
0x88: {  	s2 =	sld [smem:$0x3FD9]  }
0x89: {  	s3 =	sld [smem:$0x3FFE];
	_ =	sdelay $0x1  }
0x8a: {  	s1 =	srdreg.scid  }
0x8b: {  	s0 =	sand.u32 $0x1, s1  }
0x8c: {  	s16 =	sshll.u32 s0, $0xA;
	s2 =	sadd.s32 s3, s2  }
0x8d: {  	s2 =	sadd.s32 s2, s16  }
0x8e: {  	[smem:$0x3FC4] =	sst s2  }
0x8f: {  	_ = 	snop  }
0x90: {  	(tm) =	ssettm $0x1  }
0x91: {  	s17 =	sld [smem:$0x3FFB];
	_ =	sdelay $0x3  }
0x92: {  	_ =	strace s17  }
0x93: {  	s2 =	sld [smem:$0x3FFC];
	_ =	sdelay $0x3  }
0x94: {  	_ =	strace s2  }
0x95: {  	s2 =	sld [smem:$0x3FFD];
	_ =	sdelay $0x3  }
0x96: {  	_ =	strace s2  }
0x97: {  	_ =	strace $0x8FFFFFFF  }
0x98: {  	s18 =	sld [smem:$0x3FDB];
	_ =	sdelay $0x1  }
0x99: {  	s19 =	simm.s32 $_scs_section_size  }
0x9a: {  	s4 =	simm.s32 $_size__tile_overlayer_lowered;
	s5 =	simm.s32 $_tile_overlayer_lowered  }
0x9b: {  	s22 =	simm.s32 $0x1BFF;
	s21 =	sshll.u32 s5, $0x1;
	s2 =	sadd.s32 s19, s18  }
0x9c: {  	s6 =	simm.s32 $0x0;
	s20 =	sshll.u32 s4, $0x1;
	s4 =	sadd.s32 s21, s2  }
0x9d: {  	[timem:s6], [sflag:s22] =	dma.local [hbm:s4], s20  }
0x9e: {  	_ =	swait.ge [sflag:s22], s20  }
0x9f: {  	s3 =	ssub.s32 $0x0, s20;
	[sflag:s22] =	ssyncset.done $0x0  }
0xa0: {  	[sflag:s22] =	ssyncadd.s32 s3;
	_ =	sdelay $0x1  }
0xa1: {  	s23 =	simm.s32 $0x1B8B  }
0xa2: {  	_ =	swait.ge [sflag:s23], $0x1  }
0xa3: {  	[sflag:s23] =	ssyncset.done $0x0  }
0xa4: {  	s25 =	simm.s32 $0x1B8E;
	s24 =	sld [smem:$0x3FFE];
	[sflag:s23] =	ssyncadd.s32 $0xFFFFFFFF  }
0xa5: {  	s26 =	simm.s32 $execute0_lowered;
	[smem:$0x3FD2] =	sst s25  }
0xa6: {  	s4 =	sshll.u32 s26, $0x1;
	_ =	strace $0x8000004C;
	[dreg:$0x1] =	wrdreg $0xFFFFFFFF  }
0xa7: {  	s28 =	simm.s32 $_size_execute0_lowered;
	s2 =	sadd.s32 s2, s4;
	[dreg:$0x0] =	wrdreg $0x0  }
0xa8: {  	s4 =	sshll.u32 s28, $0x1;
	[dreg:$0x2] =	wrdreg s2  }
0xa9: {  	[dreg:$0x3] =	wrdreg s4  }
0xaa: {  	[dreg:$0x4] =	wrdreg $0xC0  }
0xab: {  	_ =	task [dreg:s6], $0x5FFFF  }
0xac: {  	[dreg:$0x1] =	wrdreg $0xFFFFFFFF  }
0xad: {  	[dreg:$0x0] =	wrdreg $0x60  }
0xae: {  	[dreg:$0x2] =	wrdreg s24  }
0xaf: {  	[dreg:$0x3] =	wrdreg $0xA  }
0xb0: {  	_ =	task.clear_ibuf [dreg:s6], $0x4FFFF;
	_ =	strace $0x9000004C  }
0xb1: {  	s29 =	simm.s32 $0xA;
	_ =	strace $0x8000004E  }
0xb2: {  	_ =	swait.ge [sflag:s29], $0x1  }
0xb3: {  	[sflag:s29] =	ssyncadd.s32 $0xFFFFFFFF  }
0xb4: {  	_ =	strace $0x9000004E  }
0xb5: {  	_ =	sfence  }
0xb6: {  	s30 =	sld [smem:$0x0];
	_ =	sdelay $0x2  }
0xb7: {  	s31 =	sshll.u32 s1, $0xD;
	s1 =	sshrl.u32 s1, $0x2  }
0xb8: {  	s3 =	sand.u32 $0x4000, s31;
	s1 =	sadd.s32 s1, s30  }
0xb9: {  	s0 =	sor.u32 s3, s0;
	s1 =	sshll.u32 s1, $0x11  }
0xba: {  	s0 =	sor.u32 s1, s0  }
0xbb: {  	s0 =	sadd.s32 $0x8F2B, s0  }
0xbc: {  	[sflag:s0] =	ssyncadd.remote.s32 $0x1  }
0xbd: {  	_ =	sfence.sel $0xFFFF  }
0xbe: {  	[dreg:$0x0] =	wrdreg $0xFFFFFFFF;
	(pc) =	sbr.abs _section_cstart, $3  }
0xbf: {  	[dreg:$0x1] =	wrdreg $0xFFFFFFFF  }
0xc0: {  	_ =	task.clear_ibuf [dreg:s6], $0x2FFFF;
	_ =	strace $0x9FFFFFFF  }
0xc1: {  	(tm) =	ssettm $0x7FFFFFFF  }
tec
execute0_lowered:
.L_overlay_start_1:
0x0: {  	(tag) =	ssettag $0x1  }
0x1: {  	s7 =	rddreg [dreg:$0x0]  }
0x2: {  	s0 =	rddreg [dreg:$0x1];
	_ =	strace $0x8000004D  }
0x3: {  	s1 =	srdreg.scid;
	s4 =	simm.s32 $0x1;
	s9 =	simm.s32 $0x3  }
0x4: {  	s11 =	simm.s32 $0x0;
	p0 =	por $0x0, $0x0;
	s5 =	sshll.u32 s1, $0x4  }
.Ltmp0:
0x5: {  	s1 =	stileid.u32;
	s5 =	sand.u32 $0x10, s5;
	(pc) =	sbr.rel .LBB2_1-.Ltmp0, $4  }
0x6: {  	s2 =	sadd.s32 $0x90C00, s7;
	s3 =	sadd.s32 $0x400, s7;
	s6 =	sor.u32 s1, s5  }
0x7: {  	[sflag:s4] =	ssyncpa.u1 $0x0;
	s5 =	simm.s32 $0x2;
	s6 =	sshll.u32 s6, $0x7  }
0x8: {  	s7 =	sadd.s32 $0x18CC00, s7;
	[sflag:s5] =	ssyncpa.u1 $0x0;
	s8 =	sadd.s32 $0x80, s6  }
0x9: {  	vm0 =	vmmov $0xff;
	vm1 =	vcmask $0x3F20;
	[sflag:s9] =	ssyncpa.u1 $0x0;
	s10 =	smov.u32 s6;
	s9 =	simm.s32 $0x0  }
.LBB2_9:
0xa: {  	p1 =	slt.u32 s9, $0x2;
	s11 =	sadd.s32 $0x40, s10  }
0xb: {  	s13 =	smov.u32 s6;
	s9 =	sadd.s32 $0x1, s9;
	p2 =	slt.s32 s11, s8  }
0xc: {  	s13 =	smov.u32 @p2 s11;
	p2 =	sne.s32 s9, $0x4  }
.Ltmp1:
0xd: {  	_ = 	snop;
	(pc) =	sbr.rel @!p2 .LBB2_10-.Ltmp1, $4  }
0xe: {  	s12 =	simm.s32 @!p1 $0x3  }
0xf: {  	_ =	swait.ge @!p1 [sflag:s12], $0xC000  }
0x10: {  	p0 =	por !p0, !p0;
	[sflag:s12] =	ssyncset.done @!p1 $0x0  }
0x11: {  	s11 =	smov.u32 s10;
	s10 =	smov.u32 s13;
	[sflag:s12] =	ssyncadd.s32 @!p1 $0xFFFF4000  }
.LBB2_1:
0x12: {  	p1 =	sgt.u32 s9, $0x1  }
0x13: {  	s12 =	sshll.u32 @!p1 s9, $0x6;
	s13 =	sshrl.u32 @!p1 s10, $0x3  }
0x14: {  	s14 =	sand.u32 @!p1 $0x7, s10;
	s12 =	sxor.u32 @!p1 $0x40, s12;
	s13 =	sadd.s32 @!p1 s3, s13  }
0x15: {  	[tilespmem:s12], [sflag:$0x2] =	stream.linear.gather @!p1 [hbm4b:s13+s14], $0x40, $0x38;
	[tilespmem:$0x18080] =	vst v63  }
0x16: {  	p1 =	seq.s32 s9, $0x0  }
0x17: {  	p2 =	seq.s32 @!p1 s9, $0x3  }
0x18: {  	p1 =	por p1, p2  }
.Ltmp2:
0x19: {  	_ = 	snop;
	(pc) =	sbr.rel @p1 .LBB2_9-.Ltmp2, $1  }
0x1a: {  	_ =	sdelay $0x3  }
0x1b: {  	s12 =	simm.s32 $0x1  }
0x1c: {  	s12 =	simm.s32 @!p0 $0x0  }
0x1d: {  	s12 =	smul.u32 $0x30000, s12;
	_ =	sdelay $0x1  }
0x1e: {  	_ =	swait.ge [sflag:s5], $0x40;
	s13 =	sand.u32 $0x1, s9;
	s12 =	sshrl.u32 s12, $0x2  }
0x1f: {  	s14 =	simm.s32 $0x0;
	[sflag:s5] =	ssyncset.done $0x0;
	s12 =	sor.u32 $0x80, s12  }
0x20: {  	s13 =	sshll.u32 s13, $0x6;
	[sflag:s5] =	ssyncadd.s32 $0xFFFFFFC0;
	s15 =	smov.u32 s12  }
.LBB2_3:
0x21: {  	s16 =	sshll.u32 s14, $0x4  }
0x22: {  	s16 =	sand.u32 $0x3FFFFFF0, s16  }
0x23: {  	s16 =	sadd.s32 s16, s13  }
0x24: {  	v0 =	vld.msk [tilespmem:s16+$0x0 ss:$0x1], $0xffff;
	_ =	sdelay $0x4  }
0x25: {  	vm2 =	vgt.s32 v0, $0x0  }
0x26: {  	v0 =	vnsel vm2, $0x0, v0  }
0x27: {  	v0 =	vmin.u32 v0, $0x29FF  }
0x28: {  	v1 =	vshrl.u32 v0, $0x3  }
0x29: {  	v0 =	vshll.u32 v0, $0x7;
	v1 =	vmul.u32 $0x1800, v1  }
0x2a: {  	v0 =	vand.u32 $0x380, v0  }
0x2b: {  	v0 =	vor.u32 v0, v1  }
0x2c: {  	v0 =	vshrl.u32 v0, $0x3;
	_ =	sdelay $0x3  }
0x2d: {  	s17 =	sadd.s32 $0x0, s15  }
0x2e: {  	[tilespmem:s17], [sflag:$0x1] =	stream.indirect_vreg.gather [hbm:s2], $0x80, v0, vm0, $0x38;
	[tilespmem:$0x18080] =	vst v63  }
0x2f: {  	s16 =	simm.s32 $0x1000;
	v1 =	vadd.s32 $0x80, v0;
	s17 =	sadd.s32 $0x1800, s17  }
.LBB2_4:
0x30: {  	[tilespmem:s17], [sflag:$0x1] =	stream.indirect_vreg.gather [hbm:s2], $0x80, v0, vm1, $0x38;
	[tilespmem:$0x18080] =	vst v63  }
0x31: {  	v0 =	vmov v1;
	s17 =	smov.u32 s16;
	p1 =	sne.s32 s16, $0x5000  }
.Ltmp3:
0x32: {  	s16 =	sadd.s32 $0x1000, s16;
	(pc) =	sbr.rel @p1 .LBB2_4-.Ltmp3, $4  }
0x33: {  	s17 =	sshra.s32 s17, $0x2  }
0x34: {  	s17 =	sadd.s32 s17, s15  }
0x35: {  	[tilespmem:s17], [sflag:$0x1] =	stream.indirect_vreg.gather [hbm:s2], $0x80, v1, vm0, $0x38;
	[tilespmem:$0x18080] =	vst v63  }
0x36: {  	s17 =	sadd.s32 $0x1800, s17;
	v1 =	vadd.s32 $0x80, v1  }
0x37: {  	s14 =	sadd.s32 $0x1, s14  }
0x38: {  	p1 =	sne.s32 s14, $0x4  }
.Ltmp4:
0x39: {  	_ = 	snop;
	(pc) =	sbr.rel @p1 .LBB2_3-.Ltmp4, $3  }
0x3a: {  	_ =	sdelay $0x1  }
0x3b: {  	[tilespmem:s17], [sflag:$0x1] =	stream.indirect_vreg.gather [hbm:s2], $0x80, v0, vm1, $0x38;
	[tilespmem:$0x18080] =	vst v63  }
0x3c: {  	s15 =	sadd.s32 $0x3000, s15  }
0x3d: {  	s13 =	sshrl.u32 s11, $0x3  }
0x3e: {  	s13 =	smul.u32 $0x300, s13  }
0x3f: {  	s31 =	sshll.u32 s11, $0x4  }
0x40: {  	_ =	swait.ge [sflag:s4], $0xC000;
	s11 =	sand.u32 $0x70, s31;
	s13 =	sadd.s32 s13, s7  }
0x41: {  	s14 =	sadd.s32 $0x1800, s12;
	[sflag:s4] =	ssyncset.done $0x0;
	s11 =	sadd.s32 s11, s13  }
0x42: {  	[sflag:s4] =	ssyncadd.s32 $0xFFFF4000;
	s13 =	simm.s32 $0x300;
	s15 =	sadd.s32 $0x0, s11  }
.LBB2_7:
0x43: {  	[hbm:s15] =	stream.linear.scatter [tilespmem:s12], [sflag:$0x3], $0x1800, $0x38;
	[tilespmem:$0x18080] =	vst v63  }
0x44: {  	s15 =	smov.u32 s13;
	s12 =	smov.u32 s14;
	p1 =	sne.s32 s13, $0x1500  }
.Ltmp5:
0x45: {  	s13 =	sadd.s32 $0x300, s13;
	(pc) =	sbr.rel @p1 .LBB2_7-.Ltmp5, $2  }
0x46: {  	_ =	sdelay $0x2  }
0x47: {  	s14 =	sadd.s32 $0x1800, s14;
	s15 =	sadd.s32 s15, s11  }
.Ltmp6:
0x48: {  	(pc) =	sbr.rel .LBB2_9-.Ltmp6, $2  }
0x49: {  	_ =	sdelay $0x2  }
0x4a: {  	[hbm:s15] =	stream.linear.scatter [tilespmem:s12], [sflag:$0x3], $0x1800, $0x38;
	[tilespmem:$0x18080] =	vst v63  }
.LBB2_10:
0x4b: {  	_ =	sfence.sel $0x180000  }
0x4c: {  	s2 =	simm.s32 $0x2;
	[bflag:$0x0] =	sbarrier.arrive $0xFFFF  }
0x4d: {  	s30 =	simm.s32 $0x3;
	[sflag:s2] =	ssyncpa.u1 $0x1  }
0x4e: {  	s31 =	simm.s32 $0x1;
	[sflag:s30] =	ssyncpa.u1 $0x1  }
0x4f: {  	[sflag:s31] =	ssyncpa.u1 $0x1  }
0x50: {  	p0 =	sne.s32 s1, $0x0;
	_ =	strace $0x9000004D  }
0x51: {  	s0 =	sadd.s32 @!p0 $0x100000, s0;
	[bflag:$0x2] =	sbarrier.arrive $0xFFFF  }
0x52: {  	[sflag:s0] =	ssyncadd.tile.s32 @!p0 $0x1;
	_ =	shalt  }
.Lfunc_end2:
_tile_overlayer_lowered:
.L_overlay_start_2:
0x53: {  	(tag) =	ssettag $0x2  }
0x54: {  	s0 =	rddreg [dreg:$0x0];
	s2 =	stileid.u32  }
0x55: {  	s1 =	rddreg [dreg:$0x1];
	p0 =	sne.s32 s2, $0x0  }
0x56: {  	s3 =	rddreg [dreg:$0x2];
	[bflag:$0x3] =	sbarrier.arrive $0xFFFF;
	s2 =	simm.s32 @!p0 $0x1C01  }
0x57: {  	[timem:s3], [sflag:s2] =	dma.local @!p0 [hbm:s0], s1  }
0x58: {  	s0 =	simm.s32 @!p0 $0x1  }
0x59: {  	_ =	swait.ge @!p0 [sflag:s0], s1  }
0x5a: {  	s1 =	ssub.s32 @!p0 $0x0, s1;
	[sflag:s0] =	ssyncset.done @!p0 $0x0  }
0x5b: {  	[sflag:s0] =	ssyncadd.s32 @!p0 s1  }
0x5c: {  	[bflag:$0x3] =	sbarrier.arrive $0xFFFF  }
0x5d: {  	_ =	shalt  }

// kernel: gather_offload_async_start.2
scs
__scs_entry_jumppad:
0x0: {  	(pc) =	sbr.rel $0x88, $3  }
0x1: {  	(tag) =	ssettag $0x0;
	lr =	simm.s32 $0x1  }
0x2: {  	[smem:$0x3F9D] =	sst lr;
	_ =	strace $0xD0000000  }
0x3: {  	_ = 	snop  }
0x4: {  	_ = 	snop  }
0x5: {  	_ = 	snop  }
0x6: {  	_ = 	snop  }
0x7: {  	_ = 	snop  }
__scs_overlays_trampoline_lowered:
0x8: {  	[smem:$0x3FAC] =	sst s0  }
0x9: {  	[smem:$0x3FAD] =	sst s1  }
0xa: {  	[smem:$0x3FAE] =	sst s2  }
0xb: {  	[smem:$0x3FAF] =	sst s3  }
0xc: {  	[smem:$0x3FB0] =	sst s4  }
0xd: {  	[smem:$0x3FB1] =	sst s5  }
0xe: {  	[smem:$0x3FB2] =	sst s6  }
0xf: {  	[smem:$0x3FB3] =	sst s7  }
0x10: {  	[smem:$0x3FB4] =	sst s8  }
0x11: {  	[smem:$0x3FB5] =	sst s9;
	s0 =	simm.s32 @!p0 $0x0  }
0x12: {  	s1 =	sld [smem:$0x3F9B];
	s0 =	simm.s32 @p0 $0x1  }
0x13: {  	[smem:$0x3FB6] =	sst s0;
	s0 =	simm.s32 @!p1 $0x0  }
0x14: {  	s2 =	sld [smem:$0x3F9A];
	s0 =	simm.s32 @p1 $0x1  }
0x15: {  	[smem:$0x3FB7] =	sst s0;
	s0 =	simm.s32 @!p2 $0x0  }
0x16: {  	s3 =	sld [smem:$0x3FDB];
	s0 =	simm.s32 @p2 $0x1  }
0x17: {  	s4 =	simm.s32 $0x1BF5;
	[smem:$0x3FB9] =	sst s0  }
0x18: {  	s0 =	sld [smem:$0x3F9C];
	_ =	swait.ge [sflag:s4], $0x0  }
0x19: {  	s7 =	sld [smem:$0x3F9D]  }
0x1a: {  	s8 =	sadd.s32 $0xFFFFE003, lr  }
0x1b: {  	s9 =	sadd.s32 $0xFFFFFEF7, lr;
	s5 =	simm.s32 $0xFFFFFFFF;
	p2 =	slt.u32 s8, $0xFFFFF086  }
0x1c: {  	p1 =	slt.u32 s9, $0xF7A;
	s5 =	simm.s32 @!p2 $0x0  }
0x1d: {  	s5 =	simm.s32 @p1 $0x1;
	p0 =	seq.s32 s7, s2  }
0x1e: {  	s7 =	smul.u32 @!p0 $0xF7A, s2;
	p2 =	seq.s32 @!p0 s5, $0x0  }
0x1f: {  	s9 =	smul.u32 $0xF7A, s1;
	s8 =	simm.s32 @!p0 $0x1BF5;
	p2 =	por !p2, p0  }
0x20: {  	[sflag:s8] =	ssyncset.s32 @!p0 $0xFFFFF086;
	s6 =	sadd.s32 @!p0 s3, s7;
	s7 =	simm.s32 @!p0 $0x108  }
0x21: {  	s3 =	sadd.s32 s3, s9;
	s6 =	sadd.s32 @!p0 $0x88, s6;
	s7 =	simm.s32 @p2 $0x1082  }
0x22: {  	[simem:s7], [sflag:s8] =	dma.local @!p0 [hbm:s6], $0xF7A  }
0x23: {  	s9 =	sor.u32 $0xD0000000, s2;
	s6 =	simm.s32 $0x108;
	_ =	swait.ge @!p0 [sflag:s8], $0x0  }
0x24: {  	s3 =	sadd.s32 $0x88, s3;
	s6 =	simm.s32 @!p1 $0x1082;
	[sflag:s4] =	ssyncset.s32 $0xFFFFF086  }
0x25: {  	[simem:s6], [sflag:s4] =	dma.local [hbm:s3], $0xF7A  }
0x26: {  	[smem:$0x3F9D] =	sst s1;
	(tag) =	ssettag s2;
	_ =	strace s9  }
0x27: {  	s1 =	sld [smem:$0x3FAD]  }
0x28: {  	s2 =	sld [smem:$0x3FAE]  }
0x29: {  	s4 =	sld [smem:$0x3FB0]  }
0x2a: {  	p0 =	seq.s32 s5, $0x0;
	s5 =	sld [smem:$0x3FB1]  }
0x2b: {  	s6 =	sld [smem:$0x3FB2]  }
0x2c: {  	s7 =	sld [smem:$0x3FB3]  }
0x2d: {  	s3 =	simm.s32 $0x108;
	s8 =	sld [smem:$0x3FB4]  }
0x2e: {  	s3 =	simm.s32 @!p0 $0x1082;
	s9 =	sld [smem:$0x3FB5]  }
0x2f: {  	lr =	sadd.s32 s0, s3;
	s0 =	sld [smem:$0x3FAC]  }
0x30: {  	s3 =	sld [smem:$0x3FAF]  }
0x31: {  	[smem:$0x3FB8] =	sst s10  }
0x32: {  	s10 =	sld [smem:$0x3FB6];
	_ =	sdelay $0x3  }
0x33: {  	p0 =	seq.s32 s10, $0x1;
	s10 =	sld [smem:$0x3FB8];
	_ =	sdelay $0x3  }
0x34: {  	[smem:$0x3FB8] =	sst s10  }
0x35: {  	s10 =	sld [smem:$0x3FB7];
	_ =	sdelay $0x3  }
0x36: {  	p1 =	seq.s32 s10, $0x1;
	s10 =	sld [smem:$0x3FB8];
	_ =	sdelay $0x3  }
0x37: {  	[smem:$0x3FB8] =	sst s10  }
0x38: {  	s10 =	sld [smem:$0x3FB9]  }
0x39: {  	_ = 	snop;
	(pc) =	sbr.ind lr, $3  }
0x3a: {  	_ = 	snop  }
0x3b: {  	_ = 	snop  }
0x3c: {  	p2 =	seq.s32 s10, $0x1;
	s10 =	sld [smem:$0x3FB8]  }
0x3d: {  	_ =	shalt  }
0x3e: {  	_ =	shalt  }
0x3f: {  	_ =	shalt  }
0x40: {  	_ =	shalt  }
0x41: {  	_ =	shalt  }
0x42: {  	_ =	shalt  }
0x43: {  	_ =	shalt  }
0x44: {  	_ =	shalt  }
0x45: {  	_ =	shalt  }
0x46: {  	_ =	shalt  }
0x47: {  	_ =	shalt  }
0x48: {  	_ =	shalt  }
0x49: {  	_ =	shalt  }
0x4a: {  	_ =	shalt  }
0x4b: {  	_ =	shalt  }
0x4c: {  	_ =	shalt  }
0x4d: {  	_ =	shalt  }
0x4e: {  	_ =	shalt  }
0x4f: {  	_ =	shalt  }
0x50: {  	_ =	shalt  }
0x51: {  	_ =	shalt  }
0x52: {  	_ =	shalt  }
0x53: {  	_ =	shalt  }
0x54: {  	_ =	shalt  }
0x55: {  	_ =	shalt  }
0x56: {  	_ =	shalt  }
0x57: {  	_ =	shalt  }
0x58: {  	_ =	shalt  }
0x59: {  	_ =	shalt  }
0x5a: {  	_ =	shalt  }
0x5b: {  	_ =	shalt  }
0x5c: {  	_ =	shalt  }
0x5d: {  	_ =	shalt  }
0x5e: {  	_ =	shalt  }
0x5f: {  	_ =	shalt  }
0x60: {  	_ =	shalt  }
0x61: {  	_ =	shalt  }
0x62: {  	_ =	shalt  }
0x63: {  	_ =	shalt  }
0x64: {  	_ =	shalt  }
0x65: {  	_ =	shalt  }
0x66: {  	_ =	shalt  }
0x67: {  	_ =	shalt  }
0x68: {  	_ =	shalt  }
0x69: {  	_ =	shalt  }
0x6a: {  	_ =	shalt  }
0x6b: {  	_ =	shalt  }
0x6c: {  	_ =	shalt  }
0x6d: {  	_ =	shalt  }
0x6e: {  	_ =	shalt  }
0x6f: {  	_ =	shalt  }
0x70: {  	_ =	shalt  }
0x71: {  	_ =	shalt  }
0x72: {  	_ =	shalt  }
0x73: {  	_ =	shalt  }
0x74: {  	_ =	shalt  }
0x75: {  	_ =	shalt  }
0x76: {  	_ =	shalt  }
0x77: {  	_ =	shalt  }
0x78: {  	_ =	shalt  }
0x79: {  	_ =	shalt  }
0x7a: {  	_ =	shalt  }
0x7b: {  	_ =	shalt  }
0x7c: {  	_ =	shalt  }
0x7d: {  	_ =	shalt  }
0x7e: {  	_ =	shalt  }
0x7f: {  	_ =	shalt  }
0x80: {  	_ =	shalt  }
0x81: {  	_ =	shalt  }
0x82: {  	_ =	shalt  }
0x83: {  	_ =	shalt  }
0x84: {  	_ =	shalt  }
0x85: {  	_ =	shalt  }
0x86: {  	_ =	shalt  }
0x87: {  	_ =	shalt  }
.Lfunc_end0:
.L_simem_size_0:
called_computation.2_lowered:
.L_overlay_start_0:
0x88: {  	s2 =	sld [smem:$0x3FD9]  }
0x89: {  	s3 =	sld [smem:$0x3FFE];
	_ =	sdelay $0x1  }
0x8a: {  	s1 =	srdreg.scid  }
0x8b: {  	s0 =	sand.u32 $0x1, s1  }
0x8c: {  	s17 =	sshll.u32 s0, $0xA;
	s2 =	sadd.s32 s3, s2  }
0x8d: {  	s2 =	sadd.s32 s2, s17  }
0x8e: {  	[smem:$0x3FC4] =	sst s2  }
0x8f: {  	_ = 	snop  }
0x90: {  	s2 =	sld [smem:$0x3FD0];
	(tm) =	ssettm $0x1  }
0x91: {  	s18 =	sld [smem:$0x3FFB];
	_ =	sdelay $0x3  }
0x92: {  	_ =	strace s18  }
0x93: {  	s3 =	sld [smem:$0x3FFC];
	_ =	sdelay $0x3  }
0x94: {  	_ =	strace s3  }
0x95: {  	s3 =	sld [smem:$0x3FFD];
	_ =	sdelay $0x3  }
0x96: {  	_ =	strace s3  }
0x97: {  	_ =	strace $0x8FFFFFFF  }
0x98: {  	s19 =	sld [smem:$0x3FDB];
	_ =	sdelay $0x1  }
0x99: {  	s4 =	simm.s32 $_scs_section_size  }
0x9a: {  	s5 =	simm.s32 $_size__tile_overlayer_lowered;
	s6 =	simm.s32 $_tile_overlayer_lowered  }
0x9b: {  	s22 =	simm.s32 $0x1BFF;
	s21 =	sshll.u32 s6, $0x1;
	s3 =	sadd.s32 s4, s19  }
0x9c: {  	s7 =	simm.s32 $0x0;
	s20 =	sshll.u32 s5, $0x1;
	s5 =	sadd.s32 s21, s3  }
0x9d: {  	[timem:s7], [sflag:s22] =	dma.local [hbm:s5], s20  }
0x9e: {  	_ =	swait.ge [sflag:s22], s20  }
0x9f: {  	s4 =	ssub.s32 $0x0, s20;
	[sflag:s22] =	ssyncset.done $0x0  }
0xa0: {  	[sflag:s22] =	ssyncadd.s32 s4;
	_ =	sdelay $0x1  }
0xa1: {  	s23 =	simm.s32 $0x1B8B  }
0xa2: {  	_ =	swait.ge [sflag:s23], $0x1  }
0xa3: {  	[sflag:s23] =	ssyncset.done $0x0  }
0xa4: {  	s25 =	simm.s32 $0x1B8E;
	s24 =	sld [smem:$0x3FFE];
	[sflag:s23] =	ssyncadd.s32 $0xFFFFFFFF  }
0xa5: {  	s26 =	simm.s32 $execute0_lowered;
	[smem:$0x3FD2] =	sst s25  }
0xa6: {  	s5 =	sshll.u32 s26, $0x1;
	_ =	strace $0x80000046;
	[dreg:$0x1] =	wrdreg $0xFFFFFFFF  }
0xa7: {  	s28 =	simm.s32 $_size_execute0_lowered;
	s3 =	sadd.s32 s3, s5;
	[dreg:$0x0] =	wrdreg $0x0  }
0xa8: {  	s5 =	sshll.u32 s28, $0x1;
	[dreg:$0x2] =	wrdreg s3  }
0xa9: {  	[dreg:$0x3] =	wrdreg s5  }
0xaa: {  	[dreg:$0x4] =	wrdreg $0xC0  }
0xab: {  	_ =	task [dreg:s7], $0x5FFFF  }
0xac: {  	[dreg:$0x1] =	wrdreg $0xFFFFFFFF  }
0xad: {  	[dreg:$0x0] =	wrdreg $0x60  }
0xae: {  	[dreg:$0x2] =	wrdreg s2  }
0xaf: {  	[dreg:$0x3] =	wrdreg s24  }
0xb0: {  	[dreg:$0x4] =	wrdreg $0x9  }
0xb1: {  	_ =	task.clear_ibuf [dreg:s7], $0x5FFFF;
	_ =	strace $0x90000046  }
0xb2: {  	s29 =	simm.s32 $0x9;
	_ =	strace $0x80000048  }
0xb3: {  	_ =	swait.ge [sflag:s29], $0x1  }
0xb4: {  	[sflag:s29] =	ssyncadd.s32 $0xFFFFFFFF  }
0xb5: {  	_ =	strace $0x90000048  }
0xb6: {  	_ =	sfence  }
0xb7: {  	s30 =	sld [smem:$0x0];
	_ =	sdelay $0x2  }
0xb8: {  	s31 =	sshll.u32 s1, $0xD;
	s1 =	sshrl.u32 s1, $0x2  }
0xb9: {  	s3 =	sand.u32 $0x4000, s31;
	s1 =	sadd.s32 s1, s30  }
0xba: {  	s0 =	sor.u32 s3, s0;
	s1 =	sshll.u32 s1, $0x11  }
0xbb: {  	s0 =	sor.u32 s1, s0  }
0xbc: {  	s0 =	sadd.s32 $0x8F2B, s0  }
0xbd: {  	[sflag:s0] =	ssyncadd.remote.s32 $0x1  }
0xbe: {  	_ =	sfence.sel $0xFFFF  }
0xbf: {  	[dreg:$0x0] =	wrdreg $0xFFFFFFFF;
	(pc) =	sbr.abs _section_cstart, $3  }
0xc0: {  	[dreg:$0x1] =	wrdreg $0xFFFFFFFF  }
0xc1: {  	_ =	task.clear_ibuf [dreg:s7], $0x2FFFF;
	_ =	strace $0x9FFFFFFF  }
0xc2: {  	(tm) =	ssettm $0x7FFFFFFF  }
0xc3: {  	_ =	shalt  }
tec
execute0_lowered:
.L_overlay_start_1:
0x0: {  	(tag) =	ssettag $0x1  }
0x1: {  	s1 =	srdreg.scid;
	s2 =	rddreg [dreg:$0x0]  }
0x2: {  	s0 =	stileid.u32;
	s5 =	rddreg [dreg:$0x1];
	s6 =	simm.s32 $0x1  }
0x3: {  	s9 =	simm.s32 $0x1;
	s10 =	simm.s32 $0x3;
	s1 =	sshll.u32 s1, $0x6  }
0x4: {  	s13 =	simm.s32 $0x0;
	s3 =	sshll.u32 s0, $0x7;
	s4 =	sand.u32 $0x40, s1  }
0x5: {  	s12 =	simm.s32 $0x0;
	s1 =	rddreg [dreg:$0x2];
	s3 =	sor.u32 s3, s4  }
0x6: {  	_ =	strace $0x80000047;
	s4 =	sadd.s32 $0x200, s5;
	s8 =	ssub.s32 $0x1000, s3  }
.Ltmp0:
0x7: {  	s5 =	sadd.s32 $0x400, s5;
	s7 =	sand.u32 $0x7C0, s8;
	(pc) =	sbr.rel .LBB2_1-.Ltmp0, $4  }
0x8: {  	[sflag:s6] =	ssyncpa.u1 $0x0;
	s11 =	smov.u32 s3;
	p0 =	sne.s32 s7, $0x0  }
0x9: {  	s8 =	sshrl.u32 s8, $0xB;
	s7 =	simm.s32 $0x2;
	s9 =	simm.s32 @!p0 $0x0  }
0xa: {  	[sflag:s7] =	ssyncpa.u1 $0x0;
	p0 =	por $0x0, $0x0;
	s8 =	sadd.s32 s9, s8  }
0xb: {  	vm0 =	vmmov $0xffff;
	[sflag:s10] =	ssyncpa.u1 $0x0;
	s10 =	simm.s32 $0x0;
	s9 =	sadd.s32 $0x1, s8  }
.LBB2_4:
0xc: {  	v1 =	vsel vm1, $0xFFFFFFFF, v1;
	v2 =	vand.u32 $0x7, v2  }
0xd: {  	v2 =	vsel vm1, $0xFFFFFFFF, v2;
	v3 =	vshll.u32 v1, $0x3  }
0xe: {  	v4 =	vand.u32 $0xFFFF8000, v2;
	v3 =	vand.u32 $0xFFFFFC00, v3;
	v2 =	vshll.u32 v2, $0x7  }
0xf: {  	v3 =	vadd.s32 v3, v4;
	v2 =	vand.u32 $0x380, v2  }
0x10: {  	v1 =	vand.u32 $0x7F, v1;
	v2 =	vor.u32 v2, v3  }
0x11: {  	v1 =	vor.u32 v1, v2;
	_ =	sdelay $0x1  }
0x12: {  	(ifvalue) =	ssetifvalue $0x7FFFFFFF;
	s15 =	sadd.s32 $0x10, s15  }
0x13: {  	[tilespmem:s15], [sflag:$0x1] =	stream.indirect_vreg.gather [hbm4b:s2+s10], $0x1, v0, vm0, $0x4038;
	[tilespmem:$0x100] =	vst v63  }
0x14: {  	(ifvalue) =	ssetifvalue $0x7FFFFFFF;
	s15 =	sadd.s32 $0x10, s15  }
0x15: {  	[tilespmem:s15], [sflag:$0x1] =	stream.indirect_vreg.gather [hbm4b:s2+s10], $0x1, v1, vm0, $0x4038;
	[tilespmem:$0x100] =	vst v63  }
0x16: {  	_ =	swait.ge [sflag:s6], $0x40  }
0x17: {  	s30 =	sshrl.u32 s13, $0x3;
	[sflag:s6] =	ssyncset.done $0x0  }
0x18: {  	s31 =	sand.u32 $0x7, s13;
	s15 =	sadd.s32 s5, s30;
	[sflag:s6] =	ssyncadd.s32 $0xFFFFFFC0  }
0x19: {  	[hbm4b:s15+s31] =	stream.linear.scatter [tilespmem:s14], [sflag:$0x3], $0x40, $0x38;
	[tilespmem:$0x100] =	vst v63  }
.LBB2_5:
0x1a: {  	s15 =	sadd.s32 $0x800, s11  }
0x1b: {  	p2 =	sgt.s32 s15, $0xFFF  }
0x1c: {  	s15 =	smov.u32 @p2 s3;
	p2 =	sne.s32 s12, s9  }
.Ltmp1:
0x1d: {  	p1 =	slt.u32 s12, $0x2;
	(pc) =	sbr.rel @!p2 .LBB2_6-.Ltmp1, $4  }
0x1e: {  	s14 =	simm.s32 @!p1 $0x3  }
0x1f: {  	s16 =	sadd.s32 $0x1, s12;
	_ =	swait.ge @!p1 [sflag:s14], $0x40  }
0x20: {  	s13 =	smov.u32 s11;
	p0 =	por !p0, !p0;
	[sflag:s14] =	ssyncset.done @!p1 $0x0  }
0x21: {  	s12 =	smov.u32 s16;
	s11 =	smov.u32 s15;
	[sflag:s14] =	ssyncadd.s32 @!p1 $0xFFFFFFC0  }
.LBB2_1:
0x22: {  	p1 =	sge.u32 s12, s8  }
0x23: {  	s14 =	sxor.u32 @!p1 $0xFFFFFFFF, s12  }
0x24: {  	s31 =	sadd.s32 $0xFFFFFFFF, s12;
	s15 =	sshrl.u32 @!p1 s11, $0x3;
	s14 =	sshll.u32 @!p1 s14, $0x6  }
0x25: {  	s16 =	sand.u32 @!p1 $0x7, s11;
	s15 =	sadd.s32 @!p1 s4, s15;
	s14 =	sand.u32 @!p1 $0x40, s14  }
0x26: {  	[tilespmem:s14], [sflag:$0x2] =	stream.linear.gather @!p1 [hbm4b:s15+s16], $0x40, $0x38;
	[tilespmem:$0x100] =	vst v63  }
0x27: {  	p1 =	sge.u32 s31, s8  }
.Ltmp2:
0x28: {  	_ = 	snop;
	(pc) =	sbr.rel @p1 .LBB2_5-.Ltmp2, $1  }
0x29: {  	_ =	sdelay $0x3  }
0x2a: {  	s14 =	simm.s32 $0x1  }
0x2b: {  	_ =	swait.ge [sflag:s7], $0x40;
	s14 =	simm.s32 @!p0 $0x0  }
0x2c: {  	[sflag:s7] =	ssyncset.done $0x0;
	s14 =	sshll.u32 s14, $0x6  }
0x2d: {  	[sflag:s7] =	ssyncadd.s32 $0xFFFFFFC0;
	(ifvalue) =	ssetifvalue $0x7FFFFFFF;
	v0 =	vld.msk [tilespmem:s14+$0x0 ss:$0x1], $0xffff;
	_ =	sdelay $0x3  }
0x2e: {  	s15 =	sadd.s32 $0x10, s14  }
0x2f: {  	v2 =	vld.msk [tilespmem:s15+$0x0 ss:$0x1], $0xffff;
	vm1 =	veq.s32 v0, $0x80000000;
	v1 =	vand.u32 $0xFFF, v0;
	v0 =	vshrl.u32 v0, $0xC  }
0x30: {  	v1 =	vsel vm1, $0xFFFFFFFF, v1;
	v0 =	vand.u32 $0x7, v0  }
0x31: {  	v0 =	vsel vm1, $0xFFFFFFFF, v0;
	v3 =	vshll.u32 v1, $0x3  }
0x32: {  	v4 =	vand.u32 $0xFFFF8000, v0;
	v3 =	vand.u32 $0xFFFFFC00, v3;
	v0 =	vshll.u32 v0, $0x7  }
0x33: {  	v3 =	vadd.s32 v3, v4;
	v0 =	vand.u32 $0x380, v0  }
0x34: {  	v1 =	vand.u32 $0x7F, v1;
	vm1 =	veq.s32 v2, $0x80000000;
	v0 =	vor.u32 v0, v3  }
0x35: {  	v0 =	vor.u32 v1, v0;
	v1 =	vand.u32 $0xFFF, v2;
	v2 =	vshrl.u32 v2, $0xC  }
0x36: {  	s17 =	sadd.s32 $0x10, s15;
	v1 =	vsel vm1, $0xFFFFFFFF, v1;
	v2 =	vand.u32 $0x7, v2  }
0x37: {  	v3 =	vld.msk [tilespmem:s17+$0x0 ss:$0x1], $0xffff;
	v2 =	vsel vm1, $0xFFFFFFFF, v2;
	v63 =	vshll.u32 v1, $0x3  }
0x38: {  	v5 =	vand.u32 $0xFFFF8000, v2;
	v4 =	vand.u32 $0xFFFFFC00, v63;
	v2 =	vshll.u32 v2, $0x7  }
0x39: {  	s31 =	sshll.u32 s12, $0x6;
	s15 =	sor.u32 $0x80, s14;
	(ifvalue) =	ssetifvalue $0x7FFFFFFF;
	v4 =	vadd.s32 v4, v5;
	v2 =	vand.u32 $0x380, v2  }
0x3a: {  	[tilespmem:s15], [sflag:$0x1] =	stream.indirect_vreg.gather [hbm4b:s2+s10], $0x1, v0, vm0, $0x4038;
	v0 =	vand.u32 $0x7F, v1;
	v1 =	vor.u32 v2, v4;
	[tilespmem:$0x100] =	vst v63  }
0x3b: {  	s14 =	sand.u32 $0x40, s31;
	v0 =	vor.u32 v0, v1  }
0x3c: {  	s16 =	simm.s32 $0x20;
	s14 =	sor.u32 $0x80, s14;
	s17 =	sadd.s32 $0x10, s17;
	vm1 =	veq.s32 v3, $0x80000000;
	v2 =	vshrl.u32 v3, $0xC;
	v1 =	vand.u32 $0xFFF, v3  }
.LBB2_3:
0x3d: {  	v3 =	vld.msk [tilespmem:s17+$0x0 ss:$0x1], $0xffff;
	s16 =	sadd.s32 $0x10, s16;
	v1 =	vsel vm1, $0xFFFFFFFF, v1;
	v2 =	vand.u32 $0x7, v2  }
0x3e: {  	p1 =	slt.u32 s16, $0x30;
	v2 =	vsel vm1, $0xFFFFFFFF, v2;
	v4 =	vshll.u32 v1, $0x3  }
.Ltmp3:
0x3f: {  	s15 =	sadd.s32 $0x10, s15;
	v5 =	vand.u32 $0xFFFF8000, v2;
	v4 =	vand.u32 $0xFFFFFC00, v4;
	v2 =	vshll.u32 v2, $0x7;
	(ifvalue) =	ssetifvalue $0x7FFFFFFF;
	(pc) =	sbr.rel @p1 .LBB2_3-.Ltmp3, $4  }
0x40: {  	v4 =	vadd.s32 v4, v5;
	v2 =	vand.u32 $0x380, v2;
	[tilespmem:s15], [sflag:$0x1] =	stream.indirect_vreg.gather [hbm4b:s2+s10], $0x1, v0, vm0, $0x4038;
	[tilespmem:$0x100] =	vst v63  }
0x41: {  	v0 =	vand.u32 $0x7F, v1;
	v1 =	vor.u32 v2, v4  }
0x42: {  	v0 =	vor.u32 v0, v1  }
0x43: {  	s17 =	sadd.s32 $0x10, s17;
	vm1 =	veq.s32 v3, $0x80000000;
	v1 =	vand.u32 $0xFFF, v3;
	v2 =	vshrl.u32 v3, $0xC  }
.Ltmp4:
0x44: {  	_ = 	snop;
	(pc) =	sbr.rel .LBB2_4-.Ltmp4, $1  }
0x45: {  	_ =	sdelay $0x3  }
.LBB2_6:
0x46: {  	_ =	sfence.sel $0x180000  }
0x47: {  	s2 =	simm.s32 $0x2;
	[bflag:$0x0] =	sbarrier.arrive $0xFFFF  }
0x48: {  	s30 =	simm.s32 $0x3;
	[sflag:s2] =	ssyncpa.u1 $0x1  }
0x49: {  	s31 =	simm.s32 $0x1;
	[sflag:s30] =	ssyncpa.u1 $0x1  }
0x4a: {  	[sflag:s31] =	ssyncpa.u1 $0x1  }
0x4b: {  	p0 =	sne.s32 s0, $0x0;
	_ =	strace $0x90000047  }
0x4c: {  	s0 =	sadd.s32 @!p0 $0x100000, s1;
	[bflag:$0x2] =	sbarrier.arrive $0xFFFF  }
0x4d: {  	[sflag:s0] =	ssyncadd.tile.s32 @!p0 $0x1;
	_ =	shalt  }
.Lfunc_end2:
_tile_overlayer_lowered:
.L_overlay_start_2:
0x4e: {  	(tag) =	ssettag $0x2  }
0x4f: {  	s0 =	rddreg [dreg:$0x0];
	s2 =	stileid.u32  }
0x50: {  	s1 =	rddreg [dreg:$0x1];
	p0 =	sne.s32 s2, $0x0  }
0x51: {  	s3 =	rddreg [dreg:$0x2];
	[bflag:$0x3] =	sbarrier.arrive $0xFFFF;
	s2 =	simm.s32 @!p0 $0x1C01  }
0x52: {  	[timem:s3], [sflag:s2] =	dma.local @!p0 [hbm:s0], s1  }
0x53: {  	s0 =	simm.s32 @!p0 $0x1  }
0x54: {  	_ =	swait.ge @!p0 [sflag:s0], s1  }
0x55: {  	s1 =	ssub.s32 @!p0 $0x0, s1;
	[sflag:s0] =	ssyncset.done @!p0 $0x0  }
0x56: {  	[sflag:s0] =	ssyncadd.s32 @!p0 s1  }
0x57: {  	[bflag:$0x3] =	sbarrier.arrive $0xFFFF  }
0x58: {  	_ =	shalt  }

// kernel: gather_offload_async_start
scs
__scs_entry_jumppad:
0x0: {  	(pc) =	sbr.rel $0x88, $3  }
0x1: {  	(tag) =	ssettag $0x0;
	lr =	simm.s32 $0x1  }
0x2: {  	[smem:$0x3F9D] =	sst lr;
	_ =	strace $0xD0000000  }
0x3: {  	_ = 	snop  }
0x4: {  	_ = 	snop  }
0x5: {  	_ = 	snop  }
0x6: {  	_ = 	snop  }
0x7: {  	_ = 	snop  }
__scs_overlays_trampoline_lowered:
0x8: {  	[smem:$0x3FAC] =	sst s0  }
0x9: {  	[smem:$0x3FAD] =	sst s1  }
0xa: {  	[smem:$0x3FAE] =	sst s2  }
0xb: {  	[smem:$0x3FAF] =	sst s3  }
0xc: {  	[smem:$0x3FB0] =	sst s4  }
0xd: {  	[smem:$0x3FB1] =	sst s5  }
0xe: {  	[smem:$0x3FB2] =	sst s6  }
0xf: {  	[smem:$0x3FB3] =	sst s7  }
0x10: {  	[smem:$0x3FB4] =	sst s8  }
0x11: {  	[smem:$0x3FB5] =	sst s9;
	s0 =	simm.s32 @!p0 $0x0  }
0x12: {  	s1 =	sld [smem:$0x3F9B];
	s0 =	simm.s32 @p0 $0x1  }
0x13: {  	[smem:$0x3FB6] =	sst s0;
	s0 =	simm.s32 @!p1 $0x0  }
0x14: {  	s2 =	sld [smem:$0x3F9A];
	s0 =	simm.s32 @p1 $0x1  }
0x15: {  	[smem:$0x3FB7] =	sst s0;
	s0 =	simm.s32 @!p2 $0x0  }
0x16: {  	s3 =	sld [smem:$0x3FDB];
	s0 =	simm.s32 @p2 $0x1  }
0x17: {  	s4 =	simm.s32 $0x1BF5;
	[smem:$0x3FB9] =	sst s0  }
0x18: {  	s0 =	sld [smem:$0x3F9C];
	_ =	swait.ge [sflag:s4], $0x0  }
0x19: {  	s7 =	sld [smem:$0x3F9D]  }
0x1a: {  	s8 =	sadd.s32 $0xFFFFE003, lr  }
0x1b: {  	s9 =	sadd.s32 $0xFFFFFEF7, lr;
	s5 =	simm.s32 $0xFFFFFFFF;
	p2 =	slt.u32 s8, $0xFFFFF086  }
0x1c: {  	p1 =	slt.u32 s9, $0xF7A;
	s5 =	simm.s32 @!p2 $0x0  }
0x1d: {  	s5 =	simm.s32 @p1 $0x1;
	p0 =	seq.s32 s7, s2  }
0x1e: {  	s7 =	smul.u32 @!p0 $0xF7A, s2;
	p2 =	seq.s32 @!p0 s5, $0x0  }
0x1f: {  	s9 =	smul.u32 $0xF7A, s1;
	s8 =	simm.s32 @!p0 $0x1BF5;
	p2 =	por !p2, p0  }
0x20: {  	[sflag:s8] =	ssyncset.s32 @!p0 $0xFFFFF086;
	s6 =	sadd.s32 @!p0 s3, s7;
	s7 =	simm.s32 @!p0 $0x108  }
0x21: {  	s3 =	sadd.s32 s3, s9;
	s6 =	sadd.s32 @!p0 $0x88, s6;
	s7 =	simm.s32 @p2 $0x1082  }
0x22: {  	[simem:s7], [sflag:s8] =	dma.local @!p0 [hbm:s6], $0xF7A  }
0x23: {  	s9 =	sor.u32 $0xD0000000, s2;
	s6 =	simm.s32 $0x108;
	_ =	swait.ge @!p0 [sflag:s8], $0x0  }
0x24: {  	s3 =	sadd.s32 $0x88, s3;
	s6 =	simm.s32 @!p1 $0x1082;
	[sflag:s4] =	ssyncset.s32 $0xFFFFF086  }
0x25: {  	[simem:s6], [sflag:s4] =	dma.local [hbm:s3], $0xF7A  }
0x26: {  	[smem:$0x3F9D] =	sst s1;
	(tag) =	ssettag s2;
	_ =	strace s9  }
0x27: {  	s1 =	sld [smem:$0x3FAD]  }
0x28: {  	s2 =	sld [smem:$0x3FAE]  }
0x29: {  	s4 =	sld [smem:$0x3FB0]  }
0x2a: {  	p0 =	seq.s32 s5, $0x0;
	s5 =	sld [smem:$0x3FB1]  }
0x2b: {  	s6 =	sld [smem:$0x3FB2]  }
0x2c: {  	s7 =	sld [smem:$0x3FB3]  }
0x2d: {  	s3 =	simm.s32 $0x108;
	s8 =	sld [smem:$0x3FB4]  }
0x2e: {  	s3 =	simm.s32 @!p0 $0x1082;
	s9 =	sld [smem:$0x3FB5]  }
0x2f: {  	lr =	sadd.s32 s0, s3;
	s0 =	sld [smem:$0x3FAC]  }
0x30: {  	s3 =	sld [smem:$0x3FAF]  }
0x31: {  	[smem:$0x3FB8] =	sst s10  }
0x32: {  	s10 =	sld [smem:$0x3FB6];
	_ =	sdelay $0x3  }
0x33: {  	p0 =	seq.s32 s10, $0x1;
	s10 =	sld [smem:$0x3FB8];
	_ =	sdelay $0x3  }
0x34: {  	[smem:$0x3FB8] =	sst s10  }
0x35: {  	s10 =	sld [smem:$0x3FB7];
	_ =	sdelay $0x3  }
0x36: {  	p1 =	seq.s32 s10, $0x1;
	s10 =	sld [smem:$0x3FB8];
	_ =	sdelay $0x3  }
0x37: {  	[smem:$0x3FB8] =	sst s10  }
0x38: {  	s10 =	sld [smem:$0x3FB9]  }
0x39: {  	_ = 	snop;
	(pc) =	sbr.ind lr, $3  }
0x3a: {  	_ = 	snop  }
0x3b: {  	_ = 	snop  }
0x3c: {  	p2 =	seq.s32 s10, $0x1;
	s10 =	sld [smem:$0x3FB8]  }
0x3d: {  	_ =	shalt  }
0x3e: {  	_ =	shalt  }
0x3f: {  	_ =	shalt  }
0x40: {  	_ =	shalt  }
0x41: {  	_ =	shalt  }
0x42: {  	_ =	shalt  }
0x43: {  	_ =	shalt  }
0x44: {  	_ =	shalt  }
0x45: {  	_ =	shalt  }
0x46: {  	_ =	shalt  }
0x47: {  	_ =	shalt  }
0x48: {  	_ =	shalt  }
0x49: {  	_ =	shalt  }
0x4a: {  	_ =	shalt  }
0x4b: {  	_ =	shalt  }
0x4c: {  	_ =	shalt  }
0x4d: {  	_ =	shalt  }
0x4e: {  	_ =	shalt  }
0x4f: {  	_ =	shalt  }
0x50: {  	_ =	shalt  }
0x51: {  	_ =	shalt  }
0x52: {  	_ =	shalt  }
0x53: {  	_ =	shalt  }
0x54: {  	_ =	shalt  }
0x55: {  	_ =	shalt  }
0x56: {  	_ =	shalt  }
0x57: {  	_ =	shalt  }
0x58: {  	_ =	shalt  }
0x59: {  	_ =	shalt  }
0x5a: {  	_ =	shalt  }
0x5b: {  	_ =	shalt  }
0x5c: {  	_ =	shalt  }
0x5d: {  	_ =	shalt  }
0x5e: {  	_ =	shalt  }
0x5f: {  	_ =	shalt  }
0x60: {  	_ =	shalt  }
0x61: {  	_ =	shalt  }
0x62: {  	_ =	shalt  }
0x63: {  	_ =	shalt  }
0x64: {  	_ =	shalt  }
0x65: {  	_ =	shalt  }
0x66: {  	_ =	shalt  }
0x67: {  	_ =	shalt  }
0x68: {  	_ =	shalt  }
0x69: {  	_ =	shalt  }
0x6a: {  	_ =	shalt  }
0x6b: {  	_ =	shalt  }
0x6c: {  	_ =	shalt  }
0x6d: {  	_ =	shalt  }
0x6e: {  	_ =	shalt  }
0x6f: {  	_ =	shalt  }
0x70: {  	_ =	shalt  }
0x71: {  	_ =	shalt  }
0x72: {  	_ =	shalt  }
0x73: {  	_ =	shalt  }
0x74: {  	_ =	shalt  }
0x75: {  	_ =	shalt  }
0x76: {  	_ =	shalt  }
0x77: {  	_ =	shalt  }
0x78: {  	_ =	shalt  }
0x79: {  	_ =	shalt  }
0x7a: {  	_ =	shalt  }
0x7b: {  	_ =	shalt  }
0x7c: {  	_ =	shalt  }
0x7d: {  	_ =	shalt  }
0x7e: {  	_ =	shalt  }
0x7f: {  	_ =	shalt  }
0x80: {  	_ =	shalt  }
0x81: {  	_ =	shalt  }
0x82: {  	_ =	shalt  }
0x83: {  	_ =	shalt  }
0x84: {  	_ =	shalt  }
0x85: {  	_ =	shalt  }
0x86: {  	_ =	shalt  }
0x87: {  	_ =	shalt  }
.Lfunc_end0:
.L_simem_size_0:
called_computation_lowered:
.L_overlay_start_0:
0x88: {  	s2 =	sld [smem:$0x3FD9]  }
0x89: {  	s3 =	sld [smem:$0x3FFE];
	_ =	sdelay $0x1  }
0x8a: {  	s1 =	srdreg.scid  }
0x8b: {  	s0 =	sand.u32 $0x1, s1  }
0x8c: {  	s17 =	sshll.u32 s0, $0xA;
	s2 =	sadd.s32 s3, s2  }
0x8d: {  	s2 =	sadd.s32 s2, s17  }
0x8e: {  	[smem:$0x3FC4] =	sst s2  }
0x8f: {  	_ = 	snop  }
0x90: {  	(tm) =	ssettm $0x1  }
0x91: {  	s18 =	sld [smem:$0x3FFB];
	_ =	sdelay $0x3  }
0x92: {  	_ =	strace s18  }
0x93: {  	s2 =	sld [smem:$0x3FFC];
	_ =	sdelay $0x3  }
0x94: {  	_ =	strace s2  }
0x95: {  	s2 =	sld [smem:$0x3FFD];
	_ =	sdelay $0x3  }
0x96: {  	_ =	strace s2  }
0x97: {  	_ =	strace $0x8FFFFFFF  }
0x98: {  	s19 =	sld [smem:$0x3FDB];
	_ =	sdelay $0x1  }
0x99: {  	s20 =	simm.s32 $_scs_section_size  }
0x9a: {  	s4 =	simm.s32 $_size__tile_overlayer_lowered;
	s5 =	simm.s32 $_tile_overlayer_lowered  }
0x9b: {  	s6 =	simm.s32 $0x1BFF;
	s21 =	sshll.u32 s5, $0x1;
	s3 =	sadd.s32 s20, s19  }
0x9c: {  	s22 =	simm.s32 $0x0;
	s4 =	sshll.u32 s4, $0x1;
	s5 =	sadd.s32 s21, s3  }
0x9d: {  	[timem:s22], [sflag:s6] =	dma.local [hbm:s5], s4  }
0x9e: {  	_ =	swait.ge [sflag:s6], s4  }
0x9f: {  	s4 =	ssub.s32 $0x0, s4;
	[sflag:s6] =	ssyncset.done $0x0  }
0xa0: {  	[sflag:s6] =	ssyncadd.s32 s4;
	_ =	sdelay $0x1  }
0xa1: {  	s23 =	simm.s32 $0x1B8B  }
0xa2: {  	_ =	swait.ge [sflag:s23], $0x1  }
0xa3: {  	[sflag:s23] =	ssyncset.done $0x0  }
0xa4: {  	[sflag:s23] =	ssyncadd.s32 $0xFFFFFFFF  }
0xa5: {  	s4 =	sld [smem:$0x0]  }
0xa6: {  	s5 =	sand.u32 $0xFFFFFFFE, s1  }
0xa7: {  	p0 =	sne.s32 s1, s5  }
0xa8: {  	s5 =	sshll.u32 @p0 s5, $0xE  }
0xa9: {  	s5 =	sadd.s32 @p0 $0x11B8D, s5;
	s6 =	sshll.u32 @p0 s4, $0x11  }
0xaa: {  	s5 =	sor.u32 @p0 s6, s5  }
0xab: {  	[sflag:s5] =	ssyncadd.remote.s32 @p0 $0x1;
	_ =	sdelay $0x1  }
0xac: {  	s5 =	simm.s32 @p0 $0x1B8D  }
0xad: {  	_ =	swait.eq @p0 [sflag:s5], $0x1  }
0xae: {  	[sflag:s5] =	ssyncadd.s32 @p0 $0xFFFFFFFF  }
0xaf: {  	s6 =	sshll.u32 @!p0 s1, $0xE  }
0xb0: {  	s6 =	sor.u32 @!p0 $0x4000, s6;
	s5 =	simm.s32 @!p0 $0x1B8D  }
0xb1: {  	s4 =	sshll.u32 @!p0 s4, $0x11;
	s6 =	sadd.s32 @!p0 $0x11B8D, s6;
	_ =	swait.eq @!p0 [sflag:s5], $0x1  }
0xb2: {  	s4 =	sor.u32 @!p0 s4, s6;
	[sflag:s5] =	ssyncadd.s32 @!p0 $0xFFFFFFFF  }
0xb3: {  	s25 =	simm.s32 $0x1B8E;
	s24 =	sld [smem:$0x3FFE];
	[sflag:s4] =	ssyncadd.remote.s32 @!p0 $0x1  }
0xb4: {  	s26 =	simm.s32 $execute0_lowered;
	[smem:$0x3FD2] =	sst s25  }
0xb5: {  	s5 =	sshll.u32 s26, $0x1;
	_ =	strace $0x8000004F;
	[dreg:$0x1] =	wrdreg $0xFFFFFFFF  }
0xb6: {  	s28 =	simm.s32 $_size_execute0_lowered;
	s3 =	sadd.s32 s3, s5;
	[dreg:$0x0] =	wrdreg $0x0  }
0xb7: {  	s5 =	sshll.u32 s28, $0x1;
	[dreg:$0x2] =	wrdreg s3  }
0xb8: {  	[dreg:$0x3] =	wrdreg s5  }
0xb9: {  	[dreg:$0x4] =	wrdreg $0xC0  }
0xba: {  	_ =	task [dreg:s22], $0x5FFFF  }
0xbb: {  	[dreg:$0x1] =	wrdreg $0xFFFFFFFF  }
0xbc: {  	[dreg:$0x0] =	wrdreg $0x60  }
0xbd: {  	[dreg:$0x2] =	wrdreg s24  }
0xbe: {  	[dreg:$0x3] =	wrdreg $0x9  }
0xbf: {  	_ =	task.clear_ibuf [dreg:s22], $0x4FFFF;
	_ =	strace $0x9000004F  }
0xc0: {  	s29 =	simm.s32 $0x9;
	_ =	strace $0x80000051  }
0xc1: {  	_ =	swait.ge [sflag:s29], $0x1  }
0xc2: {  	[sflag:s29] =	ssyncadd.s32 $0xFFFFFFFF  }
0xc3: {  	_ =	strace $0x90000051  }
0xc4: {  	_ =	sfence  }
0xc5: {  	s30 =	sld [smem:$0x0];
	_ =	sdelay $0x2  }
0xc6: {  	s31 =	sshll.u32 s1, $0xD;
	s1 =	sshrl.u32 s1, $0x2  }
0xc7: {  	s4 =	sand.u32 $0x4000, s31;
	s1 =	sadd.s32 s1, s30  }
0xc8: {  	s0 =	sor.u32 s4, s0;
	s1 =	sshll.u32 s1, $0x11  }
0xc9: {  	s0 =	sor.u32 s1, s0  }
0xca: {  	s0 =	sadd.s32 $0x8F2B, s0  }
0xcb: {  	[sflag:s0] =	ssyncadd.remote.s32 $0x1  }
0xcc: {  	_ =	sfence.sel $0xFFFF  }
0xcd: {  	[dreg:$0x0] =	wrdreg $0xFFFFFFFF;
	(pc) =	sbr.abs _section_cstart, $3  }
0xce: {  	[dreg:$0x1] =	wrdreg $0xFFFFFFFF  }
0xcf: {  	_ =	task.clear_ibuf [dreg:s22], $0x2FFFF;
	_ =	strace $0x9FFFFFFF  }
0xd0: {  	(tm) =	ssettm $0x7FFFFFFF  }
0xd1: {  	_ =	shalt  }
tec
execute0_lowered:
.L_overlay_start_1:
0x0: {  	(tag) =	ssettag $0x1  }
0x1: {  	s7 =	rddreg [dreg:$0x0]  }
0x2: {  	s0 =	rddreg [dreg:$0x1];
	_ =	strace $0x80000050  }
0x3: {  	s1 =	srdreg.scid;
	s4 =	simm.s32 $0x1;
	s9 =	simm.s32 $0x3  }
0x4: {  	s11 =	simm.s32 $0x0;
	p0 =	por $0x0, $0x0;
	s5 =	sshll.u32 s1, $0x4  }
.Ltmp0:
0x5: {  	s1 =	stileid.u32;
	s5 =	sand.u32 $0x10, s5;
	(pc) =	sbr.rel .LBB2_1-.Ltmp0, $4  }
0x6: {  	s2 =	sadd.s32 $0x800, s7;
	s3 =	sadd.s32 $0x90A00, s7;
	s6 =	sor.u32 s1, s5  }
0x7: {  	[sflag:s4] =	ssyncpa.u1 $0x0;
	s5 =	simm.s32 $0x2;
	s6 =	sshll.u32 s6, $0x7  }
0x8: {  	s7 =	sadd.s32 $0x1ECC00, s7;
	[sflag:s5] =	ssyncpa.u1 $0x0;
	s8 =	sadd.s32 $0x80, s6  }
0x9: {  	vm0 =	vmmov $0xff;
	vm1 =	vcmask $0x3F20;
	[sflag:s9] =	ssyncpa.u1 $0x0;
	s10 =	smov.u32 s6;
	s9 =	simm.s32 $0x0  }
.LBB2_9:
0xa: {  	p1 =	slt.u32 s9, $0x2;
	s11 =	sadd.s32 $0x40, s10  }
0xb: {  	s13 =	smov.u32 s6;
	s9 =	sadd.s32 $0x1, s9;
	p2 =	slt.s32 s11, s8  }
0xc: {  	s13 =	smov.u32 @p2 s11;
	p2 =	sne.s32 s9, $0x4  }
.Ltmp1:
0xd: {  	_ = 	snop;
	(pc) =	sbr.rel @!p2 .LBB2_10-.Ltmp1, $4  }
0xe: {  	s12 =	simm.s32 @!p1 $0x3  }
0xf: {  	_ =	swait.ge @!p1 [sflag:s12], $0xC000  }
0x10: {  	p0 =	por !p0, !p0;
	[sflag:s12] =	ssyncset.done @!p1 $0x0  }
0x11: {  	s11 =	smov.u32 s10;
	s10 =	smov.u32 s13;
	[sflag:s12] =	ssyncadd.s32 @!p1 $0xFFFF4000  }
.LBB2_1:
0x12: {  	p1 =	sgt.u32 s9, $0x1  }
0x13: {  	s12 =	sshll.u32 @!p1 s9, $0x6;
	s13 =	sshrl.u32 @!p1 s10, $0x3  }
0x14: {  	s14 =	sand.u32 @!p1 $0x7, s10;
	s12 =	sxor.u32 @!p1 $0x40, s12;
	s13 =	sadd.s32 @!p1 s3, s13  }
0x15: {  	[tilespmem:s12], [sflag:$0x2] =	stream.linear.gather @!p1 [hbm4b:s13+s14], $0x40, $0x38;
	[tilespmem:$0x18080] =	vst v63  }
0x16: {  	p1 =	seq.s32 s9, $0x0  }
0x17: {  	p2 =	seq.s32 @!p1 s9, $0x3  }
0x18: {  	p1 =	por p1, p2  }
.Ltmp2:
0x19: {  	_ = 	snop;
	(pc) =	sbr.rel @p1 .LBB2_9-.Ltmp2, $1  }
0x1a: {  	_ =	sdelay $0x3  }
0x1b: {  	s12 =	simm.s32 $0x1  }
0x1c: {  	s12 =	simm.s32 @!p0 $0x0  }
0x1d: {  	s12 =	smul.u32 $0x30000, s12;
	_ =	sdelay $0x1  }
0x1e: {  	_ =	swait.ge [sflag:s5], $0x40;
	s13 =	sand.u32 $0x1, s9;
	s12 =	sshrl.u32 s12, $0x2  }
0x1f: {  	s14 =	simm.s32 $0x0;
	[sflag:s5] =	ssyncset.done $0x0;
	s12 =	sor.u32 $0x80, s12  }
0x20: {  	s13 =	sshll.u32 s13, $0x6;
	[sflag:s5] =	ssyncadd.s32 $0xFFFFFFC0;
	s15 =	smov.u32 s12  }
.LBB2_3:
0x21: {  	s16 =	sshll.u32 s14, $0x4  }
0x22: {  	s16 =	sand.u32 $0x3FFFFFF0, s16  }
0x23: {  	s16 =	sadd.s32 s16, s13  }
0x24: {  	v0 =	vld.msk [tilespmem:s16+$0x0 ss:$0x1], $0xffff;
	_ =	sdelay $0x4  }
0x25: {  	vm2 =	vgt.s32 v0, $0x0  }
0x26: {  	v0 =	vnsel vm2, $0x0, v0  }
0x27: {  	v0 =	vmin.u32 v0, $0x17FF  }
0x28: {  	v1 =	vshrl.u32 v0, $0x3  }
0x29: {  	v0 =	vshll.u32 v0, $0x7;
	v1 =	vmul.u32 $0x1800, v1  }
0x2a: {  	v0 =	vand.u32 $0x380, v0  }
0x2b: {  	v0 =	vor.u32 v0, v1  }
0x2c: {  	v0 =	vshrl.u32 v0, $0x3;
	_ =	sdelay $0x3  }
0x2d: {  	s17 =	sadd.s32 $0x0, s15  }
0x2e: {  	[tilespmem:s17], [sflag:$0x1] =	stream.indirect_vreg.gather [hbm:s2], $0x80, v0, vm0, $0x38;
	[tilespmem:$0x18080] =	vst v63  }
0x2f: {  	s16 =	simm.s32 $0x1000;
	v1 =	vadd.s32 $0x80, v0;
	s17 =	sadd.s32 $0x1800, s17  }
.LBB2_4:
0x30: {  	[tilespmem:s17], [sflag:$0x1] =	stream.indirect_vreg.gather [hbm:s2], $0x80, v0, vm1, $0x38;
	[tilespmem:$0x18080] =	vst v63  }
0x31: {  	v0 =	vmov v1;
	s17 =	smov.u32 s16;
	p1 =	sne.s32 s16, $0x5000  }
.Ltmp3:
0x32: {  	s16 =	sadd.s32 $0x1000, s16;
	(pc) =	sbr.rel @p1 .LBB2_4-.Ltmp3, $4  }
0x33: {  	s17 =	sshra.s32 s17, $0x2  }
0x34: {  	s17 =	sadd.s32 s17, s15  }
0x35: {  	[tilespmem:s17], [sflag:$0x1] =	stream.indirect_vreg.gather [hbm:s2], $0x80, v1, vm0, $0x38;
	[tilespmem:$0x18080] =	vst v63  }
0x36: {  	s17 =	sadd.s32 $0x1800, s17;
	v1 =	vadd.s32 $0x80, v1  }
0x37: {  	s14 =	sadd.s32 $0x1, s14  }
0x38: {  	p1 =	sne.s32 s14, $0x4  }
.Ltmp4:
0x39: {  	_ = 	snop;
	(pc) =	sbr.rel @p1 .LBB2_3-.Ltmp4, $3  }
0x3a: {  	_ =	sdelay $0x1  }
0x3b: {  	[tilespmem:s17], [sflag:$0x1] =	stream.indirect_vreg.gather [hbm:s2], $0x80, v0, vm1, $0x38;
	[tilespmem:$0x18080] =	vst v63  }
0x3c: {  	s15 =	sadd.s32 $0x3000, s15  }
0x3d: {  	s13 =	sshrl.u32 s11, $0x3  }
0x3e: {  	s13 =	smul.u32 $0x300, s13  }
0x3f: {  	s31 =	sshll.u32 s11, $0x4  }
0x40: {  	_ =	swait.ge [sflag:s4], $0xC000;
	s11 =	sand.u32 $0x70, s31;
	s13 =	sadd.s32 s13, s7  }
0x41: {  	s14 =	sadd.s32 $0x1800, s12;
	[sflag:s4] =	ssyncset.done $0x0;
	s11 =	sadd.s32 s11, s13  }
0x42: {  	[sflag:s4] =	ssyncadd.s32 $0xFFFF4000;
	s13 =	simm.s32 $0x300;
	s15 =	sadd.s32 $0x0, s11  }
.LBB2_7:
0x43: {  	[hbm:s15] =	stream.linear.scatter [tilespmem:s12], [sflag:$0x3], $0x1800, $0x38;
	[tilespmem:$0x18080] =	vst v63  }
0x44: {  	s15 =	smov.u32 s13;
	s12 =	smov.u32 s14;
	p1 =	sne.s32 s13, $0x1500  }
.Ltmp5:
0x45: {  	s13 =	sadd.s32 $0x300, s13;
	(pc) =	sbr.rel @p1 .LBB2_7-.Ltmp5, $2  }
0x46: {  	_ =	sdelay $0x2  }
0x47: {  	s14 =	sadd.s32 $0x1800, s14;
	s15 =	sadd.s32 s15, s11  }
.Ltmp6:
0x48: {  	(pc) =	sbr.rel .LBB2_9-.Ltmp6, $2  }
0x49: {  	_ =	sdelay $0x2  }
0x4a: {  	[hbm:s15] =	stream.linear.scatter [tilespmem:s12], [sflag:$0x3], $0x1800, $0x38;
	[tilespmem:$0x18080] =	vst v63  }
.LBB2_10:
0x4b: {  	_ =	sfence.sel $0x180000  }
0x4c: {  	s2 =	simm.s32 $0x2;
	[bflag:$0x0] =	sbarrier.arrive $0xFFFF  }
0x4d: {  	s30 =	simm.s32 $0x3;
	[sflag:s2] =	ssyncpa.u1 $0x1  }
0x4e: {  	s31 =	simm.s32 $0x1;
	[sflag:s30] =	ssyncpa.u1 $0x1  }
0x4f: {  	[sflag:s31] =	ssyncpa.u1 $0x1  }
0x50: {  	p0 =	sne.s32 s1, $0x0;
	_ =	strace $0x90000050  }
0x51: {  	s0 =	sadd.s32 @!p0 $0x100000, s0;
	[bflag:$0x2] =	sbarrier.arrive $0xFFFF  }
0x52: {  	[sflag:s0] =	ssyncadd.tile.s32 @!p0 $0x1;
	_ =	shalt  }
.Lfunc_end2:
_tile_overlayer_lowered:
.L_overlay_start_2:
0x53: {  	(tag) =	ssettag $0x2  }
0x54: {  	s0 =	rddreg [dreg:$0x0];
	s2 =	stileid.u32  }
0x55: {  	s1 =	rddreg [dreg:$0x1];
	p0 =	sne.s32 s2, $0x0  }
0x56: {  	s3 =	rddreg [dreg:$0x2];
	[bflag:$0x3] =	sbarrier.arrive $0xFFFF;
	s2 =	simm.s32 @!p0 $0x1C01  }
0x57: {  	[timem:s3], [sflag:s2] =	dma.local @!p0 [hbm:s0], s1  }
0x58: {  	s0 =	simm.s32 @!p0 $0x1  }
0x59: {  	_ =	swait.ge @!p0 [sflag:s0], s1  }
0x5a: {  	s1 =	ssub.s32 @!p0 $0x0, s1;
	[sflag:s0] =	ssyncset.done @!p0 $0x0  }
0x5b: {  	[sflag:s0] =	ssyncadd.s32 @!p0 s1  }
0x5c: {  	[bflag:$0x3] =	sbarrier.arrive $0xFFFF  }
0x5d: {  	_ =	shalt  }

// kernel: kernel.5.cloned.1.call-start
scs
__scs_entry_jumppad:
0x0: {  	(pc) =	sbr.rel $0x88, $3  }
0x1: {  	(tag) =	ssettag $0x0;
	lr =	simm.s32 $0x1  }
0x2: {  	[smem:$0x3F9D] =	sst lr;
	_ =	strace $0xD0000000  }
0x3: {  	_ = 	snop  }
0x4: {  	_ = 	snop  }
0x5: {  	_ = 	snop  }
0x6: {  	_ = 	snop  }
0x7: {  	_ = 	snop  }
__scs_overlays_trampoline_lowered:
0x8: {  	[smem:$0x3FAC] =	sst s0  }
0x9: {  	[smem:$0x3FAD] =	sst s1  }
0xa: {  	[smem:$0x3FAE] =	sst s2  }
0xb: {  	[smem:$0x3FAF] =	sst s3  }
0xc: {  	[smem:$0x3FB0] =	sst s4  }
0xd: {  	[smem:$0x3FB1] =	sst s5  }
0xe: {  	[smem:$0x3FB2] =	sst s6  }
0xf: {  	[smem:$0x3FB3] =	sst s7  }
0x10: {  	[smem:$0x3FB4] =	sst s8  }
0x11: {  	[smem:$0x3FB5] =	sst s9;
	s0 =	simm.s32 @!p0 $0x0  }
0x12: {  	s1 =	sld [smem:$0x3F9B];
	s0 =	simm.s32 @p0 $0x1  }
0x13: {  	[smem:$0x3FB6] =	sst s0;
	s0 =	simm.s32 @!p1 $0x0  }
0x14: {  	s2 =	sld [smem:$0x3F9A];
	s0 =	simm.s32 @p1 $0x1  }
0x15: {  	[smem:$0x3FB7] =	sst s0;
	s0 =	simm.s32 @!p2 $0x0  }
0x16: {  	s3 =	sld [smem:$0x3FDB];
	s0 =	simm.s32 @p2 $0x1  }
0x17: {  	s4 =	simm.s32 $0x1BF5;
	[smem:$0x3FB9] =	sst s0  }
0x18: {  	s0 =	sld [smem:$0x3F9C];
	_ =	swait.ge [sflag:s4], $0x0  }
0x19: {  	s7 =	sld [smem:$0x3F9D]  }
0x1a: {  	s8 =	sadd.s32 $0xFFFFE003, lr  }
0x1b: {  	s9 =	sadd.s32 $0xFFFFFEF7, lr;
	s5 =	simm.s32 $0xFFFFFFFF;
	p2 =	slt.u32 s8, $0xFFFFF086  }
0x1c: {  	p1 =	slt.u32 s9, $0xF7A;
	s5 =	simm.s32 @!p2 $0x0  }
0x1d: {  	s5 =	simm.s32 @p1 $0x1;
	p0 =	seq.s32 s7, s2  }
0x1e: {  	s7 =	smul.u32 @!p0 $0xF7A, s2;
	p2 =	seq.s32 @!p0 s5, $0x0  }
0x1f: {  	s9 =	smul.u32 $0xF7A, s1;
	s8 =	simm.s32 @!p0 $0x1BF5;
	p2 =	por !p2, p0  }
0x20: {  	[sflag:s8] =	ssyncset.s32 @!p0 $0xFFFFF086;
	s6 =	sadd.s32 @!p0 s3, s7;
	s7 =	simm.s32 @!p0 $0x108  }
0x21: {  	s3 =	sadd.s32 s3, s9;
	s6 =	sadd.s32 @!p0 $0x88, s6;
	s7 =	simm.s32 @p2 $0x1082  }
0x22: {  	[simem:s7], [sflag:s8] =	dma.local @!p0 [hbm:s6], $0xF7A  }
0x23: {  	s9 =	sor.u32 $0xD0000000, s2;
	s6 =	simm.s32 $0x108;
	_ =	swait.ge @!p0 [sflag:s8], $0x0  }
0x24: {  	s3 =	sadd.s32 $0x88, s3;
	s6 =	simm.s32 @!p1 $0x1082;
	[sflag:s4] =	ssyncset.s32 $0xFFFFF086  }
0x25: {  	[simem:s6], [sflag:s4] =	dma.local [hbm:s3], $0xF7A  }
0x26: {  	[smem:$0x3F9D] =	sst s1;
	(tag) =	ssettag s2;
	_ =	strace s9  }
0x27: {  	s1 =	sld [smem:$0x3FAD]  }
0x28: {  	s2 =	sld [smem:$0x3FAE]  }
0x29: {  	s4 =	sld [smem:$0x3FB0]  }
0x2a: {  	p0 =	seq.s32 s5, $0x0;
	s5 =	sld [smem:$0x3FB1]  }
0x2b: {  	s6 =	sld [smem:$0x3FB2]  }
0x2c: {  	s7 =	sld [smem:$0x3FB3]  }
0x2d: {  	s3 =	simm.s32 $0x108;
	s8 =	sld [smem:$0x3FB4]  }
0x2e: {  	s3 =	simm.s32 @!p0 $0x1082;
	s9 =	sld [smem:$0x3FB5]  }
0x2f: {  	lr =	sadd.s32 s0, s3;
	s0 =	sld [smem:$0x3FAC]  }
0x30: {  	s3 =	sld [smem:$0x3FAF]  }
0x31: {  	[smem:$0x3FB8] =	sst s10  }
0x32: {  	s10 =	sld [smem:$0x3FB6];
	_ =	sdelay $0x3  }
0x33: {  	p0 =	seq.s32 s10, $0x1;
	s10 =	sld [smem:$0x3FB8];
	_ =	sdelay $0x3  }
0x34: {  	[smem:$0x3FB8] =	sst s10  }
0x35: {  	s10 =	sld [smem:$0x3FB7];
	_ =	sdelay $0x3  }
0x36: {  	p1 =	seq.s32 s10, $0x1;
	s10 =	sld [smem:$0x3FB8];
	_ =	sdelay $0x3  }
0x37: {  	[smem:$0x3FB8] =	sst s10  }
0x38: {  	s10 =	sld [smem:$0x3FB9]  }
0x39: {  	_ = 	snop;
	(pc) =	sbr.ind lr, $3  }
0x3a: {  	_ = 	snop  }
0x3b: {  	_ = 	snop  }
0x3c: {  	p2 =	seq.s32 s10, $0x1;
	s10 =	sld [smem:$0x3FB8]  }
0x3d: {  	_ =	shalt  }
0x3e: {  	_ =	shalt  }
0x3f: {  	_ =	shalt  }
0x40: {  	_ =	shalt  }
0x41: {  	_ =	shalt  }
0x42: {  	_ =	shalt  }
0x43: {  	_ =	shalt  }
0x44: {  	_ =	shalt  }
0x45: {  	_ =	shalt  }
0x46: {  	_ =	shalt  }
0x47: {  	_ =	shalt  }
0x48: {  	_ =	shalt  }
0x49: {  	_ =	shalt  }
0x4a: {  	_ =	shalt  }
0x4b: {  	_ =	shalt  }
0x4c: {  	_ =	shalt  }
0x4d: {  	_ =	shalt  }
0x4e: {  	_ =	shalt  }
0x4f: {  	_ =	shalt  }
0x50: {  	_ =	shalt  }
0x51: {  	_ =	shalt  }
0x52: {  	_ =	shalt  }
0x53: {  	_ =	shalt  }
0x54: {  	_ =	shalt  }
0x55: {  	_ =	shalt  }
0x56: {  	_ =	shalt  }
0x57: {  	_ =	shalt  }
0x58: {  	_ =	shalt  }
0x59: {  	_ =	shalt  }
0x5a: {  	_ =	shalt  }
0x5b: {  	_ =	shalt  }
0x5c: {  	_ =	shalt  }
0x5d: {  	_ =	shalt  }
0x5e: {  	_ =	shalt  }
0x5f: {  	_ =	shalt  }
0x60: {  	_ =	shalt  }
0x61: {  	_ =	shalt  }
0x62: {  	_ =	shalt  }
0x63: {  	_ =	shalt  }
0x64: {  	_ =	shalt  }
0x65: {  	_ =	shalt  }
0x66: {  	_ =	shalt  }
0x67: {  	_ =	shalt  }
0x68: {  	_ =	shalt  }
0x69: {  	_ =	shalt  }
0x6a: {  	_ =	shalt  }
0x6b: {  	_ =	shalt  }
0x6c: {  	_ =	shalt  }
0x6d: {  	_ =	shalt  }
0x6e: {  	_ =	shalt  }
0x6f: {  	_ =	shalt  }
0x70: {  	_ =	shalt  }
0x71: {  	_ =	shalt  }
0x72: {  	_ =	shalt  }
0x73: {  	_ =	shalt  }
0x74: {  	_ =	shalt  }
0x75: {  	_ =	shalt  }
0x76: {  	_ =	shalt  }
0x77: {  	_ =	shalt  }
0x78: {  	_ =	shalt  }
0x79: {  	_ =	shalt  }
0x7a: {  	_ =	shalt  }
0x7b: {  	_ =	shalt  }
0x7c: {  	_ =	shalt  }
0x7d: {  	_ =	shalt  }
0x7e: {  	_ =	shalt  }
0x7f: {  	_ =	shalt  }
0x80: {  	_ =	shalt  }
0x81: {  	_ =	shalt  }
0x82: {  	_ =	shalt  }
0x83: {  	_ =	shalt  }
0x84: {  	_ =	shalt  }
0x85: {  	_ =	shalt  }
0x86: {  	_ =	shalt  }
0x87: {  	_ =	shalt  }
.Lfunc_end0:
.L_simem_size_0:
called_computation.3_lowered:
.L_overlay_start_0:
0x88: {  	s2 =	sld [smem:$0x3FD9]  }
0x89: {  	s3 =	sld [smem:$0x3FFE];
	_ =	sdelay $0x1  }
0x8a: {  	s1 =	srdreg.scid  }
0x8b: {  	s0 =	sand.u32 $0x1, s1  }
0x8c: {  	s17 =	sshll.u32 s0, $0xA;
	s2 =	sadd.s32 s3, s2  }
0x8d: {  	s2 =	sadd.s32 s2, s17  }
0x8e: {  	[smem:$0x3FC4] =	sst s2  }
0x8f: {  	_ = 	snop  }
0x90: {  	s2 =	sld [smem:$0x3FD0];
	(tm) =	ssettm $0x1  }
0x91: {  	s18 =	sld [smem:$0x3FFB];
	_ =	sdelay $0x3  }
0x92: {  	_ =	strace s18  }
0x93: {  	s3 =	sld [smem:$0x3FFC];
	_ =	sdelay $0x3  }
0x94: {  	_ =	strace s3  }
0x95: {  	s3 =	sld [smem:$0x3FFD];
	_ =	sdelay $0x3  }
0x96: {  	_ =	strace s3  }
0x97: {  	_ =	strace $0x8FFFFFFF  }
0x98: {  	s19 =	sld [smem:$0x3FDB];
	_ =	sdelay $0x1  }
0x99: {  	s4 =	simm.s32 $_scs_section_size  }
0x9a: {  	s5 =	simm.s32 $_size__tile_overlayer_lowered;
	s6 =	simm.s32 $_tile_overlayer_lowered  }
0x9b: {  	s22 =	simm.s32 $0x1BFF;
	s21 =	sshll.u32 s6, $0x1;
	s3 =	sadd.s32 s4, s19  }
0x9c: {  	s7 =	simm.s32 $0x0;
	s20 =	sshll.u32 s5, $0x1;
	s5 =	sadd.s32 s21, s3  }
0x9d: {  	[timem:s7], [sflag:s22] =	dma.local [hbm:s5], s20  }
0x9e: {  	_ =	swait.ge [sflag:s22], s20  }
0x9f: {  	s4 =	ssub.s32 $0x0, s20;
	[sflag:s22] =	ssyncset.done $0x0  }
0xa0: {  	[sflag:s22] =	ssyncadd.s32 s4;
	_ =	sdelay $0x1  }
0xa1: {  	s23 =	simm.s32 $0x1B8B  }
0xa2: {  	_ =	swait.ge [sflag:s23], $0x1  }
0xa3: {  	[sflag:s23] =	ssyncset.done $0x0  }
0xa4: {  	s25 =	simm.s32 $0x1B8E;
	s24 =	sld [smem:$0x3FFE];
	[sflag:s23] =	ssyncadd.s32 $0xFFFFFFFF  }
0xa5: {  	s26 =	simm.s32 $execute0_lowered;
	[smem:$0x3FD2] =	sst s25  }
0xa6: {  	s5 =	sshll.u32 s26, $0x1;
	_ =	strace $0x80000049;
	[dreg:$0x1] =	wrdreg $0xFFFFFFFF  }
0xa7: {  	s28 =	simm.s32 $_size_execute0_lowered;
	s3 =	sadd.s32 s3, s5;
	[dreg:$0x0] =	wrdreg $0x0  }
0xa8: {  	s5 =	sshll.u32 s28, $0x1;
	[dreg:$0x2] =	wrdreg s3  }
0xa9: {  	[dreg:$0x3] =	wrdreg s5  }
0xaa: {  	[dreg:$0x4] =	wrdreg $0xC0  }
0xab: {  	_ =	task [dreg:s7], $0x5FFFF  }
0xac: {  	[dreg:$0x1] =	wrdreg $0xFFFFFFFF  }
0xad: {  	[dreg:$0x0] =	wrdreg $0x60  }
0xae: {  	[dreg:$0x2] =	wrdreg s24  }
0xaf: {  	[dreg:$0x3] =	wrdreg s2  }
0xb0: {  	[dreg:$0x4] =	wrdreg $0x9  }
0xb1: {  	_ =	task.clear_ibuf [dreg:s7], $0x5FFFF;
	_ =	strace $0x90000049  }
0xb2: {  	s29 =	simm.s32 $0x9;
	_ =	strace $0x8000004B  }
0xb3: {  	_ =	swait.ge [sflag:s29], $0x1  }
0xb4: {  	[sflag:s29] =	ssyncadd.s32 $0xFFFFFFFF  }
0xb5: {  	_ =	strace $0x9000004B  }
0xb6: {  	_ =	sfence  }
0xb7: {  	s30 =	sld [smem:$0x0];
	_ =	sdelay $0x2  }
0xb8: {  	s31 =	sshll.u32 s1, $0xD;
	s1 =	sshrl.u32 s1, $0x2  }
0xb9: {  	s3 =	sand.u32 $0x4000, s31;
	s1 =	sadd.s32 s1, s30  }
0xba: {  	s0 =	sor.u32 s3, s0;
	s1 =	sshll.u32 s1, $0x11  }
0xbb: {  	s0 =	sor.u32 s1, s0  }
0xbc: {  	s0 =	sadd.s32 $0x8F2B, s0  }
0xbd: {  	[sflag:s0] =	ssyncadd.remote.s32 $0x1  }
0xbe: {  	_ =	sfence.sel $0xFFFF  }
0xbf: {  	[dreg:$0x0] =	wrdreg $0xFFFFFFFF;
	(pc) =	sbr.abs _section_cstart, $3  }
0xc0: {  	[dreg:$0x1] =	wrdreg $0xFFFFFFFF  }
0xc1: {  	_ =	task.clear_ibuf [dreg:s7], $0x2FFFF;
	_ =	strace $0x9FFFFFFF  }
0xc2: {  	(tm) =	ssettm $0x7FFFFFFF  }
0xc3: {  	_ =	shalt  }
tec
execute0_lowered:
.L_overlay_start_1:
0x0: {  	(tag) =	ssettag $0x1  }
0x1: {  	s0 =	rddreg [dreg:$0x0]  }
0x2: {  	s2 =	rddreg [dreg:$0x1];
	s1 =	simm.s32 $0x0  }
0x3: {  	s4 =	srdreg.scid;
	s7 =	stileid.u32;
	s13 =	simm.s32 $0x3  }
0x4: {  	s15 =	simm.s32 $0x100;
	s28 =	simm.s32 $0x6100;
	s29 =	simm.s32 $0x6900  }
0x5: {  	s30 =	simm.s32 $0x7100;
	s31 =	simm.s32 $0x7900;
	s14 =	simm.s32 $0x9100  }
0x6: {  	s16 =	simm.s32 $0x9900;
	s17 =	simm.s32 $0xA100;
	s18 =	simm.s32 $0xA900  }
0x7: {  	s19 =	simm.s32 $0xB100;
	s20 =	simm.s32 $0xB900;
	s21 =	simm.s32 $0x1  }
0x8: {  	s22 =	simm.s32 $0x0;
	[smem:$0x7FF] =	sst s1;
	s3 =	sadd.s32 $0x800, s0  }
0x9: {  	s5 =	sadd.s32 $0x200, s0;
	s4 =	sand.u32 $0x1, s4;
	s7 =	sshll.u32 s7, $0x4  }
0xa: {  	s10 =	sadd.s32 $0x600, s0;
	s6 =	ssub.s32 $0x2, s4;
	s4 =	sshll.u32 s4, $0x3  }
0xb: {  	_ =	strace $0x8000004A;
	s8 =	sshrl.u32 s6, $0x1;
	s4 =	sor.u32 s4, s7  }
0xc: {  	s7 =	sadd.s32 $0xA00, s0;
	s12 =	ssub.s32 s6, s8;
	s24 =	smul.u32 $0x300, s4  }
0xd: {  	s11 =	sor.u32 $0x4, s4;
	s25 =	sadd.s32 s5, s4;
	s4 =	sadd.s32 s10, s4  }
0xe: {  	s6 =	sadd.s32 $0x900, s0;
	s0 =	simm.s32 $0x8100;
	[dreg:$0x3] =	wrdreg s25  }
0xf: {  	v2 =	vlaneseq.u32;
	[dreg:$0x4] =	wrdreg s4;
	s26 =	smul.u32 $0x300, s11;
	s9 =	sadd.s32 s5, s11  }
0x10: {  	vm0 =	vmmov $0xffff;
	v1 =	vshrl.u32 v2, $0x3;
	s10 =	sadd.s32 s10, s11;
	s12 =	smax.u32 s12, $0x1;
	s4 =	simm.s32 $0x2  }
0x11: {  	v0 =	vand.u32 $0x7, v2;
	v2 =	vor.u32 $0x8, v2;
	v1 =	vmul.u32 $0x8, v1;
	s8 =	sadd.s32 s2, s24;
	s11 =	sadd.s32 s2, s26;
	s2 =	simm.s32 $0x8900  }
.LBB2_1:
0x12: {  	s5 =	rddreg [dreg:$0x3]  }
0x13: {  	[tilespmem:s1], [sflag:$0x3] =	stream.linear.gather [hbm4b:s5+s1], $0x20, $0x38;
	[tilespmem:$0xC100] =	vst v63  }
0x14: {  	_ =	swait.ge [sflag:s13], $0x20  }
0x15: {  	[sflag:s13] =	ssyncset.done $0x0  }
0x16: {  	s23 =	simm.s32 $0x80;
	s25 =	rddreg [dreg:$0x4];
	[sflag:s13] =	ssyncadd.s32 $0xFFFFFFE0  }
0x17: {  	[tilespmem:s23], [sflag:$0x3] =	stream.linear.gather [hbm4b:s25+s1], $0x20, $0x38;
	[tilespmem:$0xC100] =	vst v63  }
0x18: {  	_ =	swait.ge [sflag:s13], $0x20  }
0x19: {  	[sflag:s13] =	ssyncset.done $0x0  }
0x1a: {  	[sflag:s13] =	ssyncadd.s32 $0xFFFFFFE0  }
0x1b: {  	v3 =	vld [tilespmem:$0x0];
	_ =	sdelay $0x4  }
0x1c: {  	v4 =	vshrl.u32 v3, $0x3  }
0x1d: {  	v4 =	vmul.u32 $0x30, v4  }
0x1e: {  	v3 =	vand.u32 $0x7, v3  }
0x1f: {  	v3 =	vor.u32 v3, v4  }
0x20: {  	v4 =	vperm.xlane v3, v0;
	_ =	sdelay $0x1  }
0x21: {  	v4 =	vadd.s32 v1, v4;
	_ =	sdelay $0x3  }
0x22: {  	v3 =	vperm.xlane v3, v2  }
0x23: {  	[tilespmem:s15], [sflag:$0x1] =	stream.indirect_vreg.gather [hbm4b:s3+s1], $0x80, v4, vm0, $0xb8;
	[tilespmem:$0xC100] =	vst v63  }
0x24: {  	s26 =	simm.s32 $0x900;
	v3 =	vadd.s32 v1, v3  }
0x25: {  	[tilespmem:s26], [sflag:$0x1] =	stream.indirect_vreg.gather [hbm4b:s6+s1], $0x80, v4, vm0, $0xb8;
	[tilespmem:$0xC100] =	vst v63  }
0x26: {  	s23 =	simm.s32 $0x1100  }
0x27: {  	[tilespmem:s23], [sflag:$0x1] =	stream.indirect_vreg.gather [hbm4b:s7+s1], $0x80, v4, vm0, $0xb8;
	[tilespmem:$0xC100] =	vst v63  }
0x28: {  	s24 =	simm.s32 $0x1900  }
0x29: {  	[tilespmem:s24], [sflag:$0x1] =	stream.indirect_vreg.gather [hbm4b:s3+s1], $0x80, v3, vm0, $0xb8;
	[tilespmem:$0xC100] =	vst v63  }
0x2a: {  	s25 =	simm.s32 $0x2100  }
0x2b: {  	[tilespmem:s25], [sflag:$0x1] =	stream.indirect_vreg.gather [hbm4b:s6+s1], $0x80, v3, vm0, $0xb8;
	[tilespmem:$0xC100] =	vst v63  }
0x2c: {  	s26 =	simm.s32 $0x2900  }
0x2d: {  	[tilespmem:s26], [sflag:$0x1] =	stream.indirect_vreg.gather [hbm4b:s7+s1], $0x80, v3, vm0, $0xb8;
	[tilespmem:$0xC100] =	vst v63  }
0x2e: {  	v3 =	vld [tilespmem:$0x10];
	_ =	sdelay $0x4  }
0x2f: {  	v4 =	vshrl.u32 v3, $0x3  }
0x30: {  	v4 =	vmul.u32 $0x30, v4  }
0x31: {  	v3 =	vand.u32 $0x7, v3  }
0x32: {  	v3 =	vor.u32 v3, v4  }
0x33: {  	v4 =	vperm.xlane v3, v0;
	_ =	sdelay $0x1  }
0x34: {  	v4 =	vadd.s32 v1, v4;
	_ =	sdelay $0x3  }
0x35: {  	s23 =	simm.s32 $0x3100;
	v3 =	vperm.xlane v3, v2  }
0x36: {  	[tilespmem:s23], [sflag:$0x1] =	stream.indirect_vreg.gather [hbm4b:s3+s1], $0x80, v4, vm0, $0xb8;
	[tilespmem:$0xC100] =	vst v63  }
0x37: {  	s24 =	simm.s32 $0x3900;
	v3 =	vadd.s32 v1, v3  }
0x38: {  	[tilespmem:s24], [sflag:$0x1] =	stream.indirect_vreg.gather [hbm4b:s6+s1], $0x80, v4, vm0, $0xb8;
	[tilespmem:$0xC100] =	vst v63  }
0x39: {  	s25 =	simm.s32 $0x4100  }
0x3a: {  	[tilespmem:s25], [sflag:$0x1] =	stream.indirect_vreg.gather [hbm4b:s7+s1], $0x80, v4, vm0, $0xb8;
	[tilespmem:$0xC100] =	vst v63  }
0x3b: {  	s26 =	simm.s32 $0x4900  }
0x3c: {  	[tilespmem:s26], [sflag:$0x1] =	stream.indirect_vreg.gather [hbm4b:s3+s1], $0x80, v3, vm0, $0xb8;
	[tilespmem:$0xC100] =	vst v63  }
0x3d: {  	s23 =	simm.s32 $0x5100  }
0x3e: {  	[tilespmem:s23], [sflag:$0x1] =	stream.indirect_vreg.gather [hbm4b:s6+s1], $0x80, v3, vm0, $0xb8;
	[tilespmem:$0xC100] =	vst v63  }
0x3f: {  	s24 =	simm.s32 $0x5900  }
0x40: {  	[tilespmem:s24], [sflag:$0x1] =	stream.indirect_vreg.gather [hbm4b:s7+s1], $0x80, v3, vm0, $0xb8;
	[tilespmem:$0xC100] =	vst v63  }
0x41: {  	v3 =	vld [tilespmem:$0x80];
	_ =	sdelay $0x4  }
0x42: {  	v4 =	vshrl.u32 v3, $0x3  }
0x43: {  	v4 =	vmul.u32 $0x30, v4  }
0x44: {  	v3 =	vand.u32 $0x7, v3  }
0x45: {  	v3 =	vor.u32 v3, v4  }
0x46: {  	v4 =	vperm.xlane v3, v0;
	_ =	sdelay $0x1  }
0x47: {  	v4 =	vadd.s32 v1, v4;
	_ =	sdelay $0x3  }
0x48: {  	v3 =	vperm.xlane v3, v2  }
0x49: {  	[tilespmem:s28], [sflag:$0x2] =	stream.indirect_vreg.gather [hbm4b:s3+s1], $0x80, v4, vm0, $0xb8;
	[tilespmem:$0xC100] =	vst v63  }
0x4a: {  	v3 =	vadd.s32 v1, v3  }
0x4b: {  	[tilespmem:s29], [sflag:$0x2] =	stream.indirect_vreg.gather [hbm4b:s6+s1], $0x80, v4, vm0, $0xb8;
	[tilespmem:$0xC100] =	vst v63  }
0x4c: {  	_ = 	snop  }
0x4d: {  	[tilespmem:s30], [sflag:$0x2] =	stream.indirect_vreg.gather [hbm4b:s7+s1], $0x80, v4, vm0, $0xb8;
	[tilespmem:$0xC100] =	vst v63  }
0x4e: {  	_ = 	snop  }
0x4f: {  	[tilespmem:s31], [sflag:$0x2] =	stream.indirect_vreg.gather [hbm4b:s3+s1], $0x80, v3, vm0, $0xb8;
	[tilespmem:$0xC100] =	vst v63  }
0x50: {  	_ = 	snop  }
0x51: {  	[tilespmem:s0], [sflag:$0x2] =	stream.indirect_vreg.gather [hbm4b:s6+s1], $0x80, v3, vm0, $0xb8;
	[tilespmem:$0xC100] =	vst v63  }
0x52: {  	_ = 	snop  }
0x53: {  	[tilespmem:s2], [sflag:$0x2] =	stream.indirect_vreg.gather [hbm4b:s7+s1], $0x80, v3, vm0, $0xb8;
	[tilespmem:$0xC100] =	vst v63  }
0x54: {  	v3 =	vld [tilespmem:$0x90];
	_ =	sdelay $0x4  }
0x55: {  	v4 =	vshrl.u32 v3, $0x3  }
0x56: {  	v4 =	vmul.u32 $0x30, v4  }
0x57: {  	v3 =	vand.u32 $0x7, v3  }
0x58: {  	v3 =	vor.u32 v3, v4  }
0x59: {  	v4 =	vperm.xlane v3, v0;
	_ =	sdelay $0x1  }
0x5a: {  	v4 =	vadd.s32 v1, v4;
	_ =	sdelay $0x3  }
0x5b: {  	v3 =	vperm.xlane v3, v2  }
0x5c: {  	[tilespmem:s14], [sflag:$0x2] =	stream.indirect_vreg.gather [hbm4b:s3+s1], $0x80, v4, vm0, $0xb8;
	[tilespmem:$0xC100] =	vst v63  }
0x5d: {  	v3 =	vadd.s32 v1, v3  }
0x5e: {  	[tilespmem:s16], [sflag:$0x2] =	stream.indirect_vreg.gather [hbm4b:s6+s1], $0x80, v4, vm0, $0xb8;
	[tilespmem:$0xC100] =	vst v63  }
0x5f: {  	_ = 	snop  }
0x60: {  	[tilespmem:s17], [sflag:$0x2] =	stream.indirect_vreg.gather [hbm4b:s7+s1], $0x80, v4, vm0, $0xb8;
	[tilespmem:$0xC100] =	vst v63  }
0x61: {  	_ = 	snop  }
0x62: {  	[tilespmem:s18], [sflag:$0x2] =	stream.indirect_vreg.gather [hbm4b:s3+s1], $0x80, v3, vm0, $0xb8;
	[tilespmem:$0xC100] =	vst v63  }
0x63: {  	_ = 	snop  }
0x64: {  	[tilespmem:s19], [sflag:$0x2] =	stream.indirect_vreg.gather [hbm4b:s6+s1], $0x80, v3, vm0, $0xb8;
	[tilespmem:$0xC100] =	vst v63  }
0x65: {  	_ = 	snop  }
0x66: {  	[tilespmem:s20], [sflag:$0x2] =	stream.indirect_vreg.gather [hbm4b:s7+s1], $0x80, v3, vm0, $0xb8;
	[tilespmem:$0xC100] =	vst v63  }
0x67: {  	_ =	swait.ge [sflag:s21], $0x6000  }
0x68: {  	[sflag:s21] =	ssyncset.done $0x0  }
0x69: {  	s25 =	simm.s32 $0x0;
	[sflag:s21] =	ssyncadd.s32 $0xFFFFA000  }
0x6a: {  	s5 =	smul.u32 $0x1800, s25;
	_ =	swait.ge [sflag:s4], $0x6000  }
0x6b: {  	s26 =	sand.u32 $0x380, s1;
	[sflag:s4] =	ssyncset.done $0x0  }
0x6c: {  	s5 =	sor.u32 s26, s5;
	[sflag:s4] =	ssyncadd.s32 $0xFFFFA000  }
0x6d: {  	v12 =	vld [tilespmem:s5+$0x6100]  }
0x6e: {  	v13 =	vld [tilespmem:s5+$0x6110]  }
0x6f: {  	v14 =	vld [tilespmem:s5+$0x6120]  }
0x70: {  	v15 =	vld [tilespmem:s5+$0x6130]  }
0x71: {  	v16 =	vld [tilespmem:s5+$0x6140]  }
0x72: {  	v17 =	vld [tilespmem:s5+$0x6150]  }
0x73: {  	v18 =	vld [tilespmem:s5+$0x6160]  }
0x74: {  	v19 =	vld [tilespmem:s5+$0x6170]  }
0x75: {  	v20 =	vld [tilespmem:s5+$0x6500]  }
0x76: {  	v21 =	vld [tilespmem:s5+$0x6510]  }
0x77: {  	v22 =	vld [tilespmem:s5+$0x6520]  }
0x78: {  	v23 =	vld [tilespmem:s5+$0x6530]  }
0x79: {  	v24 =	vld [tilespmem:s5+$0x6540]  }
0x7a: {  	v25 =	vld [tilespmem:s5+$0x6550]  }
0x7b: {  	v26 =	vld [tilespmem:s5+$0x6560]  }
0x7c: {  	v27 =	vld [tilespmem:s5+$0x6570]  }
0x7d: {  	v28 =	vld [tilespmem:s5+$0x6900]  }
0x7e: {  	v29 =	vld [tilespmem:s5+$0x6910]  }
0x7f: {  	v30 =	vld [tilespmem:s5+$0x6920]  }
0x80: {  	v31 =	vld [tilespmem:s5+$0x6930]  }
0x81: {  	v32 =	vld [tilespmem:s5+$0x6940]  }
0x82: {  	v33 =	vld [tilespmem:s5+$0x6950]  }
0x83: {  	v34 =	vld [tilespmem:s5+$0x6960]  }
0x84: {  	v35 =	vld [tilespmem:s5+$0x6970]  }
0x85: {  	v36 =	vld [tilespmem:s5+$0x6D00]  }
0x86: {  	v37 =	vld [tilespmem:s5+$0x6D10]  }
0x87: {  	v38 =	vld [tilespmem:s5+$0x6D20]  }
0x88: {  	v39 =	vld [tilespmem:s5+$0x6D30]  }
0x89: {  	v40 =	vld [tilespmem:s5+$0x6D40]  }
0x8a: {  	v41 =	vld [tilespmem:s5+$0x6D50]  }
0x8b: {  	v42 =	vld [tilespmem:s5+$0x6D60]  }
0x8c: {  	v43 =	vld [tilespmem:s5+$0x6D70]  }
0x8d: {  	v44 =	vld [tilespmem:s5+$0x7100]  }
0x8e: {  	v45 =	vld [tilespmem:s5+$0x7110]  }
0x8f: {  	v46 =	vld [tilespmem:s5+$0x7120]  }
0x90: {  	v47 =	vld [tilespmem:s5+$0x7130]  }
0x91: {  	v48 =	vld [tilespmem:s5+$0x7140]  }
0x92: {  	v49 =	vld [tilespmem:s5+$0x7150]  }
0x93: {  	v50 =	vld [tilespmem:s5+$0x7160]  }
0x94: {  	v11 =	vld [tilespmem:s5+$0x7170]  }
0x95: {  	v10 =	vld [tilespmem:s5+$0x7500]  }
0x96: {  	v9 =	vld [tilespmem:s5+$0x7510]  }
0x97: {  	v8 =	vld [tilespmem:s5+$0x7520]  }
0x98: {  	v7 =	vld [tilespmem:s5+$0x7530]  }
0x99: {  	v6 =	vld [tilespmem:s5+$0x7540]  }
0x9a: {  	v51 =	vld [tilespmem:s5+$0x100]  }
0x9b: {  	v52 =	vld [tilespmem:s5+$0x110]  }
0x9c: {  	v53 =	vld [tilespmem:s5+$0x120]  }
0x9d: {  	v54 =	vld [tilespmem:s5+$0x130]  }
0x9e: {  	v55 =	vld [tilespmem:s5+$0x140]  }
0x9f: {  	v62 =	vld [tilespmem:s5+$0x150];
	v12 =	vadd.f32 v12, v51  }
0xa0: {  	v63 =	vld [tilespmem:s5+$0x160];
	v13 =	vadd.f32 v13, v52  }
0xa1: {  	[tilespmem:s5+$0x100] =	vst v12;
	v12 =	vadd.f32 v14, v53;
	v14 =	vld [tilespmem:s5+$0x170]  }
0xa2: {  	[tilespmem:s5+$0x110] =	vst v13;
	v13 =	vadd.f32 v15, v54;
	v15 =	vld [tilespmem:s5+$0x500]  }
0xa3: {  	[tilespmem:s5+$0x120] =	vst v12;
	v12 =	vadd.f32 v16, v55;
	v16 =	vld [tilespmem:s5+$0x510]  }
0xa4: {  	[tilespmem:s5+$0x130] =	vst v13;
	v13 =	vadd.f32 v17, v62;
	v17 =	vld [tilespmem:s5+$0x520]  }
0xa5: {  	v5 =	vld [tilespmem:s5+$0x7550]  }
0xa6: {  	[tilespmem:s5+$0x140] =	vst v12;
	v12 =	vadd.f32 v18, v63;
	v18 =	vld [tilespmem:s5+$0x570]  }
0xa7: {  	[tilespmem:s5+$0x150] =	vst v13;
	v13 =	vadd.f32 v19, v14;
	v14 =	vld [tilespmem:s5+$0x530]  }
0xa8: {  	[tilespmem:s5+$0x160] =	vst v12;
	v12 =	vadd.f32 v20, v15;
	v15 =	vld [tilespmem:s5+$0x540]  }
0xa9: {  	[tilespmem:s5+$0x170] =	vst v13;
	v13 =	vadd.f32 v21, v16;
	v16 =	vadd.f32 v22, v17;
	v17 =	vld [tilespmem:s5+$0x560]  }
0xaa: {  	[tilespmem:s5+$0x500] =	vst v12;
	v12 =	vld [tilespmem:s5+$0x550]  }
0xab: {  	[tilespmem:s5+$0x510] =	vst v13;
	v13 =	vld [tilespmem:s5+$0x900];
	v18 =	vadd.f32 v27, v18  }
0xac: {  	[tilespmem:s5+$0x520] =	vst v16;
	v16 =	vld [tilespmem:s5+$0x910];
	v14 =	vadd.f32 v23, v14  }
0xad: {  	v4 =	vld [tilespmem:s5+$0x7560];
	v15 =	vadd.f32 v24, v15;
	[tilespmem:s5+$0x570] =	vst v18  }
0xae: {  	[tilespmem:s5+$0x530] =	vst v14;
	v14 =	vld [tilespmem:s5+$0x920];
	v17 =	vadd.f32 v26, v17  }
0xaf: {  	v12 =	vadd.f32 v25, v12;
	[tilespmem:s5+$0x540] =	vst v15;
	v15 =	vld [tilespmem:s5+$0x930]  }
0xb0: {  	v18 =	vld [tilespmem:s5+$0x970];
	[tilespmem:s5+$0x560] =	vst v17;
	v13 =	vadd.f32 v28, v13  }
0xb1: {  	v16 =	vadd.f32 v29, v16;
	[tilespmem:s5+$0x550] =	vst v12;
	v12 =	vld [tilespmem:s5+$0x940]  }
0xb2: {  	v17 =	vld [tilespmem:s5+$0x950];
	[tilespmem:s5+$0x900] =	vst v13  }
0xb3: {  	[tilespmem:s5+$0x910] =	vst v16;
	v16 =	vld [tilespmem:s5+$0x960];
	v13 =	vadd.f32 v30, v14  }
0xb4: {  	v14 =	vld [tilespmem:s5+$0xD00];
	v15 =	vadd.f32 v31, v15  }
0xb5: {  	[tilespmem:s5+$0x920] =	vst v13;
	v13 =	vld [tilespmem:s5+$0xD10]  }
0xb6: {  	v12 =	vadd.f32 v32, v12;
	[tilespmem:s5+$0x930] =	vst v15;
	v15 =	vld [tilespmem:s5+$0xD20]  }
0xb7: {  	v3 =	vld [tilespmem:s5+$0x7570];
	v17 =	vadd.f32 v33, v17  }
0xb8: {  	v16 =	vadd.f32 v34, v16;
	[tilespmem:s5+$0x940] =	vst v12;
	v12 =	vld [tilespmem:s5+$0xD30]  }
0xb9: {  	[tilespmem:s5+$0x950] =	vst v17;
	v17 =	vld [tilespmem:s5+$0xD40];
	v14 =	vadd.f32 v36, v14  }
0xba: {  	v18 =	vadd.f32 v35, v18;
	[tilespmem:s5+$0x960] =	vst v16;
	v16 =	vld [tilespmem:s5+$0xD50]  }
0xbb: {  	v13 =	vadd.f32 v37, v13;
	[tilespmem:s5+$0xD00] =	vst v14;
	v14 =	vadd.f32 v38, v15;
	v15 =	vld [tilespmem:s5+$0xD60]  }
0xbc: {  	[tilespmem:s5+$0x970] =	vst v18;
	v18 =	vld [tilespmem:s5+$0xD70]  }
0xbd: {  	[tilespmem:s5+$0xD10] =	vst v13;
	v13 =	vld [tilespmem:s5+$0x1100];
	v12 =	vadd.f32 v39, v12  }
0xbe: {  	v17 =	vadd.f32 v40, v17;
	[tilespmem:s5+$0xD20] =	vst v14;
	v14 =	vld [tilespmem:s5+$0x1110]  }
0xbf: {  	v16 =	vadd.f32 v41, v16;
	[tilespmem:s5+$0xD30] =	vst v12;
	v12 =	vld [tilespmem:s5+$0x1120]  }
0xc0: {  	[tilespmem:s5+$0xD40] =	vst v17;
	v17 =	vld [tilespmem:s5+$0x1130];
	v15 =	vadd.f32 v42, v15  }
0xc1: {  	v19 =	vld [tilespmem:s5+$0x1140];
	[tilespmem:s5+$0xD50] =	vst v16;
	v16 =	vadd.f32 v43, v18  }
0xc2: {  	v18 =	vld [tilespmem:s5+$0x1150];
	v13 =	vadd.f32 v44, v13;
	[tilespmem:s5+$0xD60] =	vst v15  }
0xc3: {  	v20 =	vld [tilespmem:s5+$0x1160];
	[tilespmem:s5+$0xD70] =	vst v16;
	v14 =	vadd.f32 v45, v14  }
0xc4: {  	v16 =	vld [tilespmem:s5+$0x1170];
	[tilespmem:s5+$0x1100] =	vst v13;
	v12 =	vadd.f32 v46, v12  }
0xc5: {  	v15 =	vld [tilespmem:s5+$0x1500];
	v13 =	vadd.f32 v47, v17;
	[tilespmem:s5+$0x1110] =	vst v14  }
0xc6: {  	v14 =	vld [tilespmem:s5+$0x1510];
	[tilespmem:s5+$0x1120] =	vst v12;
	v12 =	vadd.f32 v48, v19  }
0xc7: {  	[tilespmem:s5+$0x1130] =	vst v13;
	v13 =	vld [tilespmem:s5+$0x1520];
	v18 =	vadd.f32 v49, v18  }
0xc8: {  	s23 =	simm.s32 $0x1;
	s24 =	simm.s32 $0x0;
	v17 =	vadd.f32 v50, v20;
	[tilespmem:s5+$0x1140] =	vst v12;
	v12 =	vld [tilespmem:s5+$0x1530]  }
.LBB2_2:
0xc9: {  	s25 =	sshrl.u32 s23, $0x3;
	p0 =	sne.s32 s23, $0x1F;
	[tilespmem:s5+$0x1150] =	vst v18;
	v11 =	vadd.f32 v11, v16;
	v16 =	vld [tilespmem:s5+$0x1540]  }
0xca: {  	s24 =	sadd.s32 $0x80, s24;
	s25 =	smul.u32 $0x1800, s25;
	[tilespmem:s5+$0x1160] =	vst v17;
	v10 =	vadd.f32 v10, v15;
	v15 =	vld [tilespmem:s5+$0x1550]  }
0xcb: {  	s26 =	sand.u32 $0x380, s24;
	[tilespmem:s5+$0x1170] =	vst v11;
	v9 =	vadd.f32 v9, v14;
	v11 =	vld [tilespmem:s5+$0x1560]  }
0xcc: {  	s25 =	sor.u32 s26, s25;
	[tilespmem:s5+$0x1500] =	vst v10;
	v8 =	vadd.f32 v8, v13;
	v10 =	vld [tilespmem:s5+$0x1570]  }
0xcd: {  	v39 =	vld [tilespmem:s25+$0x6100];
	[tilespmem:s5+$0x1510] =	vst v9;
	v7 =	vadd.f32 v7, v12  }
0xce: {  	v40 =	vld [tilespmem:s25+$0x6110];
	[tilespmem:s5+$0x1520] =	vst v8;
	v6 =	vadd.f32 v6, v16  }
0xcf: {  	v41 =	vld [tilespmem:s25+$0x6120];
	[tilespmem:s5+$0x1530] =	vst v7;
	v5 =	vadd.f32 v5, v15  }
0xd0: {  	v42 =	vld [tilespmem:s25+$0x6130];
	[tilespmem:s5+$0x1540] =	vst v6;
	v4 =	vadd.f32 v4, v11  }
0xd1: {  	v43 =	vld [tilespmem:s25+$0x6140];
	[tilespmem:s5+$0x1550] =	vst v5;
	v3 =	vadd.f32 v3, v10  }
0xd2: {  	v44 =	vld [tilespmem:s25+$0x6150];
	[tilespmem:s5+$0x1560] =	vst v4  }
0xd3: {  	v45 =	vld [tilespmem:s25+$0x6160];
	[tilespmem:s5+$0x1570] =	vst v3;
	s5 =	smov.u32 s25  }
0xd4: {  	v46 =	vld [tilespmem:s5+$0x6170]  }
0xd5: {  	v47 =	vld [tilespmem:s5+$0x6500]  }
0xd6: {  	v48 =	vld [tilespmem:s5+$0x6510]  }
0xd7: {  	v49 =	vld [tilespmem:s5+$0x6520]  }
0xd8: {  	v50 =	vld [tilespmem:s5+$0x6530]  }
0xd9: {  	v38 =	vld [tilespmem:s5+$0x6540]  }
0xda: {  	v37 =	vld [tilespmem:s5+$0x6550]  }
0xdb: {  	v36 =	vld [tilespmem:s5+$0x6560]  }
0xdc: {  	v35 =	vld [tilespmem:s5+$0x6570]  }
0xdd: {  	v34 =	vld [tilespmem:s5+$0x6900]  }
0xde: {  	v33 =	vld [tilespmem:s5+$0x6910]  }
0xdf: {  	v32 =	vld [tilespmem:s5+$0x6920]  }
0xe0: {  	v31 =	vld [tilespmem:s5+$0x6930]  }
0xe1: {  	v30 =	vld [tilespmem:s5+$0x6940]  }
0xe2: {  	v29 =	vld [tilespmem:s5+$0x6950]  }
0xe3: {  	v28 =	vld [tilespmem:s5+$0x6960]  }
0xe4: {  	v27 =	vld [tilespmem:s5+$0x6970]  }
0xe5: {  	v26 =	vld [tilespmem:s5+$0x6D00]  }
0xe6: {  	v25 =	vld [tilespmem:s5+$0x6D10]  }
0xe7: {  	v24 =	vld [tilespmem:s5+$0x6D20]  }
0xe8: {  	v23 =	vld [tilespmem:s5+$0x6D30]  }
0xe9: {  	v22 =	vld [tilespmem:s5+$0x6D40]  }
0xea: {  	v21 =	vld [tilespmem:s5+$0x6D50]  }
0xeb: {  	v20 =	vld [tilespmem:s5+$0x6D60]  }
0xec: {  	v19 =	vld [tilespmem:s5+$0x6D70]  }
0xed: {  	v18 =	vld [tilespmem:s5+$0x7100]  }
0xee: {  	v17 =	vld [tilespmem:s5+$0x7110]  }
0xef: {  	v16 =	vld [tilespmem:s5+$0x7120]  }
0xf0: {  	v15 =	vld [tilespmem:s5+$0x7130]  }
0xf1: {  	v14 =	vld [tilespmem:s5+$0x7140]  }
0xf2: {  	v13 =	vld [tilespmem:s5+$0x7150]  }
0xf3: {  	v12 =	vld [tilespmem:s5+$0x7160]  }
0xf4: {  	v11 =	vld [tilespmem:s5+$0x7170]  }
0xf5: {  	v10 =	vld [tilespmem:s5+$0x7500]  }
0xf6: {  	v9 =	vld [tilespmem:s5+$0x7510]  }
0xf7: {  	v8 =	vld [tilespmem:s5+$0x7520]  }
0xf8: {  	v7 =	vld [tilespmem:s5+$0x7530]  }
0xf9: {  	v6 =	vld [tilespmem:s5+$0x7540]  }
0xfa: {  	v5 =	vld [tilespmem:s5+$0x7550]  }
0xfb: {  	v4 =	vld [tilespmem:s5+$0x7560]  }
0xfc: {  	v3 =	vld [tilespmem:s5+$0x7570]  }
0xfd: {  	v51 =	vld [tilespmem:s5+$0x100]  }
0xfe: {  	v52 =	vld [tilespmem:s5+$0x110]  }
0xff: {  	v53 =	vld [tilespmem:s5+$0x120]  }
0x100: {  	v54 =	vld [tilespmem:s5+$0x130]  }
0x101: {  	v55 =	vld [tilespmem:s5+$0x140]  }
0x102: {  	v39 =	vadd.f32 v39, v51;
	v51 =	vld [tilespmem:s5+$0x150]  }
0x103: {  	v40 =	vadd.f32 v40, v52;
	v52 =	vld [tilespmem:s5+$0x160]  }
0x104: {  	[tilespmem:s5+$0x100] =	vst v39;
	v39 =	vadd.f32 v41, v53;
	v41 =	vld [tilespmem:s5+$0x170]  }
0x105: {  	[tilespmem:s5+$0x110] =	vst v40;
	v40 =	vadd.f32 v42, v54;
	v42 =	vld [tilespmem:s5+$0x500]  }
0x106: {  	[tilespmem:s5+$0x120] =	vst v39;
	v39 =	vadd.f32 v43, v55;
	v43 =	vld [tilespmem:s5+$0x510]  }
0x107: {  	[tilespmem:s5+$0x130] =	vst v40;
	v40 =	vadd.f32 v44, v51;
	v44 =	vld [tilespmem:s5+$0x520]  }
0x108: {  	[tilespmem:s5+$0x140] =	vst v39;
	v39 =	vadd.f32 v45, v52;
	v45 =	vld [tilespmem:s5+$0x530]  }
0x109: {  	[tilespmem:s5+$0x150] =	vst v40;
	v40 =	vadd.f32 v46, v41;
	v41 =	vld [tilespmem:s5+$0x540]  }
0x10a: {  	[tilespmem:s5+$0x160] =	vst v39;
	v39 =	vadd.f32 v47, v42;
	v42 =	vld [tilespmem:s5+$0x550]  }
0x10b: {  	[tilespmem:s5+$0x170] =	vst v40;
	v40 =	vadd.f32 v48, v43;
	v43 =	vld [tilespmem:s5+$0x560]  }
0x10c: {  	[tilespmem:s5+$0x500] =	vst v39;
	v39 =	vadd.f32 v49, v44;
	v44 =	vld [tilespmem:s5+$0x570]  }
0x10d: {  	[tilespmem:s5+$0x510] =	vst v40;
	v40 =	vadd.f32 v50, v45;
	v45 =	vld [tilespmem:s5+$0x900]  }
0x10e: {  	[tilespmem:s5+$0x520] =	vst v39;
	v38 =	vadd.f32 v38, v41;
	v39 =	vld [tilespmem:s5+$0x910]  }
0x10f: {  	[tilespmem:s5+$0x530] =	vst v40;
	v37 =	vadd.f32 v37, v42;
	v40 =	vld [tilespmem:s5+$0x920]  }
0x110: {  	[tilespmem:s5+$0x540] =	vst v38;
	v36 =	vadd.f32 v36, v43;
	v38 =	vld [tilespmem:s5+$0x930]  }
0x111: {  	[tilespmem:s5+$0x550] =	vst v37;
	v35 =	vadd.f32 v35, v44;
	v37 =	vld [tilespmem:s5+$0x940]  }
0x112: {  	[tilespmem:s5+$0x560] =	vst v36;
	v34 =	vadd.f32 v34, v45;
	v36 =	vld [tilespmem:s5+$0x950]  }
0x113: {  	[tilespmem:s5+$0x570] =	vst v35;
	v33 =	vadd.f32 v33, v39;
	v35 =	vld [tilespmem:s5+$0x960]  }
0x114: {  	[tilespmem:s5+$0x900] =	vst v34;
	v32 =	vadd.f32 v32, v40;
	v34 =	vld [tilespmem:s5+$0x970]  }
0x115: {  	[tilespmem:s5+$0x910] =	vst v33;
	v31 =	vadd.f32 v31, v38;
	v33 =	vld [tilespmem:s5+$0xD00]  }
0x116: {  	[tilespmem:s5+$0x920] =	vst v32;
	v30 =	vadd.f32 v30, v37;
	v32 =	vld [tilespmem:s5+$0xD10]  }
0x117: {  	[tilespmem:s5+$0x930] =	vst v31;
	v29 =	vadd.f32 v29, v36;
	v31 =	vld [tilespmem:s5+$0xD20]  }
0x118: {  	[tilespmem:s5+$0x940] =	vst v30;
	v28 =	vadd.f32 v28, v35;
	v30 =	vld [tilespmem:s5+$0xD30]  }
0x119: {  	[tilespmem:s5+$0x950] =	vst v29;
	v27 =	vadd.f32 v27, v34;
	v29 =	vld [tilespmem:s5+$0xD40]  }
0x11a: {  	[tilespmem:s5+$0x960] =	vst v28;
	v26 =	vadd.f32 v26, v33;
	v28 =	vld [tilespmem:s5+$0xD50]  }
0x11b: {  	[tilespmem:s5+$0x970] =	vst v27;
	v25 =	vadd.f32 v25, v32;
	v27 =	vld [tilespmem:s5+$0xD60]  }
0x11c: {  	[tilespmem:s5+$0xD00] =	vst v26;
	v24 =	vadd.f32 v24, v31;
	v26 =	vld [tilespmem:s5+$0xD70]  }
0x11d: {  	[tilespmem:s5+$0xD10] =	vst v25;
	v23 =	vadd.f32 v23, v30;
	v25 =	vld [tilespmem:s5+$0x1100]  }
0x11e: {  	[tilespmem:s5+$0xD20] =	vst v24;
	v22 =	vadd.f32 v22, v29;
	v24 =	vld [tilespmem:s5+$0x1110]  }
0x11f: {  	[tilespmem:s5+$0xD30] =	vst v23;
	v21 =	vadd.f32 v21, v28;
	v23 =	vld [tilespmem:s5+$0x1120]  }
0x120: {  	[tilespmem:s5+$0xD40] =	vst v22;
	v20 =	vadd.f32 v20, v27;
	v22 =	vld [tilespmem:s5+$0x1130]  }
0x121: {  	[tilespmem:s5+$0xD50] =	vst v21;
	v19 =	vadd.f32 v19, v26;
	v21 =	vld [tilespmem:s5+$0x1140]  }
0x122: {  	[tilespmem:s5+$0xD60] =	vst v20;
	v18 =	vadd.f32 v18, v25;
	v20 =	vld [tilespmem:s5+$0x1150]  }
0x123: {  	[tilespmem:s5+$0xD70] =	vst v19;
	v17 =	vadd.f32 v17, v24;
	v19 =	vld [tilespmem:s5+$0x1160]  }
.Ltmp0:
0x124: {  	[tilespmem:s5+$0x1100] =	vst v18;
	v18 =	vadd.f32 v16, v23;
	v16 =	vld [tilespmem:s5+$0x1170];
	(pc) =	sbr.rel @p0 .LBB2_2-.Ltmp0, $4  }
0x125: {  	[tilespmem:s5+$0x1110] =	vst v17;
	v17 =	vadd.f32 v15, v22;
	v15 =	vld [tilespmem:s5+$0x1500]  }
0x126: {  	[tilespmem:s5+$0x1120] =	vst v18;
	v21 =	vadd.f32 v14, v21;
	v14 =	vld [tilespmem:s5+$0x1510]  }
0x127: {  	[tilespmem:s5+$0x1130] =	vst v17;
	v18 =	vadd.f32 v13, v20;
	v13 =	vld [tilespmem:s5+$0x1520]  }
0x128: {  	s23 =	sadd.s32 $0x1, s23;
	[tilespmem:s5+$0x1140] =	vst v21;
	v17 =	vadd.f32 v12, v19;
	v12 =	vld [tilespmem:s5+$0x1530]  }
0x129: {  	[tilespmem:s5+$0x1150] =	vst v18;
	v18 =	vld [tilespmem:s5+$0x1540];
	v11 =	vadd.f32 v11, v16  }
0x12a: {  	v16 =	vld [tilespmem:s5+$0x1550];
	[tilespmem:s5+$0x1160] =	vst v17;
	v10 =	vadd.f32 v10, v15  }
0x12b: {  	[tilespmem:s5+$0x1170] =	vst v11;
	v9 =	vadd.f32 v9, v14;
	v11 =	vld [tilespmem:s5+$0x1560]  }
0x12c: {  	[tilespmem:s5+$0x1500] =	vst v10;
	v8 =	vadd.f32 v8, v13;
	v10 =	vld [tilespmem:s5+$0x1570]  }
0x12d: {  	[tilespmem:s5+$0x1510] =	vst v9;
	v7 =	vadd.f32 v7, v12  }
0x12e: {  	[tilespmem:s5+$0x1520] =	vst v8;
	v6 =	vadd.f32 v6, v18  }
0x12f: {  	v5 =	vadd.f32 v5, v16;
	[tilespmem:s5+$0x1530] =	vst v7  }
0x130: {  	[tilespmem:s5+$0x1540] =	vst v6;
	v4 =	vadd.f32 v4, v11  }
0x131: {  	[tilespmem:s5+$0x1550] =	vst v5;
	v3 =	vadd.f32 v3, v10  }
0x132: {  	[tilespmem:s5+$0x1560] =	vst v4  }
0x133: {  	[tilespmem:s5+$0x1570] =	vst v3;
	s5 =	simm.s32 $0x0  }
0x134: {  	[hbm4b:s8+s5] =	stream.linear.scatter [tilespmem:s15], [sflag:$0x3], $0x6000, $0x38;
	[tilespmem:$0xC100] =	vst v63  }
0x135: {  	_ =	swait.ge [sflag:s13], $0x6000  }
0x136: {  	[sflag:s13] =	ssyncset.done $0x0  }
0x137: {  	[sflag:s13] =	ssyncadd.s32 $0xFFFFA000  }
0x138: {  	[tilespmem:s5], [sflag:$0x3] =	stream.linear.gather [hbm4b:s9+s5], $0x20, $0x38;
	[tilespmem:$0xC100] =	vst v63  }
0x139: {  	_ =	swait.ge [sflag:s13], $0x20  }
0x13a: {  	[sflag:s13] =	ssyncset.done $0x0  }
0x13b: {  	s23 =	simm.s32 $0x80;
	[sflag:s13] =	ssyncadd.s32 $0xFFFFFFE0  }
0x13c: {  	[tilespmem:s23], [sflag:$0x3] =	stream.linear.gather [hbm4b:s10+s5], $0x20, $0x38;
	[tilespmem:$0xC100] =	vst v63  }
0x13d: {  	_ =	swait.ge [sflag:s13], $0x20  }
0x13e: {  	[sflag:s13] =	ssyncset.done $0x0  }
0x13f: {  	[sflag:s13] =	ssyncadd.s32 $0xFFFFFFE0  }
0x140: {  	v3 =	vld [tilespmem:$0x0];
	_ =	sdelay $0x4  }
0x141: {  	v4 =	vshrl.u32 v3, $0x3  }
0x142: {  	v4 =	vmul.u32 $0x30, v4  }
0x143: {  	v3 =	vand.u32 $0x7, v3  }
0x144: {  	v3 =	vor.u32 v3, v4  }
0x145: {  	v4 =	vperm.xlane v3, v0;
	_ =	sdelay $0x1  }
0x146: {  	v4 =	vadd.s32 v1, v4;
	_ =	sdelay $0x3  }
0x147: {  	v3 =	vperm.xlane v3, v2  }
0x148: {  	[tilespmem:s15], [sflag:$0x1] =	stream.indirect_vreg.gather [hbm4b:s3+s5], $0x80, v4, vm0, $0xb8;
	[tilespmem:$0xC100] =	vst v63  }
0x149: {  	s24 =	simm.s32 $0x900;
	v3 =	vadd.s32 v1, v3  }
0x14a: {  	[tilespmem:s24], [sflag:$0x1] =	stream.indirect_vreg.gather [hbm4b:s6+s5], $0x80, v4, vm0, $0xb8;
	[tilespmem:$0xC100] =	vst v63  }
0x14b: {  	s25 =	simm.s32 $0x1100  }
0x14c: {  	[tilespmem:s25], [sflag:$0x1] =	stream.indirect_vreg.gather [hbm4b:s7+s5], $0x80, v4, vm0, $0xb8;
	[tilespmem:$0xC100] =	vst v63  }
0x14d: {  	s26 =	simm.s32 $0x1900  }
0x14e: {  	[tilespmem:s26], [sflag:$0x1] =	stream.indirect_vreg.gather [hbm4b:s3+s5], $0x80, v3, vm0, $0xb8;
	[tilespmem:$0xC100] =	vst v63  }
0x14f: {  	s24 =	simm.s32 $0x2100  }
0x150: {  	[tilespmem:s24], [sflag:$0x1] =	stream.indirect_vreg.gather [hbm4b:s6+s5], $0x80, v3, vm0, $0xb8;
	[tilespmem:$0xC100] =	vst v63  }
0x151: {  	s25 =	simm.s32 $0x2900  }
0x152: {  	[tilespmem:s25], [sflag:$0x1] =	stream.indirect_vreg.gather [hbm4b:s7+s5], $0x80, v3, vm0, $0xb8;
	[tilespmem:$0xC100] =	vst v63  }
0x153: {  	v3 =	vld [tilespmem:$0x10];
	_ =	sdelay $0x4  }
0x154: {  	v4 =	vshrl.u32 v3, $0x3  }
0x155: {  	v4 =	vmul.u32 $0x30, v4  }
0x156: {  	v3 =	vand.u32 $0x7, v3  }
0x157: {  	v3 =	vor.u32 v3, v4  }
0x158: {  	v4 =	vperm.xlane v3, v0;
	_ =	sdelay $0x1  }
0x159: {  	v4 =	vadd.s32 v1, v4;
	_ =	sdelay $0x3  }
0x15a: {  	s26 =	simm.s32 $0x3100;
	v3 =	vperm.xlane v3, v2  }
0x15b: {  	[tilespmem:s26], [sflag:$0x1] =	stream.indirect_vreg.gather [hbm4b:s3+s5], $0x80, v4, vm0, $0xb8;
	[tilespmem:$0xC100] =	vst v63  }
0x15c: {  	s24 =	simm.s32 $0x3900;
	v3 =	vadd.s32 v1, v3  }
0x15d: {  	[tilespmem:s24], [sflag:$0x1] =	stream.indirect_vreg.gather [hbm4b:s6+s5], $0x80, v4, vm0, $0xb8;
	[tilespmem:$0xC100] =	vst v63  }
0x15e: {  	s25 =	simm.s32 $0x4100  }
0x15f: {  	[tilespmem:s25], [sflag:$0x1] =	stream.indirect_vreg.gather [hbm4b:s7+s5], $0x80, v4, vm0, $0xb8;
	[tilespmem:$0xC100] =	vst v63  }
0x160: {  	s26 =	simm.s32 $0x4900  }
0x161: {  	[tilespmem:s26], [sflag:$0x1] =	stream.indirect_vreg.gather [hbm4b:s3+s5], $0x80, v3, vm0, $0xb8;
	[tilespmem:$0xC100] =	vst v63  }
0x162: {  	s24 =	simm.s32 $0x5100  }
0x163: {  	[tilespmem:s24], [sflag:$0x1] =	stream.indirect_vreg.gather [hbm4b:s6+s5], $0x80, v3, vm0, $0xb8;
	[tilespmem:$0xC100] =	vst v63  }
0x164: {  	s25 =	simm.s32 $0x5900  }
0x165: {  	[tilespmem:s25], [sflag:$0x1] =	stream.indirect_vreg.gather [hbm4b:s7+s5], $0x80, v3, vm0, $0xb8;
	[tilespmem:$0xC100] =	vst v63  }
0x166: {  	v3 =	vld [tilespmem:$0x80];
	_ =	sdelay $0x4  }
0x167: {  	v4 =	vshrl.u32 v3, $0x3  }
0x168: {  	v4 =	vmul.u32 $0x30, v4  }
0x169: {  	v3 =	vand.u32 $0x7, v3  }
0x16a: {  	v3 =	vor.u32 v3, v4  }
0x16b: {  	v4 =	vperm.xlane v3, v0;
	_ =	sdelay $0x1  }
0x16c: {  	v4 =	vadd.s32 v1, v4;
	_ =	sdelay $0x3  }
0x16d: {  	v3 =	vperm.xlane v3, v2  }
0x16e: {  	[tilespmem:s28], [sflag:$0x2] =	stream.indirect_vreg.gather [hbm4b:s3+s5], $0x80, v4, vm0, $0xb8;
	[tilespmem:$0xC100] =	vst v63  }
0x16f: {  	v3 =	vadd.s32 v1, v3  }
0x170: {  	[tilespmem:s29], [sflag:$0x2] =	stream.indirect_vreg.gather [hbm4b:s6+s5], $0x80, v4, vm0, $0xb8;
	[tilespmem:$0xC100] =	vst v63  }
0x171: {  	_ = 	snop  }
0x172: {  	[tilespmem:s30], [sflag:$0x2] =	stream.indirect_vreg.gather [hbm4b:s7+s5], $0x80, v4, vm0, $0xb8;
	[tilespmem:$0xC100] =	vst v63  }
0x173: {  	_ = 	snop  }
0x174: {  	[tilespmem:s31], [sflag:$0x2] =	stream.indirect_vreg.gather [hbm4b:s3+s5], $0x80, v3, vm0, $0xb8;
	[tilespmem:$0xC100] =	vst v63  }
0x175: {  	_ = 	snop  }
0x176: {  	[tilespmem:s0], [sflag:$0x2] =	stream.indirect_vreg.gather [hbm4b:s6+s5], $0x80, v3, vm0, $0xb8;
	[tilespmem:$0xC100] =	vst v63  }
0x177: {  	_ = 	snop  }
0x178: {  	[tilespmem:s2], [sflag:$0x2] =	stream.indirect_vreg.gather [hbm4b:s7+s5], $0x80, v3, vm0, $0xb8;
	[tilespmem:$0xC100] =	vst v63  }
0x179: {  	v3 =	vld [tilespmem:$0x90];
	_ =	sdelay $0x4  }
0x17a: {  	v4 =	vshrl.u32 v3, $0x3  }
0x17b: {  	v4 =	vmul.u32 $0x30, v4  }
0x17c: {  	v3 =	vand.u32 $0x7, v3  }
0x17d: {  	v3 =	vor.u32 v3, v4  }
0x17e: {  	v4 =	vperm.xlane v3, v0;
	_ =	sdelay $0x1  }
0x17f: {  	v4 =	vadd.s32 v1, v4;
	_ =	sdelay $0x3  }
0x180: {  	v3 =	vperm.xlane v3, v2  }
0x181: {  	[tilespmem:s14], [sflag:$0x2] =	stream.indirect_vreg.gather [hbm4b:s3+s5], $0x80, v4, vm0, $0xb8;
	[tilespmem:$0xC100] =	vst v63  }
0x182: {  	v3 =	vadd.s32 v1, v3  }
0x183: {  	[tilespmem:s16], [sflag:$0x2] =	stream.indirect_vreg.gather [hbm4b:s6+s5], $0x80, v4, vm0, $0xb8;
	[tilespmem:$0xC100] =	vst v63  }
0x184: {  	_ = 	snop  }
0x185: {  	[tilespmem:s17], [sflag:$0x2] =	stream.indirect_vreg.gather [hbm4b:s7+s5], $0x80, v4, vm0, $0xb8;
	[tilespmem:$0xC100] =	vst v63  }
0x186: {  	_ = 	snop  }
0x187: {  	[tilespmem:s18], [sflag:$0x2] =	stream.indirect_vreg.gather [hbm4b:s3+s5], $0x80, v3, vm0, $0xb8;
	[tilespmem:$0xC100] =	vst v63  }
0x188: {  	_ = 	snop  }
0x189: {  	[tilespmem:s19], [sflag:$0x2] =	stream.indirect_vreg.gather [hbm4b:s6+s5], $0x80, v3, vm0, $0xb8;
	[tilespmem:$0xC100] =	vst v63  }
0x18a: {  	_ = 	snop  }
0x18b: {  	[tilespmem:s20], [sflag:$0x2] =	stream.indirect_vreg.gather [hbm4b:s7+s5], $0x80, v3, vm0, $0xb8;
	[tilespmem:$0xC100] =	vst v63  }
0x18c: {  	_ =	swait.ge [sflag:s21], $0x6000  }
0x18d: {  	[sflag:s21] =	ssyncset.done $0x0  }
0x18e: {  	s26 =	simm.s32 $0x0;
	[sflag:s21] =	ssyncadd.s32 $0xFFFFA000  }
0x18f: {  	s23 =	smul.u32 $0x1800, s26;
	_ =	swait.ge [sflag:s4], $0x6000  }
0x190: {  	s24 =	sand.u32 $0x380, s5;
	[sflag:s4] =	ssyncset.done $0x0  }
0x191: {  	s23 =	sor.u32 s24, s23;
	[sflag:s4] =	ssyncadd.s32 $0xFFFFA000  }
0x192: {  	v12 =	vld [tilespmem:s23+$0x6100]  }
0x193: {  	v13 =	vld [tilespmem:s23+$0x6110]  }
0x194: {  	v14 =	vld [tilespmem:s23+$0x6120]  }
0x195: {  	v15 =	vld [tilespmem:s23+$0x6130]  }
0x196: {  	v16 =	vld [tilespmem:s23+$0x6140]  }
0x197: {  	v17 =	vld [tilespmem:s23+$0x6150]  }
0x198: {  	v18 =	vld [tilespmem:s23+$0x6160]  }
0x199: {  	v19 =	vld [tilespmem:s23+$0x6170]  }
0x19a: {  	v20 =	vld [tilespmem:s23+$0x6500]  }
0x19b: {  	v21 =	vld [tilespmem:s23+$0x6510]  }
0x19c: {  	v22 =	vld [tilespmem:s23+$0x6520]  }
0x19d: {  	v23 =	vld [tilespmem:s23+$0x6530]  }
0x19e: {  	v24 =	vld [tilespmem:s23+$0x6540]  }
0x19f: {  	v25 =	vld [tilespmem:s23+$0x6550]  }
0x1a0: {  	v26 =	vld [tilespmem:s23+$0x6560]  }
0x1a1: {  	v27 =	vld [tilespmem:s23+$0x6570]  }
0x1a2: {  	v28 =	vld [tilespmem:s23+$0x6900]  }
0x1a3: {  	v29 =	vld [tilespmem:s23+$0x6910]  }
0x1a4: {  	v30 =	vld [tilespmem:s23+$0x6920]  }
0x1a5: {  	v31 =	vld [tilespmem:s23+$0x6930]  }
0x1a6: {  	v32 =	vld [tilespmem:s23+$0x6940]  }
0x1a7: {  	v33 =	vld [tilespmem:s23+$0x6950]  }
0x1a8: {  	v34 =	vld [tilespmem:s23+$0x6960]  }
0x1a9: {  	v35 =	vld [tilespmem:s23+$0x6970]  }
0x1aa: {  	v36 =	vld [tilespmem:s23+$0x6D00]  }
0x1ab: {  	v37 =	vld [tilespmem:s23+$0x6D10]  }
0x1ac: {  	v38 =	vld [tilespmem:s23+$0x6D20]  }
0x1ad: {  	v39 =	vld [tilespmem:s23+$0x6D30]  }
0x1ae: {  	v40 =	vld [tilespmem:s23+$0x6D40]  }
0x1af: {  	v41 =	vld [tilespmem:s23+$0x6D50]  }
0x1b0: {  	v42 =	vld [tilespmem:s23+$0x6D60]  }
0x1b1: {  	v43 =	vld [tilespmem:s23+$0x6D70]  }
0x1b2: {  	v44 =	vld [tilespmem:s23+$0x7100]  }
0x1b3: {  	v45 =	vld [tilespmem:s23+$0x7110]  }
0x1b4: {  	v46 =	vld [tilespmem:s23+$0x7120]  }
0x1b5: {  	v47 =	vld [tilespmem:s23+$0x7130]  }
0x1b6: {  	v48 =	vld [tilespmem:s23+$0x7140]  }
0x1b7: {  	v49 =	vld [tilespmem:s23+$0x7150]  }
0x1b8: {  	v50 =	vld [tilespmem:s23+$0x7160]  }
0x1b9: {  	v11 =	vld [tilespmem:s23+$0x7170]  }
0x1ba: {  	v10 =	vld [tilespmem:s23+$0x7500]  }
0x1bb: {  	v9 =	vld [tilespmem:s23+$0x7510]  }
0x1bc: {  	v8 =	vld [tilespmem:s23+$0x7520]  }
0x1bd: {  	v7 =	vld [tilespmem:s23+$0x7530]  }
0x1be: {  	v6 =	vld [tilespmem:s23+$0x7540]  }
0x1bf: {  	v51 =	vld [tilespmem:s23+$0x100]  }
0x1c0: {  	v52 =	vld [tilespmem:s23+$0x110]  }
0x1c1: {  	v53 =	vld [tilespmem:s23+$0x120]  }
0x1c2: {  	v54 =	vld [tilespmem:s23+$0x130]  }
0x1c3: {  	v55 =	vld [tilespmem:s23+$0x140]  }
0x1c4: {  	v62 =	vld [tilespmem:s23+$0x150];
	v12 =	vadd.f32 v12, v51  }
0x1c5: {  	v63 =	vld [tilespmem:s23+$0x160];
	v13 =	vadd.f32 v13, v52  }
0x1c6: {  	[tilespmem:s23+$0x100] =	vst v12;
	v12 =	vadd.f32 v14, v53;
	v14 =	vld [tilespmem:s23+$0x170]  }
0x1c7: {  	[tilespmem:s23+$0x110] =	vst v13;
	v13 =	vadd.f32 v15, v54;
	v15 =	vld [tilespmem:s23+$0x500]  }
0x1c8: {  	[tilespmem:s23+$0x120] =	vst v12;
	v12 =	vadd.f32 v16, v55;
	v16 =	vld [tilespmem:s23+$0x510]  }
0x1c9: {  	[tilespmem:s23+$0x130] =	vst v13;
	v13 =	vadd.f32 v17, v62;
	v17 =	vld [tilespmem:s23+$0x520]  }
0x1ca: {  	v5 =	vld [tilespmem:s23+$0x7550]  }
0x1cb: {  	[tilespmem:s23+$0x140] =	vst v12;
	v12 =	vadd.f32 v18, v63;
	v18 =	vld [tilespmem:s23+$0x570]  }
0x1cc: {  	[tilespmem:s23+$0x150] =	vst v13;
	v13 =	vadd.f32 v19, v14;
	v14 =	vld [tilespmem:s23+$0x530]  }
0x1cd: {  	[tilespmem:s23+$0x160] =	vst v12;
	v12 =	vadd.f32 v20, v15;
	v15 =	vld [tilespmem:s23+$0x540]  }
0x1ce: {  	[tilespmem:s23+$0x170] =	vst v13;
	v13 =	vadd.f32 v21, v16;
	v16 =	vadd.f32 v22, v17;
	v17 =	vld [tilespmem:s23+$0x560]  }
0x1cf: {  	[tilespmem:s23+$0x500] =	vst v12;
	v12 =	vld [tilespmem:s23+$0x550]  }
0x1d0: {  	[tilespmem:s23+$0x510] =	vst v13;
	v13 =	vld [tilespmem:s23+$0x900];
	v18 =	vadd.f32 v27, v18  }
0x1d1: {  	[tilespmem:s23+$0x520] =	vst v16;
	v16 =	vld [tilespmem:s23+$0x910];
	v14 =	vadd.f32 v23, v14  }
0x1d2: {  	v4 =	vld [tilespmem:s23+$0x7560];
	v15 =	vadd.f32 v24, v15;
	[tilespmem:s23+$0x570] =	vst v18  }
0x1d3: {  	[tilespmem:s23+$0x530] =	vst v14;
	v14 =	vld [tilespmem:s23+$0x920];
	v17 =	vadd.f32 v26, v17  }
0x1d4: {  	v12 =	vadd.f32 v25, v12;
	[tilespmem:s23+$0x540] =	vst v15;
	v15 =	vld [tilespmem:s23+$0x930]  }
0x1d5: {  	v18 =	vld [tilespmem:s23+$0x970];
	[tilespmem:s23+$0x560] =	vst v17;
	v13 =	vadd.f32 v28, v13  }
0x1d6: {  	v16 =	vadd.f32 v29, v16;
	[tilespmem:s23+$0x550] =	vst v12;
	v12 =	vld [tilespmem:s23+$0x940]  }
0x1d7: {  	v17 =	vld [tilespmem:s23+$0x950];
	[tilespmem:s23+$0x900] =	vst v13  }
0x1d8: {  	[tilespmem:s23+$0x910] =	vst v16;
	v16 =	vld [tilespmem:s23+$0x960];
	v13 =	vadd.f32 v30, v14  }
0x1d9: {  	v14 =	vld [tilespmem:s23+$0xD00];
	v15 =	vadd.f32 v31, v15  }
0x1da: {  	[tilespmem:s23+$0x920] =	vst v13;
	v13 =	vld [tilespmem:s23+$0xD10]  }
0x1db: {  	v12 =	vadd.f32 v32, v12;
	[tilespmem:s23+$0x930] =	vst v15;
	v15 =	vld [tilespmem:s23+$0xD20]  }
0x1dc: {  	v3 =	vld [tilespmem:s23+$0x7570];
	v17 =	vadd.f32 v33, v17  }
0x1dd: {  	v16 =	vadd.f32 v34, v16;
	[tilespmem:s23+$0x940] =	vst v12;
	v12 =	vld [tilespmem:s23+$0xD30]  }
0x1de: {  	[tilespmem:s23+$0x950] =	vst v17;
	v17 =	vld [tilespmem:s23+$0xD40];
	v14 =	vadd.f32 v36, v14  }
0x1df: {  	v18 =	vadd.f32 v35, v18;
	[tilespmem:s23+$0x960] =	vst v16;
	v16 =	vld [tilespmem:s23+$0xD50]  }
0x1e0: {  	v13 =	vadd.f32 v37, v13;
	[tilespmem:s23+$0xD00] =	vst v14;
	v14 =	vadd.f32 v38, v15;
	v15 =	vld [tilespmem:s23+$0xD60]  }
0x1e1: {  	[tilespmem:s23+$0x970] =	vst v18;
	v18 =	vld [tilespmem:s23+$0xD70]  }
0x1e2: {  	[tilespmem:s23+$0xD10] =	vst v13;
	v13 =	vld [tilespmem:s23+$0x1100];
	v12 =	vadd.f32 v39, v12  }
0x1e3: {  	v17 =	vadd.f32 v40, v17;
	[tilespmem:s23+$0xD20] =	vst v14;
	v14 =	vld [tilespmem:s23+$0x1110]  }
0x1e4: {  	v16 =	vadd.f32 v41, v16;
	[tilespmem:s23+$0xD30] =	vst v12;
	v12 =	vld [tilespmem:s23+$0x1120]  }
0x1e5: {  	[tilespmem:s23+$0xD40] =	vst v17;
	v17 =	vld [tilespmem:s23+$0x1130];
	v15 =	vadd.f32 v42, v15  }
0x1e6: {  	v19 =	vld [tilespmem:s23+$0x1140];
	[tilespmem:s23+$0xD50] =	vst v16;
	v16 =	vadd.f32 v43, v18  }
0x1e7: {  	v18 =	vld [tilespmem:s23+$0x1150];
	v13 =	vadd.f32 v44, v13;
	[tilespmem:s23+$0xD60] =	vst v15  }
0x1e8: {  	v20 =	vld [tilespmem:s23+$0x1160];
	[tilespmem:s23+$0xD70] =	vst v16;
	v14 =	vadd.f32 v45, v14  }
0x1e9: {  	v16 =	vld [tilespmem:s23+$0x1170];
	[tilespmem:s23+$0x1100] =	vst v13;
	v12 =	vadd.f32 v46, v12  }
0x1ea: {  	v15 =	vld [tilespmem:s23+$0x1500];
	v13 =	vadd.f32 v47, v17;
	[tilespmem:s23+$0x1110] =	vst v14  }
0x1eb: {  	v14 =	vld [tilespmem:s23+$0x1510];
	[tilespmem:s23+$0x1120] =	vst v12;
	v12 =	vadd.f32 v48, v19  }
0x1ec: {  	[tilespmem:s23+$0x1130] =	vst v13;
	v13 =	vld [tilespmem:s23+$0x1520];
	v18 =	vadd.f32 v49, v18  }
0x1ed: {  	s24 =	simm.s32 $0x1;
	v17 =	vadd.f32 v50, v20;
	[tilespmem:s23+$0x1140] =	vst v12;
	v12 =	vld [tilespmem:s23+$0x1530]  }
.LBB2_4:
0x1ee: {  	s25 =	sshrl.u32 s24, $0x3;
	p0 =	sne.s32 s24, $0x1F;
	[tilespmem:s23+$0x1150] =	vst v18;
	v11 =	vadd.f32 v11, v16;
	v16 =	vld [tilespmem:s23+$0x1540]  }
0x1ef: {  	s5 =	sadd.s32 $0x80, s5;
	s25 =	smul.u32 $0x1800, s25;
	[tilespmem:s23+$0x1160] =	vst v17;
	v10 =	vadd.f32 v10, v15;
	v15 =	vld [tilespmem:s23+$0x1550]  }
0x1f0: {  	s26 =	sand.u32 $0x380, s5;
	[tilespmem:s23+$0x1170] =	vst v11;
	v9 =	vadd.f32 v9, v14;
	v11 =	vld [tilespmem:s23+$0x1560]  }
0x1f1: {  	s25 =	sor.u32 s26, s25;
	[tilespmem:s23+$0x1500] =	vst v10;
	v8 =	vadd.f32 v8, v13;
	v10 =	vld [tilespmem:s23+$0x1570]  }
0x1f2: {  	v39 =	vld [tilespmem:s25+$0x6100];
	[tilespmem:s23+$0x1510] =	vst v9;
	v7 =	vadd.f32 v7, v12  }
0x1f3: {  	v40 =	vld [tilespmem:s25+$0x6110];
	[tilespmem:s23+$0x1520] =	vst v8;
	v6 =	vadd.f32 v6, v16  }
0x1f4: {  	v41 =	vld [tilespmem:s25+$0x6120];
	[tilespmem:s23+$0x1530] =	vst v7;
	v5 =	vadd.f32 v5, v15  }
0x1f5: {  	v42 =	vld [tilespmem:s25+$0x6130];
	[tilespmem:s23+$0x1540] =	vst v6;
	v4 =	vadd.f32 v4, v11  }
0x1f6: {  	v43 =	vld [tilespmem:s25+$0x6140];
	[tilespmem:s23+$0x1550] =	vst v5;
	v3 =	vadd.f32 v3, v10  }
0x1f7: {  	v44 =	vld [tilespmem:s25+$0x6150];
	[tilespmem:s23+$0x1560] =	vst v4  }
0x1f8: {  	v45 =	vld [tilespmem:s25+$0x6160];
	[tilespmem:s23+$0x1570] =	vst v3;
	s23 =	smov.u32 s25  }
0x1f9: {  	v46 =	vld [tilespmem:s23+$0x6170]  }
0x1fa: {  	v47 =	vld [tilespmem:s23+$0x6500]  }
0x1fb: {  	v48 =	vld [tilespmem:s23+$0x6510]  }
0x1fc: {  	v49 =	vld [tilespmem:s23+$0x6520]  }
0x1fd: {  	v50 =	vld [tilespmem:s23+$0x6530]  }
0x1fe: {  	v38 =	vld [tilespmem:s23+$0x6540]  }
0x1ff: {  	v37 =	vld [tilespmem:s23+$0x6550]  }
0x200: {  	v36 =	vld [tilespmem:s23+$0x6560]  }
0x201: {  	v35 =	vld [tilespmem:s23+$0x6570]  }
0x202: {  	v34 =	vld [tilespmem:s23+$0x6900]  }
0x203: {  	v33 =	vld [tilespmem:s23+$0x6910]  }
0x204: {  	v32 =	vld [tilespmem:s23+$0x6920]  }
0x205: {  	v31 =	vld [tilespmem:s23+$0x6930]  }
0x206: {  	v30 =	vld [tilespmem:s23+$0x6940]  }
0x207: {  	v29 =	vld [tilespmem:s23+$0x6950]  }
0x208: {  	v28 =	vld [tilespmem:s23+$0x6960]  }
0x209: {  	v27 =	vld [tilespmem:s23+$0x6970]  }
0x20a: {  	v26 =	vld [tilespmem:s23+$0x6D00]  }
0x20b: {  	v25 =	vld [tilespmem:s23+$0x6D10]  }
0x20c: {  	v24 =	vld [tilespmem:s23+$0x6D20]  }
0x20d: {  	v23 =	vld [tilespmem:s23+$0x6D30]  }
0x20e: {  	v22 =	vld [tilespmem:s23+$0x6D40]  }
0x20f: {  	v21 =	vld [tilespmem:s23+$0x6D50]  }
0x210: {  	v20 =	vld [tilespmem:s23+$0x6D60]  }
0x211: {  	v19 =	vld [tilespmem:s23+$0x6D70]  }
0x212: {  	v18 =	vld [tilespmem:s23+$0x7100]  }
0x213: {  	v17 =	vld [tilespmem:s23+$0x7110]  }
0x214: {  	v16 =	vld [tilespmem:s23+$0x7120]  }
0x215: {  	v15 =	vld [tilespmem:s23+$0x7130]  }
0x216: {  	v14 =	vld [tilespmem:s23+$0x7140]  }
0x217: {  	v13 =	vld [tilespmem:s23+$0x7150]  }
0x218: {  	v12 =	vld [tilespmem:s23+$0x7160]  }
0x219: {  	v11 =	vld [tilespmem:s23+$0x7170]  }
0x21a: {  	v10 =	vld [tilespmem:s23+$0x7500]  }
0x21b: {  	v9 =	vld [tilespmem:s23+$0x7510]  }
0x21c: {  	v8 =	vld [tilespmem:s23+$0x7520]  }
0x21d: {  	v7 =	vld [tilespmem:s23+$0x7530]  }
0x21e: {  	v6 =	vld [tilespmem:s23+$0x7540]  }
0x21f: {  	v5 =	vld [tilespmem:s23+$0x7550]  }
0x220: {  	v4 =	vld [tilespmem:s23+$0x7560]  }
0x221: {  	v3 =	vld [tilespmem:s23+$0x7570]  }
0x222: {  	v51 =	vld [tilespmem:s23+$0x100]  }
0x223: {  	v52 =	vld [tilespmem:s23+$0x110]  }
0x224: {  	v53 =	vld [tilespmem:s23+$0x120]  }
0x225: {  	v54 =	vld [tilespmem:s23+$0x130]  }
0x226: {  	v55 =	vld [tilespmem:s23+$0x140]  }
0x227: {  	v39 =	vadd.f32 v39, v51;
	v51 =	vld [tilespmem:s23+$0x150]  }
0x228: {  	v40 =	vadd.f32 v40, v52;
	v52 =	vld [tilespmem:s23+$0x160]  }
0x229: {  	[tilespmem:s23+$0x100] =	vst v39;
	v39 =	vadd.f32 v41, v53;
	v41 =	vld [tilespmem:s23+$0x170]  }
0x22a: {  	[tilespmem:s23+$0x110] =	vst v40;
	v40 =	vadd.f32 v42, v54;
	v42 =	vld [tilespmem:s23+$0x500]  }
0x22b: {  	[tilespmem:s23+$0x120] =	vst v39;
	v39 =	vadd.f32 v43, v55;
	v43 =	vld [tilespmem:s23+$0x510]  }
0x22c: {  	[tilespmem:s23+$0x130] =	vst v40;
	v40 =	vadd.f32 v44, v51;
	v44 =	vld [tilespmem:s23+$0x520]  }
0x22d: {  	[tilespmem:s23+$0x140] =	vst v39;
	v39 =	vadd.f32 v45, v52;
	v45 =	vld [tilespmem:s23+$0x530]  }
0x22e: {  	[tilespmem:s23+$0x150] =	vst v40;
	v40 =	vadd.f32 v46, v41;
	v41 =	vld [tilespmem:s23+$0x540]  }
0x22f: {  	[tilespmem:s23+$0x160] =	vst v39;
	v39 =	vadd.f32 v47, v42;
	v42 =	vld [tilespmem:s23+$0x550]  }
0x230: {  	[tilespmem:s23+$0x170] =	vst v40;
	v40 =	vadd.f32 v48, v43;
	v43 =	vld [tilespmem:s23+$0x560]  }
0x231: {  	[tilespmem:s23+$0x500] =	vst v39;
	v39 =	vadd.f32 v49, v44;
	v44 =	vld [tilespmem:s23+$0x570]  }
0x232: {  	[tilespmem:s23+$0x510] =	vst v40;
	v40 =	vadd.f32 v50, v45;
	v45 =	vld [tilespmem:s23+$0x900]  }
0x233: {  	[tilespmem:s23+$0x520] =	vst v39;
	v38 =	vadd.f32 v38, v41;
	v39 =	vld [tilespmem:s23+$0x910]  }
0x234: {  	[tilespmem:s23+$0x530] =	vst v40;
	v37 =	vadd.f32 v37, v42;
	v40 =	vld [tilespmem:s23+$0x920]  }
0x235: {  	[tilespmem:s23+$0x540] =	vst v38;
	v36 =	vadd.f32 v36, v43;
	v38 =	vld [tilespmem:s23+$0x930]  }
0x236: {  	[tilespmem:s23+$0x550] =	vst v37;
	v35 =	vadd.f32 v35, v44;
	v37 =	vld [tilespmem:s23+$0x940]  }
0x237: {  	[tilespmem:s23+$0x560] =	vst v36;
	v34 =	vadd.f32 v34, v45;
	v36 =	vld [tilespmem:s23+$0x950]  }
0x238: {  	[tilespmem:s23+$0x570] =	vst v35;
	v33 =	vadd.f32 v33, v39;
	v35 =	vld [tilespmem:s23+$0x960]  }
0x239: {  	[tilespmem:s23+$0x900] =	vst v34;
	v32 =	vadd.f32 v32, v40;
	v34 =	vld [tilespmem:s23+$0x970]  }
0x23a: {  	[tilespmem:s23+$0x910] =	vst v33;
	v31 =	vadd.f32 v31, v38;
	v33 =	vld [tilespmem:s23+$0xD00]  }
0x23b: {  	[tilespmem:s23+$0x920] =	vst v32;
	v30 =	vadd.f32 v30, v37;
	v32 =	vld [tilespmem:s23+$0xD10]  }
0x23c: {  	[tilespmem:s23+$0x930] =	vst v31;
	v29 =	vadd.f32 v29, v36;
	v31 =	vld [tilespmem:s23+$0xD20]  }
0x23d: {  	[tilespmem:s23+$0x940] =	vst v30;
	v28 =	vadd.f32 v28, v35;
	v30 =	vld [tilespmem:s23+$0xD30]  }
0x23e: {  	[tilespmem:s23+$0x950] =	vst v29;
	v27 =	vadd.f32 v27, v34;
	v29 =	vld [tilespmem:s23+$0xD40]  }
0x23f: {  	[tilespmem:s23+$0x960] =	vst v28;
	v26 =	vadd.f32 v26, v33;
	v28 =	vld [tilespmem:s23+$0xD50]  }
0x240: {  	[tilespmem:s23+$0x970] =	vst v27;
	v25 =	vadd.f32 v25, v32;
	v27 =	vld [tilespmem:s23+$0xD60]  }
0x241: {  	[tilespmem:s23+$0xD00] =	vst v26;
	v24 =	vadd.f32 v24, v31;
	v26 =	vld [tilespmem:s23+$0xD70]  }
0x242: {  	[tilespmem:s23+$0xD10] =	vst v25;
	v23 =	vadd.f32 v23, v30;
	v25 =	vld [tilespmem:s23+$0x1100]  }
0x243: {  	[tilespmem:s23+$0xD20] =	vst v24;
	v22 =	vadd.f32 v22, v29;
	v24 =	vld [tilespmem:s23+$0x1110]  }
0x244: {  	[tilespmem:s23+$0xD30] =	vst v23;
	v21 =	vadd.f32 v21, v28;
	v23 =	vld [tilespmem:s23+$0x1120]  }
0x245: {  	[tilespmem:s23+$0xD40] =	vst v22;
	v20 =	vadd.f32 v20, v27;
	v22 =	vld [tilespmem:s23+$0x1130]  }
0x246: {  	[tilespmem:s23+$0xD50] =	vst v21;
	v19 =	vadd.f32 v19, v26;
	v21 =	vld [tilespmem:s23+$0x1140]  }
0x247: {  	[tilespmem:s23+$0xD60] =	vst v20;
	v18 =	vadd.f32 v18, v25;
	v20 =	vld [tilespmem:s23+$0x1150]  }
0x248: {  	[tilespmem:s23+$0xD70] =	vst v19;
	v17 =	vadd.f32 v17, v24;
	v19 =	vld [tilespmem:s23+$0x1160]  }
.Ltmp1:
0x249: {  	[tilespmem:s23+$0x1100] =	vst v18;
	v18 =	vadd.f32 v16, v23;
	v16 =	vld [tilespmem:s23+$0x1170];
	(pc) =	sbr.rel @p0 .LBB2_4-.Ltmp1, $4  }
0x24a: {  	[tilespmem:s23+$0x1110] =	vst v17;
	v17 =	vadd.f32 v15, v22;
	v15 =	vld [tilespmem:s23+$0x1500]  }
0x24b: {  	[tilespmem:s23+$0x1120] =	vst v18;
	v21 =	vadd.f32 v14, v21;
	v14 =	vld [tilespmem:s23+$0x1510]  }
0x24c: {  	[tilespmem:s23+$0x1130] =	vst v17;
	v18 =	vadd.f32 v13, v20;
	v13 =	vld [tilespmem:s23+$0x1520]  }
0x24d: {  	s24 =	sadd.s32 $0x1, s24;
	[tilespmem:s23+$0x1140] =	vst v21;
	v17 =	vadd.f32 v12, v19;
	v12 =	vld [tilespmem:s23+$0x1530]  }
0x24e: {  	[tilespmem:s23+$0x1150] =	vst v18;
	v60 =	vld [tilespmem:s23+$0x1540];
	v11 =	vadd.f32 v11, v16  }
0x24f: {  	v61 =	vld [tilespmem:s23+$0x1550];
	[tilespmem:s23+$0x1160] =	vst v17;
	v10 =	vadd.f32 v10, v15  }
0x250: {  	v62 =	vld [tilespmem:s23+$0x1560];
	[tilespmem:s23+$0x1170] =	vst v11;
	v9 =	vadd.f32 v9, v14  }
0x251: {  	v63 =	vld [tilespmem:s23+$0x1570];
	[tilespmem:s23+$0x1500] =	vst v10;
	v8 =	vadd.f32 v8, v13  }
0x252: {  	[tilespmem:s23+$0x1510] =	vst v9;
	v7 =	vadd.f32 v7, v12  }
0x253: {  	[tilespmem:s23+$0x1520] =	vst v8;
	v6 =	vadd.f32 v6, v60  }
0x254: {  	v5 =	vadd.f32 v5, v61;
	[tilespmem:s23+$0x1530] =	vst v7  }
0x255: {  	v4 =	vadd.f32 v4, v62;
	[tilespmem:s23+$0x1540] =	vst v6  }
0x256: {  	s22 =	sadd.s32 $0x1, s22;
	v3 =	vadd.f32 v3, v63;
	[tilespmem:s23+$0x1550] =	vst v5  }
0x257: {  	p0 =	sne.s32 s22, s12;
	[tilespmem:s23+$0x1560] =	vst v4  }
.Ltmp2:
0x258: {  	[tilespmem:s23+$0x1570] =	vst v3;
	(pc) =	sbr.rel @p0 .LBB2_1-.Ltmp2, $4  }
0x259: {  	[hbm4b:s11+s1] =	stream.linear.scatter [tilespmem:s15], [sflag:$0x3], $0x6000, $0x38;
	[tilespmem:$0xC100] =	vst v63  }
0x25a: {  	_ =	swait.ge [sflag:s13], $0x6000  }
0x25b: {  	[sflag:s13] =	ssyncset.done $0x0  }
0x25c: {  	[sflag:s13] =	ssyncadd.s32 $0xFFFFA000  }
0x25d: {  	_ =	sfence.sel $0x180000  }
0x25e: {  	[bflag:$0x0] =	sbarrier.arrive $0xFFFF  }
0x25f: {  	_ =	strace $0x9000004A  }
0x260: {  	s0 =	stileid.u32;
	[bflag:$0x2] =	sbarrier.arrive $0xFFFF  }
0x261: {  	p0 =	sne.s32 s0, $0x0;
	s0 =	rddreg [dreg:$0x2]  }
0x262: {  	s0 =	sadd.s32 @!p0 $0x100000, s0  }
0x263: {  	[sflag:s0] =	ssyncadd.tile.s32 @!p0 $0x1;
	_ =	shalt  }
.Lfunc_end2:
_tile_overlayer_lowered:
.L_overlay_start_2:
0x264: {  	(tag) =	ssettag $0x2  }
0x265: {  	s0 =	rddreg [dreg:$0x0];
	s2 =	stileid.u32  }
0x266: {  	s1 =	rddreg [dreg:$0x1];
	p0 =	sne.s32 s2, $0x0  }
0x267: {  	s3 =	rddreg [dreg:$0x2];
	[bflag:$0x3] =	sbarrier.arrive $0xFFFF;
	s2 =	simm.s32 @!p0 $0x1C03  }
0x268: {  	[timem:s3], [sflag:s2] =	dma.local @!p0 [hbm:s0], s1  }
0x269: {  	s0 =	simm.s32 @!p0 $0x3  }
0x26a: {  	_ =	swait.ge @!p0 [sflag:s0], s1  }
0x26b: {  	s1 =	ssub.s32 @!p0 $0x0, s1;
	[sflag:s0] =	ssyncset.done @!p0 $0x0  }
0x26c: {  	[sflag:s0] =	ssyncadd.s32 @!p0 s1  }
0x26d: {  	[bflag:$0x3] =	sbarrier.arrive $0xFFFF  }
0x26e: {  	_ =	shalt  }

</sc_bundles>
